<compile_context>
chip_gen: v7x
topology: tpu7x:2x2x1
jax: 0.10.2.dev20260603
libtpu: 0.0.44.dev20260713+nightly
codegen_flags: <defaults>
</compile_context>

<pallas_src>
import jax
import jax.numpy as jnp
from jax import lax
from jax.experimental import pallas as pl
from jax.experimental.pallas import tpu as pltpu
from jax.experimental.pallas import tpu_sc as plsc

N = 10000
E = 320000
D = 128
DE = 16
G = 64

NC = 2
NS = 16
NW = NC * NS
C = 128
NCHUNK = 79
CH0 = 94
CH1 = 2 * NCHUNK - CH0
EPW = NCHUNK * C
E_PAD = NW * EPW
GCHUNK = E_PAD // C
N_PAD = 10112
RPT = N_PAD // NS
ZROW = N

EB = 10112
ESTEPS = E_PAD // EB


def _prep_body(x_ref, wq_ref, wk_ref, wv_ref, wr_ref, we_ref, b_ref,
               eattr_ref, q_ref, k_ref, v_ref, xr_ref, ea_ref):
    @pl.when(pl.program_id(0) == 0)
    def _():
        xv = x_ref[...]
        q_ref[...] = jnp.dot(xv, wq_ref[...], preferred_element_type=jnp.float32)
        k_ref[...] = jnp.dot(xv, wk_ref[...], preferred_element_type=jnp.float32)
        v_ref[...] = jnp.dot(xv, wv_ref[...], preferred_element_type=jnp.float32)
        xr_ref[...] = (
            jnp.dot(xv, wr_ref[...], preferred_element_type=jnp.float32)
            + b_ref[...]
        )

    ea_ref[...] = jnp.dot(eattr_ref[...], we_ref[...],
                          preferred_element_type=jnp.float32)


_prep = pl.pallas_call(
    _prep_body,
    grid=(ESTEPS,),
    in_specs=[
        pl.BlockSpec((N_PAD, D), lambda i: (0, 0)),
        pl.BlockSpec((D, D), lambda i: (0, 0)),
        pl.BlockSpec((D, D), lambda i: (0, 0)),
        pl.BlockSpec((D, D), lambda i: (0, 0)),
        pl.BlockSpec((D, D), lambda i: (0, 0)),
        pl.BlockSpec((DE, D), lambda i: (0, 0)),
        pl.BlockSpec((1, D), lambda i: (0, 0)),
        pl.BlockSpec((EB, DE), lambda i: (i, 0)),
    ],
    out_specs=[
        pl.BlockSpec((N_PAD, D), lambda i: (0, 0)),
        pl.BlockSpec((N_PAD, D), lambda i: (0, 0)),
        pl.BlockSpec((N_PAD, D), lambda i: (0, 0)),
        pl.BlockSpec((N_PAD, D), lambda i: (0, 0)),
        pl.BlockSpec((EB, D), lambda i: (i, 0)),
    ],
    out_shape=[
        jax.ShapeDtypeStruct((N_PAD, D), jnp.float32),
        jax.ShapeDtypeStruct((N_PAD, D), jnp.float32),
        jax.ShapeDtypeStruct((N_PAD, D), jnp.float32),
        jax.ShapeDtypeStruct((N_PAD, D), jnp.float32),
        jax.ShapeDtypeStruct((E_PAD, D), jnp.float32),
    ],
)


def _edge_body(q_hbm, k_hbm, v_hbm, ea_hbm, dst_hbm, src_hbm, out_hbm,
               za, vb, dsti, srci, agg_sh, sea, sq, sk, sv, ssc):
    cid = lax.axis_index("c")
    sid = lax.axis_index("s")
    nch = CH0 + cid * (CH1 - CH0)
    base = cid * NS * CH0 + sid * nch

    def zrow(r, carry):
        for j in range(D // 16):
            za[0, r, pl.ds(j * 16, 16)] = jnp.zeros((16,), jnp.float32)
        return carry

    lax.fori_loop(0, C, zrow, 0)
    for t in range(4):
        pltpu.sync_copy(za.at[0], agg_sh.at[pl.ds(sid * RPT + t * C, C)])
    pltpu.sync_copy(za.at[0, pl.ds(0, RPT - 4 * C)],
                    agg_sh.at[pl.ds(sid * RPT + 4 * C, RPT - 4 * C)])
    plsc.subcore_barrier()

    def ea_slice(c):
        return ea_hbm.at[pl.ds((base + c) * C, C)]

    pltpu.sync_copy(dst_hbm.at[base], dsti.at[0])
    pltpu.sync_copy(src_hbm.at[base], srci.at[0])
    pltpu.sync_copy(ea_slice(0), za.at[0])
    pltpu.async_copy(q_hbm.at[dsti.at[0]], za.at[0], sq, add=True).wait()
    pltpu.async_copy(k_hbm.at[srci.at[0]], za.at[0], sk, add=True)
    pltpu.async_copy(v_hbm.at[srci.at[0]], vb, sv)

    def chunk_step(c, par):
        op = 1 - par
        @pl.when(c >= 1)
        def _():
            pltpu.make_async_copy(za.at[op], agg_sh.at[dsti.at[op]],
                                  ssc).wait()

        has_next = c <= nch - 2

        @pl.when(has_next)
        def _():
            pltpu.sync_copy(dst_hbm.at[base + c + 1], dsti.at[op])
            pltpu.sync_copy(src_hbm.at[base + c + 1], srci.at[op])
            pltpu.async_copy(ea_slice(c + 1), za.at[op], sea)

        pltpu.make_async_copy(k_hbm.at[srci.at[par]], za.at[par], sk).wait()
        pltpu.make_async_copy(v_hbm.at[srci.at[par]], vb, sv).wait()

        def row(r, rcarry):
            for j in range(D // 16):
                sl = pl.ds(j * 16, 16)
                za[par, r, sl] = vb[r, sl] / (1.0 + jnp.exp(-za[par, r, sl]))
            return rcarry

        lax.fori_loop(0, C, row, 0)
        pltpu.async_copy(za.at[par], agg_sh.at[dsti.at[par]], ssc, add=True)

        @pl.when(has_next)
        def _():
            pltpu.make_async_copy(ea_slice(c + 1), za.at[op], sea).wait()
            pltpu.async_copy(q_hbm.at[dsti.at[op]], za.at[op], sq, add=True)
            pltpu.async_copy(v_hbm.at[srci.at[op]], vb, sv)
            pltpu.make_async_copy(q_hbm.at[dsti.at[op]], za.at[op], sq).wait()
            pltpu.async_copy(k_hbm.at[srci.at[op]], za.at[op], sk, add=True)

    def pair(t, carry):
        chunk_step(2 * t, 0)
        chunk_step(2 * t + 1, 1)
        return carry

    lax.fori_loop(0, nch // 2, pair, 0)
    pltpu.make_async_copy(za.at[1], agg_sh.at[dsti.at[1]], ssc).wait()
    plsc.subcore_barrier()

    for t in range(4):
        off = sid * RPT + t * C
        pltpu.sync_copy(agg_sh.at[pl.ds(off, C)], za.at[0])
        pltpu.sync_copy(za.at[0], out_hbm.at[cid, pl.ds(off, C)])
    tail = RPT - 4 * C
    off = sid * RPT + 4 * C
    pltpu.sync_copy(agg_sh.at[pl.ds(off, tail)], za.at[0, pl.ds(0, tail)])
    pltpu.sync_copy(za.at[0, pl.ds(0, tail)], out_hbm.at[cid, pl.ds(off, tail)])


_edge = pl.kernel(
    _edge_body,
    out_type=jax.ShapeDtypeStruct((NC, N_PAD, D), jnp.float32),
    mesh=plsc.VectorSubcoreMesh(core_axis_name="c", subcore_axis_name="s"),
    scratch_types=[
        pltpu.VMEM((2, C, D), jnp.float32),
        pltpu.VMEM((C, D), jnp.float32),
        pltpu.VMEM((2, C), jnp.int32),
        pltpu.VMEM((2, C), jnp.int32),
        pltpu.VMEM_SHARED((N_PAD, D), jnp.float32),
        pltpu.SemaphoreType.DMA,
        pltpu.SemaphoreType.DMA,
        pltpu.SemaphoreType.DMA,
        pltpu.SemaphoreType.DMA,
        pltpu.SemaphoreType.DMA,
    ],
)


def _pool_body(xr_ref, a0_ref, a1_ref, batch_ref, out_ref):
    out = jnp.maximum(xr_ref[...] + a0_ref[...] + a1_ref[...], 0.0)
    sel = (batch_ref[...] ==
           lax.broadcasted_iota(jnp.int32, (N, G), 1)).astype(jnp.float32)
    psum = lax.dot_general(sel, out, (((0,), (0,)), ((), ())),
                           preferred_element_type=jnp.float32)
    cnts = lax.dot_general(sel, jnp.ones((N, D), jnp.float32),
                           (((0,), (0,)), ((), ())),
                           preferred_element_type=jnp.float32)
    out_ref[...] = psum / jnp.maximum(cnts, 1.0)


_pool = pl.pallas_call(
    _pool_body,
    out_shape=jax.ShapeDtypeStruct((G, D), jnp.float32),
)


def kernel(x, edge_index, edge_attr, batch, Wq, Wk, Wv, We, Wroot, b):
    pad_e = E_PAD - E
    src3 = jnp.concatenate(
        [edge_index[0], jnp.full((pad_e,), ZROW, jnp.int32)]
    ).reshape(GCHUNK, C)
    dst3 = jnp.concatenate(
        [edge_index[1], jnp.zeros((pad_e,), jnp.int32)]
    ).reshape(GCHUNK, C)
    x_pad = jnp.pad(x, ((0, N_PAD - N), (0, 0)))
    ea_pad = jnp.pad(edge_attr, ((0, pad_e), (0, 0)))
    q, k, v, xr, ea = _prep(x_pad, Wq, Wk, Wv, Wroot, We, b.reshape(1, D),
                            ea_pad)
    aggs = _edge(q, k, v, ea, dst3, src3)
    return _pool(xr[:N], aggs[0, :N], aggs[1, :N], batch.reshape(N, 1))

# --- scband reference (transcript-rebuilt; emitter-appended) ---
"""Pipeline reference for scband-mean-network-16647293239828 (READ-ONLY COPY).

The authoritative reference and input builder live on the scoring server;
editing this copy changes nothing except your own understanding.
"""

import jax, jax.numpy as jnp
import numpy as np

N = 10000
E = 320000
D = 128
DE = 16
G = 64


def setup_inputs(seed: int = 0) -> dict:
    key = jax.random.key(seed)
    ks = jax.random.split(key, 10)
    x = jax.random.normal(ks[0], (N, D), dtype=jnp.float32)
    edge_index = jax.random.randint(ks[1], (2, E), 0, N, dtype=jnp.int32)
    edge_attr = jax.random.normal(ks[2], (E, DE), dtype=jnp.float32)
    batch = jnp.sort(jax.random.randint(ks[3], (N,), 0, G, dtype=jnp.int32))
    # Learned parameters of the gated conv network (in=out=128, edge_dim=16)
    s = 1.0 / np.sqrt(D)
    Wq = jax.random.normal(ks[4], (D, D), dtype=jnp.float32) * s
    Wk = jax.random.normal(ks[5], (D, D), dtype=jnp.float32) * s
    Wv = jax.random.normal(ks[6], (D, D), dtype=jnp.float32) * s
    We = jax.random.normal(ks[7], (DE, D), dtype=jnp.float32) * (1.0 / np.sqrt(DE))
    Wroot = jax.random.normal(ks[8], (D, D), dtype=jnp.float32) * s
    b = jnp.zeros((D,), dtype=jnp.float32)
    return {"x": x, "edge_index": edge_index, "edge_attr": edge_attr, "batch": batch,
            "Wq": Wq, "Wk": Wk, "Wv": Wv, "We": We, "Wroot": Wroot, "b": b}


def reference(x, edge_index, edge_attr, batch, Wq, Wk, Wv, We, Wroot, b):
    src = edge_index[0]
    dst = edge_index[1]
    # GatedConvNetwork: edge-gated message passing (ResGatedGraphConv-style with edge features)
    x_src = jnp.take(x, src, axis=0)
    x_dst = jnp.take(x, dst, axis=0)
    gate = jax.nn.sigmoid(x_dst @ Wq + x_src @ Wk + edge_attr @ We)
    msg = gate * (x_src @ Wv)
    agg = jax.ops.segment_sum(msg, dst, num_segments=N)
    out = jax.nn.relu(x @ Wroot + agg + b)
    # scatter(output, batch, dim=0, reduce='mean')
    counts = jax.ops.segment_sum(jnp.ones((N,), dtype=jnp.float32), batch, num_segments=G)
    pooled_sum = jax.ops.segment_sum(out, batch, num_segments=G)
    pooled = pooled_sum / jnp.maximum(counts, 1.0)[:, None]
    return pooled

if __name__ == "__main__":
    import jax
    _d = setup_inputs()
    print(jax.jit(kernel)(*tuple(_d.values())))

</pallas_src>

<mosaic_0001>
#map = affine_map<(d0, d1) -> (0, 0)>
#map1 = affine_map<(d0, d1) -> (0, 0, 0)>
module attributes {stable_mosaic.version = 14 : i64} {
  func.func @_edge_body(%arg0: i32, %arg1: i32, %arg2: memref<10112x128xf32, #tpu.memory_space<hbm>>, %arg3: memref<10112x128xf32, #tpu.memory_space<hbm>>, %arg4: memref<10112x128xf32, #tpu.memory_space<hbm>>, %arg5: memref<323584x128xf32, #tpu.memory_space<hbm>>, %arg6: memref<2528x128xi32, #tpu.memory_space<hbm>>, %arg7: memref<2528x128xi32, #tpu.memory_space<hbm>>, %arg8: memref<2x10112x128xf32, #tpu.memory_space<hbm>>, %arg9: memref<2x128x128xf32, #tpu.memory_space<vmem>>, %arg10: memref<128x128xf32, #tpu.memory_space<vmem>>, %arg11: memref<2x128xi32, #tpu.memory_space<vmem>>, %arg12: memref<2x128xi32, #tpu.memory_space<vmem>>, %arg13: memref<10112x128xf32, #tpu.memory_space<vmem_shared>>, %arg14: memref<!tpu.dma_semaphore, #tpu.memory_space<semaphore_mem>>, %arg15: memref<!tpu.dma_semaphore, #tpu.memory_space<semaphore_mem>>, %arg16: memref<!tpu.dma_semaphore, #tpu.memory_space<semaphore_mem>>, %arg17: memref<!tpu.dma_semaphore, #tpu.memory_space<semaphore_mem>>, %arg18: memref<!tpu.dma_semaphore, #tpu.memory_space<semaphore_mem>>) attributes {dimension_semantics = [#tpu.dimension_semantics<core_parallel>, #tpu.dimension_semantics<subcore_parallel>], iteration_bounds = array<i64: 2, 16>, scalar_prefetch = 0 : i64, scratch_operands = 10 : i64, tpu.core_type = #tpu.core_type<sc_vector_subcore>, window_params = [{transform_indices = #map}, {transform_indices = #map}, {transform_indices = #map}, {transform_indices = #map}, {transform_indices = #map}, {transform_indices = #map}, {transform_indices = #map1}]} {
    %mul3A = arith.constant -30 : i32
    %mul3A_0 = arith.muli %arg0, %mul3A : i32
    %add3A = arith.constant 94 : i32
    %add3A_1 = arith.addi %add3A, %mul3A_0 : i32
    %mul3A_2 = arith.constant 16 : i32
    %mul3A_3 = arith.muli %arg0, %mul3A_2 : i32
    %mul3A_4 = arith.constant 94 : i32
    %mul3A_5 = arith.muli %mul3A_3, %mul3A_4 : i32
    %mul3A_6 = arith.muli %arg1, %add3A_1 : i32
    %add3A_7 = arith.addi %mul3A_5, %mul3A_6 : i32
    %scan3A = arith.constant 0 : i32
    %scan3A_8 = arith.constant 0 : i32
    %scan3A_9 = arith.constant 128 : i32
    %scan3A_10 = arith.addi %scan3A_8, %scan3A_9 : i32
    %scan3A_11 = arith.constant 1 : i32
    scf.for %scan3A_153 = %scan3A_8 to %scan3A_10 step %scan3A_11  : i32 {
      %broadcast_in_dim3A = arith.constant 0.000000e+00 : f32
      %broadcast_in_dim3A_154 = vector.broadcast %broadcast_in_dim3A : f32 to vector<16xf32>
      %swap3A = arith.constant 0 : i32
      %swap3A_155 = arith.index_cast %swap3A : i32 to index
      %swap3A_156 = arith.index_cast %scan3A_153 : i32 to index
      %swap3A_157 = arith.constant 0 : index
      %swap3A_158 = tpu.vector_load %arg9[%swap3A_155, %swap3A_156, %swap3A_157] {strides = array<i32>} : memref<2x128x128xf32, #tpu.memory_space<vmem>>, vector<1x1x16xf32>,
      %swap3A_159 = vector.shape_cast %swap3A_158 : vector<1x1x16xf32> to vector<16xf32>
      %swap3A_160 = vector.shape_cast %broadcast_in_dim3A_154 : vector<16xf32> to vector<1x1x16xf32>
      tpu.vector_store %arg9[%swap3A_155, %swap3A_156, %swap3A_157], %swap3A_160 {strides = array<i32>} : memref<2x128x128xf32, #tpu.memory_space<vmem>>, vector<1x1x16xf32>,
      %broadcast_in_dim3A_161 = arith.constant 0.000000e+00 : f32
      %broadcast_in_dim3A_162 = vector.broadcast %broadcast_in_dim3A_161 : f32 to vector<16xf32>
      %swap3A_163 = arith.constant 0 : i32
      %swap3A_164 = arith.index_cast %swap3A_163 : i32 to index
      %swap3A_165 = arith.index_cast %scan3A_153 : i32 to index
      %swap3A_166 = arith.constant 16 : index
      %swap3A_167 = tpu.vector_load %arg9[%swap3A_164, %swap3A_165, %swap3A_166] {strides = array<i32>} : memref<2x128x128xf32, #tpu.memory_space<vmem>>, vector<1x1x16xf32>,
      %swap3A_168 = vector.shape_cast %swap3A_167 : vector<1x1x16xf32> to vector<16xf32>
      %swap3A_169 = vector.shape_cast %broadcast_in_dim3A_162 : vector<16xf32> to vector<1x1x16xf32>
      tpu.vector_store %arg9[%swap3A_164, %swap3A_165, %swap3A_166], %swap3A_169 {strides = array<i32>} : memref<2x128x128xf32, #tpu.memory_space<vmem>>, vector<1x1x16xf32>,
      %broadcast_in_dim3A_170 = arith.constant 0.000000e+00 : f32
      %broadcast_in_dim3A_171 = vector.broadcast %broadcast_in_dim3A_170 : f32 to vector<16xf32>
      %swap3A_172 = arith.constant 0 : i32
      %swap3A_173 = arith.index_cast %swap3A_172 : i32 to index
      %swap3A_174 = arith.index_cast %scan3A_153 : i32 to index
      %swap3A_175 = arith.constant 32 : index
      %swap3A_176 = tpu.vector_load %arg9[%swap3A_173, %swap3A_174, %swap3A_175] {strides = array<i32>} : memref<2x128x128xf32, #tpu.memory_space<vmem>>, vector<1x1x16xf32>,
      %swap3A_177 = vector.shape_cast %swap3A_176 : vector<1x1x16xf32> to vector<16xf32>
      %swap3A_178 = vector.shape_cast %broadcast_in_dim3A_171 : vector<16xf32> to vector<1x1x16xf32>
      tpu.vector_store %arg9[%swap3A_173, %swap3A_174, %swap3A_175], %swap3A_178 {strides = array<i32>} : memref<2x128x128xf32, #tpu.memory_space<vmem>>, vector<1x1x16xf32>,
      %broadcast_in_dim3A_179 = arith.constant 0.000000e+00 : f32
      %broadcast_in_dim3A_180 = vector.broadcast %broadcast_in_dim3A_179 : f32 to vector<16xf32>
      %swap3A_181 = arith.constant 0 : i32
      %swap3A_182 = arith.index_cast %swap3A_181 : i32 to index
      %swap3A_183 = arith.index_cast %scan3A_153 : i32 to index
      %swap3A_184 = arith.constant 48 : index
      %swap3A_185 = tpu.vector_load %arg9[%swap3A_182, %swap3A_183, %swap3A_184] {strides = array<i32>} : memref<2x128x128xf32, #tpu.memory_space<vmem>>, vector<1x1x16xf32>,
      %swap3A_186 = vector.shape_cast %swap3A_185 : vector<1x1x16xf32> to vector<16xf32>
      %swap3A_187 = vector.shape_cast %broadcast_in_dim3A_180 : vector<16xf32> to vector<1x1x16xf32>
      tpu.vector_store %arg9[%swap3A_182, %swap3A_183, %swap3A_184], %swap3A_187 {strides = array<i32>} : memref<2x128x128xf32, #tpu.memory_space<vmem>>, vector<1x1x16xf32>,
      %broadcast_in_dim3A_188 = arith.constant 0.000000e+00 : f32
      %broadcast_in_dim3A_189 = vector.broadcast %broadcast_in_dim3A_188 : f32 to vector<16xf32>
      %swap3A_190 = arith.constant 0 : i32
      %swap3A_191 = arith.index_cast %swap3A_190 : i32 to index
      %swap3A_192 = arith.index_cast %scan3A_153 : i32 to index
      %swap3A_193 = arith.constant 64 : index
      %swap3A_194 = tpu.vector_load %arg9[%swap3A_191, %swap3A_192, %swap3A_193] {strides = array<i32>} : memref<2x128x128xf32, #tpu.memory_space<vmem>>, vector<1x1x16xf32>,
      %swap3A_195 = vector.shape_cast %swap3A_194 : vector<1x1x16xf32> to vector<16xf32>
      %swap3A_196 = vector.shape_cast %broadcast_in_dim3A_189 : vector<16xf32> to vector<1x1x16xf32>
      tpu.vector_store %arg9[%swap3A_191, %swap3A_192, %swap3A_193], %swap3A_196 {strides = array<i32>} : memref<2x128x128xf32, #tpu.memory_space<vmem>>, vector<1x1x16xf32>,
      %broadcast_in_dim3A_197 = arith.constant 0.000000e+00 : f32
      %broadcast_in_dim3A_198 = vector.broadcast %broadcast_in_dim3A_197 : f32 to vector<16xf32>
      %swap3A_199 = arith.constant 0 : i32
      %swap3A_200 = arith.index_cast %swap3A_199 : i32 to index
      %swap3A_201 = arith.index_cast %scan3A_153 : i32 to index
      %swap3A_202 = arith.constant 80 : index
      %swap3A_203 = tpu.vector_load %arg9[%swap3A_200, %swap3A_201, %swap3A_202] {strides = array<i32>} : memref<2x128x128xf32, #tpu.memory_space<vmem>>, vector<1x1x16xf32>,
      %swap3A_204 = vector.shape_cast %swap3A_203 : vector<1x1x16xf32> to vector<16xf32>
      %swap3A_205 = vector.shape_cast %broadcast_in_dim3A_198 : vector<16xf32> to vector<1x1x16xf32>
      tpu.vector_store %arg9[%swap3A_200, %swap3A_201, %swap3A_202], %swap3A_205 {strides = array<i32>} : memref<2x128x128xf32, #tpu.memory_space<vmem>>, vector<1x1x16xf32>,
      %broadcast_in_dim3A_206 = arith.constant 0.000000e+00 : f32
      %broadcast_in_dim3A_207 = vector.broadcast %broadcast_in_dim3A_206 : f32 to vector<16xf32>
      %swap3A_208 = arith.constant 0 : i32
      %swap3A_209 = arith.index_cast %swap3A_208 : i32 to index
      %swap3A_210 = arith.index_cast %scan3A_153 : i32 to index
      %swap3A_211 = arith.constant 96 : index
      %swap3A_212 = tpu.vector_load %arg9[%swap3A_209, %swap3A_210, %swap3A_211] {strides = array<i32>} : memref<2x128x128xf32, #tpu.memory_space<vmem>>, vector<1x1x16xf32>,
      %swap3A_213 = vector.shape_cast %swap3A_212 : vector<1x1x16xf32> to vector<16xf32>
      %swap3A_214 = vector.shape_cast %broadcast_in_dim3A_207 : vector<16xf32> to vector<1x1x16xf32>
      tpu.vector_store %arg9[%swap3A_209, %swap3A_210, %swap3A_211], %swap3A_214 {strides = array<i32>} : memref<2x128x128xf32, #tpu.memory_space<vmem>>, vector<1x1x16xf32>,
      %broadcast_in_dim3A_215 = arith.constant 0.000000e+00 : f32
      %broadcast_in_dim3A_216 = vector.broadcast %broadcast_in_dim3A_215 : f32 to vector<16xf32>
      %swap3A_217 = arith.constant 0 : i32
      %swap3A_218 = arith.index_cast %swap3A_217 : i32 to index
      %swap3A_219 = arith.index_cast %scan3A_153 : i32 to index
      %swap3A_220 = arith.constant 112 : index
      %swap3A_221 = tpu.vector_load %arg9[%swap3A_218, %swap3A_219, %swap3A_220] {strides = array<i32>} : memref<2x128x128xf32, #tpu.memory_space<vmem>>, vector<1x1x16xf32>,
      %swap3A_222 = vector.shape_cast %swap3A_221 : vector<1x1x16xf32> to vector<16xf32>
      %swap3A_223 = vector.shape_cast %broadcast_in_dim3A_216 : vector<16xf32> to vector<1x1x16xf32>
      tpu.vector_store %arg9[%swap3A_218, %swap3A_219, %swap3A_220], %swap3A_223 {strides = array<i32>} : memref<2x128x128xf32, #tpu.memory_space<vmem>>, vector<1x1x16xf32>,
    }
    %scan3A_12 = arith.constant 128 : i32
    %mul3A_13 = arith.constant 632 : i32
    %mul3A_14 = arith.muli %arg1, %mul3A_13 : i32
    %add3A_15 = arith.constant 0 : i32
    %add3A_16 = arith.addi %mul3A_14, %add3A_15 : i32
    %run_scoped3A = arith.constant 0 : i32
    "tpu.region"() ({
      %run_scoped3A_153 = tpu.sem_alloc : memref<!tpu.dma_semaphore, #tpu.memory_space<semaphore_mem>>
      %dma_start3A_154 = arith.constant 0 : i32
      %dma_start3A_155 = arith.constant 0 : i32
      %dma_start3A_156 = tpu.memref_slice %arg9[%run_scoped3A, %dma_start3A_154, %dma_start3A_155] : memref<2x128x128xf32, #tpu.memory_space<vmem>> -> memref<1x128x128xf32, #tpu.memory_space<vmem>>
      %dma_start3A_157 = tpu.memref_squeeze %dma_start3A_156 : memref<1x128x128xf32, #tpu.memory_space<vmem>> -> memref<128x128xf32, #tpu.memory_space<vmem>>
      %dma_start3A_158 = arith.constant 0 : i32
      %dma_start3A_159 = tpu.memref_slice %arg13[%add3A_16, %dma_start3A_158] : memref<10112x128xf32, #tpu.memory_space<vmem_shared>> -> memref<128x128xf32, #tpu.memory_space<vmem_shared>>
      %dma_start3A_160 = arith.constant 0 : i32
      %dma_start3A_161 = tpu.memref_slice %arg13[%add3A_16, %dma_start3A_160] : memref<10112x128xf32, #tpu.memory_space<vmem_shared>> -> memref<128x128xf32, #tpu.memory_space<vmem_shared>>
      %dma_start3A_162 = arith.constant 0 : i32
      %dma_start3A_163 = arith.constant 0 : i32
      %dma_start3A_164 = tpu.memref_slice %arg9[%run_scoped3A, %dma_start3A_162, %dma_start3A_163] : memref<2x128x128xf32, #tpu.memory_space<vmem>> -> memref<1x128x128xf32, #tpu.memory_space<vmem>>
      %dma_start3A_165 = tpu.memref_squeeze %dma_start3A_164 : memref<1x128x128xf32, #tpu.memory_space<vmem>> -> memref<128x128xf32, #tpu.memory_space<vmem>>
      tpu.enqueue_dma source(%dma_start3A_165 : memref<128x128xf32, #tpu.memory_space<vmem>>) target(%dma_start3A_161 : memref<128x128xf32, #tpu.memory_space<vmem_shared>>) target_semaphore(%run_scoped3A_153 : memref<!tpu.dma_semaphore, #tpu.memory_space<semaphore_mem>>)
      %dma_wait3A_166 = arith.constant 0 : i32
      %dma_wait3A_167 = arith.constant 0 : i32
      %dma_wait3A_168 = tpu.memref_slice %arg9[%run_scoped3A, %dma_wait3A_166, %dma_wait3A_167] : memref<2x128x128xf32, #tpu.memory_space<vmem>> -> memref<1x128x128xf32, #tpu.memory_space<vmem>>
      %dma_wait3A_169 = tpu.memref_squeeze %dma_wait3A_168 : memref<1x128x128xf32, #tpu.memory_space<vmem>> -> memref<128x128xf32, #tpu.memory_space<vmem>>
      %dma_wait3A_170 = arith.constant 0 : i32
      %dma_wait3A_171 = tpu.memref_slice %arg13[%add3A_16, %dma_wait3A_170] : memref<10112x128xf32, #tpu.memory_space<vmem_shared>> -> memref<128x128xf32, #tpu.memory_space<vmem_shared>>
      %dma_wait3A_172 = arith.constant 0 : i32
      %dma_wait3A_173 = tpu.memref_slice %arg13[%add3A_16, %dma_wait3A_172] : memref<10112x128xf32, #tpu.memory_space<vmem_shared>> -> memref<128x128xf32, #tpu.memory_space<vmem_shared>>
      %dma_wait3A_174 = arith.constant 0 : i32
      %dma_wait3A_175 = arith.constant 0 : i32
      %dma_wait3A_176 = tpu.memref_slice %arg9[%run_scoped3A, %dma_wait3A_174, %dma_wait3A_175] : memref<2x128x128xf32, #tpu.memory_space<vmem>> -> memref<1x128x128xf32, #tpu.memory_space<vmem>>
      %dma_wait3A_177 = tpu.memref_squeeze %dma_wait3A_176 : memref<1x128x128xf32, #tpu.memory_space<vmem>> -> memref<128x128xf32, #tpu.memory_space<vmem>>
      tpu.wait_dma2 semaphore(%run_scoped3A_153 : memref<!tpu.dma_semaphore, #tpu.memory_space<semaphore_mem>>) src(%dma_wait3A_177 : memref<128x128xf32, #tpu.memory_space<vmem>>) dst(%dma_wait3A_173 : memref<128x128xf32, #tpu.memory_space<vmem_shared>>)
      tpu.yield
    }) : () -> ()
    %mul3A_17 = arith.constant 632 : i32
    %mul3A_18 = arith.muli %arg1, %mul3A_17 : i32
    %add3A_19 = arith.constant 128 : i32
    %add3A_20 = arith.addi %mul3A_18, %add3A_19 : i32
    %run_scoped3A_21 = arith.constant 0 : i32
    "tpu.region"() ({
      %run_scoped3A_153 = tpu.sem_alloc : memref<!tpu.dma_semaphore, #tpu.memory_space<semaphore_mem>>
      %dma_start3A_154 = arith.constant 0 : i32
      %dma_start3A_155 = arith.constant 0 : i32
      %dma_start3A_156 = tpu.memref_slice %arg9[%run_scoped3A_21, %dma_start3A_154, %dma_start3A_155] : memref<2x128x128xf32, #tpu.memory_space<vmem>> -> memref<1x128x128xf32, #tpu.memory_space<vmem>>
      %dma_start3A_157 = tpu.memref_squeeze %dma_start3A_156 : memref<1x128x128xf32, #tpu.memory_space<vmem>> -> memref<128x128xf32, #tpu.memory_space<vmem>>
      %dma_start3A_158 = arith.constant 0 : i32
      %dma_start3A_159 = tpu.memref_slice %arg13[%add3A_20, %dma_start3A_158] : memref<10112x128xf32, #tpu.memory_space<vmem_shared>> -> memref<128x128xf32, #tpu.memory_space<vmem_shared>>
      %dma_start3A_160 = arith.constant 0 : i32
      %dma_start3A_161 = tpu.memref_slice %arg13[%add3A_20, %dma_start3A_160] : memref<10112x128xf32, #tpu.memory_space<vmem_shared>> -> memref<128x128xf32, #tpu.memory_space<vmem_shared>>
      %dma_start3A_162 = arith.constant 0 : i32
      %dma_start3A_163 = arith.constant 0 : i32
      %dma_start3A_164 = tpu.memref_slice %arg9[%run_scoped3A_21, %dma_start3A_162, %dma_start3A_163] : memref<2x128x128xf32, #tpu.memory_space<vmem>> -> memref<1x128x128xf32, #tpu.memory_space<vmem>>
      %dma_start3A_165 = tpu.memref_squeeze %dma_start3A_164 : memref<1x128x128xf32, #tpu.memory_space<vmem>> -> memref<128x128xf32, #tpu.memory_space<vmem>>
      tpu.enqueue_dma source(%dma_start3A_165 : memref<128x128xf32, #tpu.memory_space<vmem>>) target(%dma_start3A_161 : memref<128x128xf32, #tpu.memory_space<vmem_shared>>) target_semaphore(%run_scoped3A_153 : memref<!tpu.dma_semaphore, #tpu.memory_space<semaphore_mem>>)
      %dma_wait3A_166 = arith.constant 0 : i32
      %dma_wait3A_167 = arith.constant 0 : i32
      %dma_wait3A_168 = tpu.memref_slice %arg9[%run_scoped3A_21, %dma_wait3A_166, %dma_wait3A_167] : memref<2x128x128xf32, #tpu.memory_space<vmem>> -> memref<1x128x128xf32, #tpu.memory_space<vmem>>
      %dma_wait3A_169 = tpu.memref_squeeze %dma_wait3A_168 : memref<1x128x128xf32, #tpu.memory_space<vmem>> -> memref<128x128xf32, #tpu.memory_space<vmem>>
      %dma_wait3A_170 = arith.constant 0 : i32
      %dma_wait3A_171 = tpu.memref_slice %arg13[%add3A_20, %dma_wait3A_170] : memref<10112x128xf32, #tpu.memory_space<vmem_shared>> -> memref<128x128xf32, #tpu.memory_space<vmem_shared>>
      %dma_wait3A_172 = arith.constant 0 : i32
      %dma_wait3A_173 = tpu.memref_slice %arg13[%add3A_20, %dma_wait3A_172] : memref<10112x128xf32, #tpu.memory_space<vmem_shared>> -> memref<128x128xf32, #tpu.memory_space<vmem_shared>>
      %dma_wait3A_174 = arith.constant 0 : i32
      %dma_wait3A_175 = arith.constant 0 : i32
      %dma_wait3A_176 = tpu.memref_slice %arg9[%run_scoped3A_21, %dma_wait3A_174, %dma_wait3A_175] : memref<2x128x128xf32, #tpu.memory_space<vmem>> -> memref<1x128x128xf32, #tpu.memory_space<vmem>>
      %dma_wait3A_177 = tpu.memref_squeeze %dma_wait3A_176 : memref<1x128x128xf32, #tpu.memory_space<vmem>> -> memref<128x128xf32, #tpu.memory_space<vmem>>
      tpu.wait_dma2 semaphore(%run_scoped3A_153 : memref<!tpu.dma_semaphore, #tpu.memory_space<semaphore_mem>>) src(%dma_wait3A_177 : memref<128x128xf32, #tpu.memory_space<vmem>>) dst(%dma_wait3A_173 : memref<128x128xf32, #tpu.memory_space<vmem_shared>>)
      tpu.yield
    }) : () -> ()
    %mul3A_22 = arith.constant 632 : i32
    %mul3A_23 = arith.muli %arg1, %mul3A_22 : i32
    %add3A_24 = arith.constant 256 : i32
    %add3A_25 = arith.addi %mul3A_23, %add3A_24 : i32
    %run_scoped3A_26 = arith.constant 0 : i32
    "tpu.region"() ({
      %run_scoped3A_153 = tpu.sem_alloc : memref<!tpu.dma_semaphore, #tpu.memory_space<semaphore_mem>>
      %dma_start3A_154 = arith.constant 0 : i32
      %dma_start3A_155 = arith.constant 0 : i32
      %dma_start3A_156 = tpu.memref_slice %arg9[%run_scoped3A_26, %dma_start3A_154, %dma_start3A_155] : memref<2x128x128xf32, #tpu.memory_space<vmem>> -> memref<1x128x128xf32, #tpu.memory_space<vmem>>
      %dma_start3A_157 = tpu.memref_squeeze %dma_start3A_156 : memref<1x128x128xf32, #tpu.memory_space<vmem>> -> memref<128x128xf32, #tpu.memory_space<vmem>>
      %dma_start3A_158 = arith.constant 0 : i32
      %dma_start3A_159 = tpu.memref_slice %arg13[%add3A_25, %dma_start3A_158] : memref<10112x128xf32, #tpu.memory_space<vmem_shared>> -> memref<128x128xf32, #tpu.memory_space<vmem_shared>>
      %dma_start3A_160 = arith.constant 0 : i32
      %dma_start3A_161 = tpu.memref_slice %arg13[%add3A_25, %dma_start3A_160] : memref<10112x128xf32, #tpu.memory_space<vmem_shared>> -> memref<128x128xf32, #tpu.memory_space<vmem_shared>>
      %dma_start3A_162 = arith.constant 0 : i32
      %dma_start3A_163 = arith.constant 0 : i32
      %dma_start3A_164 = tpu.memref_slice %arg9[%run_scoped3A_26, %dma_start3A_162, %dma_start3A_163] : memref<2x128x128xf32, #tpu.memory_space<vmem>> -> memref<1x128x128xf32, #tpu.memory_space<vmem>>
      %dma_start3A_165 = tpu.memref_squeeze %dma_start3A_164 : memref<1x128x128xf32, #tpu.memory_space<vmem>> -> memref<128x128xf32, #tpu.memory_space<vmem>>
      tpu.enqueue_dma source(%dma_start3A_165 : memref<128x128xf32, #tpu.memory_space<vmem>>) target(%dma_start3A_161 : memref<128x128xf32, #tpu.memory_space<vmem_shared>>) target_semaphore(%run_scoped3A_153 : memref<!tpu.dma_semaphore, #tpu.memory_space<semaphore_mem>>)
      %dma_wait3A_166 = arith.constant 0 : i32
      %dma_wait3A_167 = arith.constant 0 : i32
      %dma_wait3A_168 = tpu.memref_slice %arg9[%run_scoped3A_26, %dma_wait3A_166, %dma_wait3A_167] : memref<2x128x128xf32, #tpu.memory_space<vmem>> -> memref<1x128x128xf32, #tpu.memory_space<vmem>>
      %dma_wait3A_169 = tpu.memref_squeeze %dma_wait3A_168 : memref<1x128x128xf32, #tpu.memory_space<vmem>> -> memref<128x128xf32, #tpu.memory_space<vmem>>
      %dma_wait3A_170 = arith.constant 0 : i32
      %dma_wait3A_171 = tpu.memref_slice %arg13[%add3A_25, %dma_wait3A_170] : memref<10112x128xf32, #tpu.memory_space<vmem_shared>> -> memref<128x128xf32, #tpu.memory_space<vmem_shared>>
      %dma_wait3A_172 = arith.constant 0 : i32
      %dma_wait3A_173 = tpu.memref_slice %arg13[%add3A_25, %dma_wait3A_172] : memref<10112x128xf32, #tpu.memory_space<vmem_shared>> -> memref<128x128xf32, #tpu.memory_space<vmem_shared>>
      %dma_wait3A_174 = arith.constant 0 : i32
      %dma_wait3A_175 = arith.constant 0 : i32
      %dma_wait3A_176 = tpu.memref_slice %arg9[%run_scoped3A_26, %dma_wait3A_174, %dma_wait3A_175] : memref<2x128x128xf32, #tpu.memory_space<vmem>> -> memref<1x128x128xf32, #tpu.memory_space<vmem>>
      %dma_wait3A_177 = tpu.memref_squeeze %dma_wait3A_176 : memref<1x128x128xf32, #tpu.memory_space<vmem>> -> memref<128x128xf32, #tpu.memory_space<vmem>>
      tpu.wait_dma2 semaphore(%run_scoped3A_153 : memref<!tpu.dma_semaphore, #tpu.memory_space<semaphore_mem>>) src(%dma_wait3A_177 : memref<128x128xf32, #tpu.memory_space<vmem>>) dst(%dma_wait3A_173 : memref<128x128xf32, #tpu.memory_space<vmem_shared>>)
      tpu.yield
    }) : () -> ()
    %mul3A_27 = arith.constant 632 : i32
    %mul3A_28 = arith.muli %arg1, %mul3A_27 : i32
    %add3A_29 = arith.constant 384 : i32
    %add3A_30 = arith.addi %mul3A_28, %add3A_29 : i32
    %run_scoped3A_31 = arith.constant 0 : i32
    "tpu.region"() ({
      %run_scoped3A_153 = tpu.sem_alloc : memref<!tpu.dma_semaphore, #tpu.memory_space<semaphore_mem>>
      %dma_start3A_154 = arith.constant 0 : i32
      %dma_start3A_155 = arith.constant 0 : i32
      %dma_start3A_156 = tpu.memref_slice %arg9[%run_scoped3A_31, %dma_start3A_154, %dma_start3A_155] : memref<2x128x128xf32, #tpu.memory_space<vmem>> -> memref<1x128x128xf32, #tpu.memory_space<vmem>>
      %dma_start3A_157 = tpu.memref_squeeze %dma_start3A_156 : memref<1x128x128xf32, #tpu.memory_space<vmem>> -> memref<128x128xf32, #tpu.memory_space<vmem>>
      %dma_start3A_158 = arith.constant 0 : i32
      %dma_start3A_159 = tpu.memref_slice %arg13[%add3A_30, %dma_start3A_158] : memref<10112x128xf32, #tpu.memory_space<vmem_shared>> -> memref<128x128xf32, #tpu.memory_space<vmem_shared>>
      %dma_start3A_160 = arith.constant 0 : i32
      %dma_start3A_161 = tpu.memref_slice %arg13[%add3A_30, %dma_start3A_160] : memref<10112x128xf32, #tpu.memory_space<vmem_shared>> -> memref<128x128xf32, #tpu.memory_space<vmem_shared>>
      %dma_start3A_162 = arith.constant 0 : i32
      %dma_start3A_163 = arith.constant 0 : i32
      %dma_start3A_164 = tpu.memref_slice %arg9[%run_scoped3A_31, %dma_start3A_162, %dma_start3A_163] : memref<2x128x128xf32, #tpu.memory_space<vmem>> -> memref<1x128x128xf32, #tpu.memory_space<vmem>>
      %dma_start3A_165 = tpu.memref_squeeze %dma_start3A_164 : memref<1x128x128xf32, #tpu.memory_space<vmem>> -> memref<128x128xf32, #tpu.memory_space<vmem>>
      tpu.enqueue_dma source(%dma_start3A_165 : memref<128x128xf32, #tpu.memory_space<vmem>>) target(%dma_start3A_161 : memref<128x128xf32, #tpu.memory_space<vmem_shared>>) target_semaphore(%run_scoped3A_153 : memref<!tpu.dma_semaphore, #tpu.memory_space<semaphore_mem>>)
      %dma_wait3A_166 = arith.constant 0 : i32
      %dma_wait3A_167 = arith.constant 0 : i32
      %dma_wait3A_168 = tpu.memref_slice %arg9[%run_scoped3A_31, %dma_wait3A_166, %dma_wait3A_167] : memref<2x128x128xf32, #tpu.memory_space<vmem>> -> memref<1x128x128xf32, #tpu.memory_space<vmem>>
      %dma_wait3A_169 = tpu.memref_squeeze %dma_wait3A_168 : memref<1x128x128xf32, #tpu.memory_space<vmem>> -> memref<128x128xf32, #tpu.memory_space<vmem>>
      %dma_wait3A_170 = arith.constant 0 : i32
      %dma_wait3A_171 = tpu.memref_slice %arg13[%add3A_30, %dma_wait3A_170] : memref<10112x128xf32, #tpu.memory_space<vmem_shared>> -> memref<128x128xf32, #tpu.memory_space<vmem_shared>>
      %dma_wait3A_172 = arith.constant 0 : i32
      %dma_wait3A_173 = tpu.memref_slice %arg13[%add3A_30, %dma_wait3A_172] : memref<10112x128xf32, #tpu.memory_space<vmem_shared>> -> memref<128x128xf32, #tpu.memory_space<vmem_shared>>
      %dma_wait3A_174 = arith.constant 0 : i32
      %dma_wait3A_175 = arith.constant 0 : i32
      %dma_wait3A_176 = tpu.memref_slice %arg9[%run_scoped3A_31, %dma_wait3A_174, %dma_wait3A_175] : memref<2x128x128xf32, #tpu.memory_space<vmem>> -> memref<1x128x128xf32, #tpu.memory_space<vmem>>
      %dma_wait3A_177 = tpu.memref_squeeze %dma_wait3A_176 : memref<1x128x128xf32, #tpu.memory_space<vmem>> -> memref<128x128xf32, #tpu.memory_space<vmem>>
      tpu.wait_dma2 semaphore(%run_scoped3A_153 : memref<!tpu.dma_semaphore, #tpu.memory_space<semaphore_mem>>) src(%dma_wait3A_177 : memref<128x128xf32, #tpu.memory_space<vmem>>) dst(%dma_wait3A_173 : memref<128x128xf32, #tpu.memory_space<vmem_shared>>)
      tpu.yield
    }) : () -> ()
    %mul3A_32 = arith.constant 632 : i32
    %mul3A_33 = arith.muli %arg1, %mul3A_32 : i32
    %add3A_34 = arith.constant 512 : i32
    %add3A_35 = arith.addi %mul3A_33, %add3A_34 : i32
    %run_scoped3A_36 = arith.constant 0 : i32
    "tpu.region"() ({
      %run_scoped3A_153 = tpu.sem_alloc : memref<!tpu.dma_semaphore, #tpu.memory_space<semaphore_mem>>
      %dma_start3A_154 = arith.constant 0 : i32
      %dma_start3A_155 = arith.constant 0 : i32
      %dma_start3A_156 = tpu.memref_slice %arg9[%run_scoped3A_36, %dma_start3A_154, %dma_start3A_155] : memref<2x128x128xf32, #tpu.memory_space<vmem>> -> memref<1x120x128xf32, #tpu.memory_space<vmem>>
      %dma_start3A_157 = tpu.memref_squeeze %dma_start3A_156 : memref<1x120x128xf32, #tpu.memory_space<vmem>> -> memref<120x128xf32, #tpu.memory_space<vmem>>
      %dma_start3A_158 = arith.constant 0 : i32
      %dma_start3A_159 = tpu.memref_slice %arg13[%add3A_35, %dma_start3A_158] : memref<10112x128xf32, #tpu.memory_space<vmem_shared>> -> memref<120x128xf32, #tpu.memory_space<vmem_shared>>
      %dma_start3A_160 = arith.constant 0 : i32
      %dma_start3A_161 = tpu.memref_slice %arg13[%add3A_35, %dma_start3A_160] : memref<10112x128xf32, #tpu.memory_space<vmem_shared>> -> memref<120x128xf32, #tpu.memory_space<vmem_shared>>
      %dma_start3A_162 = arith.constant 0 : i32
      %dma_start3A_163 = arith.constant 0 : i32
      %dma_start3A_164 = tpu.memref_slice %arg9[%run_scoped3A_36, %dma_start3A_162, %dma_start3A_163] : memref<2x128x128xf32, #tpu.memory_space<vmem>> -> memref<1x120x128xf32, #tpu.memory_space<vmem>>
      %dma_start3A_165 = tpu.memref_squeeze %dma_start3A_164 : memref<1x120x128xf32, #tpu.memory_space<vmem>> -> memref<120x128xf32, #tpu.memory_space<vmem>>
      tpu.enqueue_dma source(%dma_start3A_165 : memref<120x128xf32, #tpu.memory_space<vmem>>) target(%dma_start3A_161 : memref<120x128xf32, #tpu.memory_space<vmem_shared>>) target_semaphore(%run_scoped3A_153 : memref<!tpu.dma_semaphore, #tpu.memory_space<semaphore_mem>>)
      %dma_wait3A_166 = arith.constant 0 : i32
      %dma_wait3A_167 = arith.constant 0 : i32
      %dma_wait3A_168 = tpu.memref_slice %arg9[%run_scoped3A_36, %dma_wait3A_166, %dma_wait3A_167] : memref<2x128x128xf32, #tpu.memory_space<vmem>> -> memref<1x120x128xf32, #tpu.memory_space<vmem>>
      %dma_wait3A_169 = tpu.memref_squeeze %dma_wait3A_168 : memref<1x120x128xf32, #tpu.memory_space<vmem>> -> memref<120x128xf32, #tpu.memory_space<vmem>>
      %dma_wait3A_170 = arith.constant 0 : i32
      %dma_wait3A_171 = tpu.memref_slice %arg13[%add3A_35, %dma_wait3A_170] : memref<10112x128xf32, #tpu.memory_space<vmem_shared>> -> memref<120x128xf32, #tpu.memory_space<vmem_shared>>
      %dma_wait3A_172 = arith.constant 0 : i32
      %dma_wait3A_173 = tpu.memref_slice %arg13[%add3A_35, %dma_wait3A_172] : memref<10112x128xf32, #tpu.memory_space<vmem_shared>> -> memref<120x128xf32, #tpu.memory_space<vmem_shared>>
      %dma_wait3A_174 = arith.constant 0 : i32
      %dma_wait3A_175 = arith.constant 0 : i32
      %dma_wait3A_176 = tpu.memref_slice %arg9[%run_scoped3A_36, %dma_wait3A_174, %dma_wait3A_175] : memref<2x128x128xf32, #tpu.memory_space<vmem>> -> memref<1x120x128xf32, #tpu.memory_space<vmem>>
      %dma_wait3A_177 = tpu.memref_squeeze %dma_wait3A_176 : memref<1x120x128xf32, #tpu.memory_space<vmem>> -> memref<120x128xf32, #tpu.memory_space<vmem>>
      tpu.wait_dma2 semaphore(%run_scoped3A_153 : memref<!tpu.dma_semaphore, #tpu.memory_space<semaphore_mem>>) src(%dma_wait3A_177 : memref<120x128xf32, #tpu.memory_space<vmem>>) dst(%dma_wait3A_173 : memref<120x128xf32, #tpu.memory_space<vmem_shared>>)
      tpu.yield
    }) : () -> ()
    %barrier3A = arith.constant 0 : index
    tpu.barrier barrier_id(%barrier3A)
    %run_scoped3A_37 = arith.constant 0 : i32
    "tpu.region"() ({
      %run_scoped3A_153 = tpu.sem_alloc : memref<!tpu.dma_semaphore, #tpu.memory_space<semaphore_mem>>
      %dma_start3A_154 = arith.constant 0 : i32
      %dma_start3A_155 = tpu.memref_slice %arg11[%run_scoped3A_37, %dma_start3A_154] : memref<2x128xi32, #tpu.memory_space<vmem>> -> memref<1x128xi32, #tpu.memory_space<vmem>>
      %dma_start3A_156 = tpu.memref_squeeze %dma_start3A_155 : memref<1x128xi32, #tpu.memory_space<vmem>> -> memref<128xi32, #tpu.memory_space<vmem>>
      %dma_start3A_157 = arith.constant 0 : i32
      %dma_start3A_158 = tpu.memref_slice %arg6[%add3A_7, %dma_start3A_157] : memref<2528x128xi32, #tpu.memory_space<hbm>> -> memref<1x128xi32, #tpu.memory_space<hbm>>
      %dma_start3A_159 = tpu.memref_squeeze %dma_start3A_158 : memref<1x128xi32, #tpu.memory_space<hbm>> -> memref<128xi32, #tpu.memory_space<hbm>>
      %dma_start3A_160 = arith.constant 0 : i32
      %dma_start3A_161 = tpu.memref_slice %arg11[%run_scoped3A_37, %dma_start3A_160] : memref<2x128xi32, #tpu.memory_space<vmem>> -> memref<1x128xi32, #tpu.memory_space<vmem>>
      %dma_start3A_162 = tpu.memref_squeeze %dma_start3A_161 : memref<1x128xi32, #tpu.memory_space<vmem>> -> memref<128xi32, #tpu.memory_space<vmem>>
      %dma_start3A_163 = arith.constant 0 : i32
      %dma_start3A_164 = tpu.memref_slice %arg6[%add3A_7, %dma_start3A_163] : memref<2528x128xi32, #tpu.memory_space<hbm>> -> memref<1x128xi32, #tpu.memory_space<hbm>>
      %dma_start3A_165 = tpu.memref_squeeze %dma_start3A_164 : memref<1x128xi32, #tpu.memory_space<hbm>> -> memref<128xi32, #tpu.memory_space<hbm>>
      tpu.enqueue_dma source(%dma_start3A_165 : memref<128xi32, #tpu.memory_space<hbm>>) target(%dma_start3A_162 : memref<128xi32, #tpu.memory_space<vmem>>) target_semaphore(%run_scoped3A_153 : memref<!tpu.dma_semaphore, #tpu.memory_space<semaphore_mem>>)
      %dma_wait3A_166 = arith.constant 0 : i32
      %dma_wait3A_167 = tpu.memref_slice %arg11[%run_scoped3A_37, %dma_wait3A_166] : memref<2x128xi32, #tpu.memory_space<vmem>> -> memref<1x128xi32, #tpu.memory_space<vmem>>
      %dma_wait3A_168 = tpu.memref_squeeze %dma_wait3A_167 : memref<1x128xi32, #tpu.memory_space<vmem>> -> memref<128xi32, #tpu.memory_space<vmem>>
      %dma_wait3A_169 = arith.constant 0 : i32
      %dma_wait3A_170 = tpu.memref_slice %arg6[%add3A_7, %dma_wait3A_169] : memref<2528x128xi32, #tpu.memory_space<hbm>> -> memref<1x128xi32, #tpu.memory_space<hbm>>
      %dma_wait3A_171 = tpu.memref_squeeze %dma_wait3A_170 : memref<1x128xi32, #tpu.memory_space<hbm>> -> memref<128xi32, #tpu.memory_space<hbm>>
      %dma_wait3A_172 = arith.constant 0 : i32
      %dma_wait3A_173 = tpu.memref_slice %arg11[%run_scoped3A_37, %dma_wait3A_172] : memref<2x128xi32, #tpu.memory_space<vmem>> -> memref<1x128xi32, #tpu.memory_space<vmem>>
      %dma_wait3A_174 = tpu.memref_squeeze %dma_wait3A_173 : memref<1x128xi32, #tpu.memory_space<vmem>> -> memref<128xi32, #tpu.memory_space<vmem>>
      %dma_wait3A_175 = arith.constant 0 : i32
      %dma_wait3A_176 = tpu.memref_slice %arg6[%add3A_7, %dma_wait3A_175] : memref<2528x128xi32, #tpu.memory_space<hbm>> -> memref<1x128xi32, #tpu.memory_space<hbm>>
      %dma_wait3A_177 = tpu.memref_squeeze %dma_wait3A_176 : memref<1x128xi32, #tpu.memory_space<hbm>> -> memref<128xi32, #tpu.memory_space<hbm>>
      tpu.wait_dma2 semaphore(%run_scoped3A_153 : memref<!tpu.dma_semaphore, #tpu.memory_space<semaphore_mem>>) src(%dma_wait3A_177 : memref<128xi32, #tpu.memory_space<hbm>>) dst(%dma_wait3A_174 : memref<128xi32, #tpu.memory_space<vmem>>)
      tpu.yield
    }) : () -> ()
    %run_scoped3A_38 = arith.constant 0 : i32
    "tpu.region"() ({
      %run_scoped3A_153 = tpu.sem_alloc : memref<!tpu.dma_semaphore, #tpu.memory_space<semaphore_mem>>
      %dma_start3A_154 = arith.constant 0 : i32
      %dma_start3A_155 = tpu.memref_slice %arg12[%run_scoped3A_38, %dma_start3A_154] : memref<2x128xi32, #tpu.memory_space<vmem>> -> memref<1x128xi32, #tpu.memory_space<vmem>>
      %dma_start3A_156 = tpu.memref_squeeze %dma_start3A_155 : memref<1x128xi32, #tpu.memory_space<vmem>> -> memref<128xi32, #tpu.memory_space<vmem>>
      %dma_start3A_157 = arith.constant 0 : i32
      %dma_start3A_158 = tpu.memref_slice %arg7[%add3A_7, %dma_start3A_157] : memref<2528x128xi32, #tpu.memory_space<hbm>> -> memref<1x128xi32, #tpu.memory_space<hbm>>
      %dma_start3A_159 = tpu.memref_squeeze %dma_start3A_158 : memref<1x128xi32, #tpu.memory_space<hbm>> -> memref<128xi32, #tpu.memory_space<hbm>>
      %dma_start3A_160 = arith.constant 0 : i32
      %dma_start3A_161 = tpu.memref_slice %arg12[%run_scoped3A_38, %dma_start3A_160] : memref<2x128xi32, #tpu.memory_space<vmem>> -> memref<1x128xi32, #tpu.memory_space<vmem>>
      %dma_start3A_162 = tpu.memref_squeeze %dma_start3A_161 : memref<1x128xi32, #tpu.memory_space<vmem>> -> memref<128xi32, #tpu.memory_space<vmem>>
      %dma_start3A_163 = arith.constant 0 : i32
      %dma_start3A_164 = tpu.memref_slice %arg7[%add3A_7, %dma_start3A_163] : memref<2528x128xi32, #tpu.memory_space<hbm>> -> memref<1x128xi32, #tpu.memory_space<hbm>>
      %dma_start3A_165 = tpu.memref_squeeze %dma_start3A_164 : memref<1x128xi32, #tpu.memory_space<hbm>> -> memref<128xi32, #tpu.memory_space<hbm>>
      tpu.enqueue_dma source(%dma_start3A_165 : memref<128xi32, #tpu.memory_space<hbm>>) target(%dma_start3A_162 : memref<128xi32, #tpu.memory_space<vmem>>) target_semaphore(%run_scoped3A_153 : memref<!tpu.dma_semaphore, #tpu.memory_space<semaphore_mem>>)
      %dma_wait3A_166 = arith.constant 0 : i32
      %dma_wait3A_167 = tpu.memref_slice %arg12[%run_scoped3A_38, %dma_wait3A_166] : memref<2x128xi32, #tpu.memory_space<vmem>> -> memref<1x128xi32, #tpu.memory_space<vmem>>
      %dma_wait3A_168 = tpu.memref_squeeze %dma_wait3A_167 : memref<1x128xi32, #tpu.memory_space<vmem>> -> memref<128xi32, #tpu.memory_space<vmem>>
      %dma_wait3A_169 = arith.constant 0 : i32
      %dma_wait3A_170 = tpu.memref_slice %arg7[%add3A_7, %dma_wait3A_169] : memref<2528x128xi32, #tpu.memory_space<hbm>> -> memref<1x128xi32, #tpu.memory_space<hbm>>
      %dma_wait3A_171 = tpu.memref_squeeze %dma_wait3A_170 : memref<1x128xi32, #tpu.memory_space<hbm>> -> memref<128xi32, #tpu.memory_space<hbm>>
      %dma_wait3A_172 = arith.constant 0 : i32
      %dma_wait3A_173 = tpu.memref_slice %arg12[%run_scoped3A_38, %dma_wait3A_172] : memref<2x128xi32, #tpu.memory_space<vmem>> -> memref<1x128xi32, #tpu.memory_space<vmem>>
      %dma_wait3A_174 = tpu.memref_squeeze %dma_wait3A_173 : memref<1x128xi32, #tpu.memory_space<vmem>> -> memref<128xi32, #tpu.memory_space<vmem>>
      %dma_wait3A_175 = arith.constant 0 : i32
      %dma_wait3A_176 = tpu.memref_slice %arg7[%add3A_7, %dma_wait3A_175] : memref<2528x128xi32, #tpu.memory_space<hbm>> -> memref<1x128xi32, #tpu.memory_space<hbm>>
      %dma_wait3A_177 = tpu.memref_squeeze %dma_wait3A_176 : memref<1x128xi32, #tpu.memory_space<hbm>> -> memref<128xi32, #tpu.memory_space<hbm>>
      tpu.wait_dma2 semaphore(%run_scoped3A_153 : memref<!tpu.dma_semaphore, #tpu.memory_space<semaphore_mem>>) src(%dma_wait3A_177 : memref<128xi32, #tpu.memory_space<hbm>>) dst(%dma_wait3A_174 : memref<128xi32, #tpu.memory_space<vmem>>)
      tpu.yield
    }) : () -> ()
    %add3A_39 = arith.constant 0 : i32
    %add3A_40 = arith.addi %add3A_7, %add3A_39 : i32
    %mul3A_41 = arith.constant 128 : i32
    %mul3A_42 = arith.muli %add3A_40, %mul3A_41 : i32
    %run_scoped3A_43 = arith.constant 0 : i32
    "tpu.region"() ({
      %run_scoped3A_153 = tpu.sem_alloc : memref<!tpu.dma_semaphore, #tpu.memory_space<semaphore_mem>>
      %dma_start3A_154 = arith.constant 0 : i32
      %dma_start3A_155 = arith.constant 0 : i32
      %dma_start3A_156 = tpu.memref_slice %arg9[%run_scoped3A_43, %dma_start3A_154, %dma_start3A_155] : memref<2x128x128xf32, #tpu.memory_space<vmem>> -> memref<1x128x128xf32, #tpu.memory_space<vmem>>
      %dma_start3A_157 = tpu.memref_squeeze %dma_start3A_156 : memref<1x128x128xf32, #tpu.memory_space<vmem>> -> memref<128x128xf32, #tpu.memory_space<vmem>>
      %dma_start3A_158 = arith.constant 0 : i32
      %dma_start3A_159 = tpu.memref_slice %arg5[%mul3A_42, %dma_start3A_158] : memref<323584x128xf32, #tpu.memory_space<hbm>> -> memref<128x128xf32, #tpu.memory_space<hbm>>
      %dma_start3A_160 = arith.constant 0 : i32
      %dma_start3A_161 = arith.constant 0 : i32
      %dma_start3A_162 = tpu.memref_slice %arg9[%run_scoped3A_43, %dma_start3A_160, %dma_start3A_161] : memref<2x128x128xf32, #tpu.memory_space<vmem>> -> memref<1x128x128xf32, #tpu.memory_space<vmem>>
      %dma_start3A_163 = tpu.memref_squeeze %dma_start3A_162 : memref<1x128x128xf32, #tpu.memory_space<vmem>> -> memref<128x128xf32, #tpu.memory_space<vmem>>
      %dma_start3A_164 = arith.constant 0 : i32
      %dma_start3A_165 = tpu.memref_slice %arg5[%mul3A_42, %dma_start3A_164] : memref<323584x128xf32, #tpu.memory_space<hbm>> -> memref<128x128xf32, #tpu.memory_space<hbm>>
      tpu.enqueue_dma source(%dma_start3A_165 : memref<128x128xf32, #tpu.memory_space<hbm>>) target(%dma_start3A_163 : memref<128x128xf32, #tpu.memory_space<vmem>>) target_semaphore(%run_scoped3A_153 : memref<!tpu.dma_semaphore, #tpu.memory_space<semaphore_mem>>)
      %dma_wait3A_166 = arith.constant 0 : i32
      %dma_wait3A_167 = arith.constant 0 : i32
      %dma_wait3A_168 = tpu.memref_slice %arg9[%run_scoped3A_43, %dma_wait3A_166, %dma_wait3A_167] : memref<2x128x128xf32, #tpu.memory_space<vmem>> -> memref<1x128x128xf32, #tpu.memory_space<vmem>>
      %dma_wait3A_169 = tpu.memref_squeeze %dma_wait3A_168 : memref<1x128x128xf32, #tpu.memory_space<vmem>> -> memref<128x128xf32, #tpu.memory_space<vmem>>
      %dma_wait3A_170 = arith.constant 0 : i32
      %dma_wait3A_171 = tpu.memref_slice %arg5[%mul3A_42, %dma_wait3A_170] : memref<323584x128xf32, #tpu.memory_space<hbm>> -> memref<128x128xf32, #tpu.memory_space<hbm>>
      %dma_wait3A_172 = arith.constant 0 : i32
      %dma_wait3A_173 = arith.constant 0 : i32
      %dma_wait3A_174 = tpu.memref_slice %arg9[%run_scoped3A_43, %dma_wait3A_172, %dma_wait3A_173] : memref<2x128x128xf32, #tpu.memory_space<vmem>> -> memref<1x128x128xf32, #tpu.memory_space<vmem>>
      %dma_wait3A_175 = tpu.memref_squeeze %dma_wait3A_174 : memref<1x128x128xf32, #tpu.memory_space<vmem>> -> memref<128x128xf32, #tpu.memory_space<vmem>>
      %dma_wait3A_176 = arith.constant 0 : i32
      %dma_wait3A_177 = tpu.memref_slice %arg5[%mul3A_42, %dma_wait3A_176] : memref<323584x128xf32, #tpu.memory_space<hbm>> -> memref<128x128xf32, #tpu.memory_space<hbm>>
      tpu.wait_dma2 semaphore(%run_scoped3A_153 : memref<!tpu.dma_semaphore, #tpu.memory_space<semaphore_mem>>) src(%dma_wait3A_177 : memref<128x128xf32, #tpu.memory_space<hbm>>) dst(%dma_wait3A_175 : memref<128x128xf32, #tpu.memory_space<vmem>>)
      tpu.yield
    }) : () -> ()
    %dma_start3A = arith.constant 0 : i32
    %dma_start3A_44 = arith.constant 0 : i32
    %dma_start3A_45 = arith.constant 0 : i32
    %dma_start3A_46 = arith.constant 0 : i32
    %dma_start3A_47 = tpu.memref_slice %arg9[%dma_start3A_44, %dma_start3A_45, %dma_start3A_46] : memref<2x128x128xf32, #tpu.memory_space<vmem>> -> memref<1x128x128xf32, #tpu.memory_space<vmem>>
    %dma_start3A_48 = tpu.memref_squeeze %dma_start3A_47 : memref<1x128x128xf32, #tpu.memory_space<vmem>> -> memref<128x128xf32, #tpu.memory_space<vmem>>
    %dma_start3A_49 = arith.constant 0 : i32
    %dma_start3A_50 = tpu.memref_slice %arg11[%dma_start3A, %dma_start3A_49] : memref<2x128xi32, #tpu.memory_space<vmem>> -> memref<1x128xi32, #tpu.memory_space<vmem>>
    %dma_start3A_51 = tpu.memref_squeeze %dma_start3A_50 : memref<1x128xi32, #tpu.memory_space<vmem>> -> memref<128xi32, #tpu.memory_space<vmem>>
    %dma_start3A_52 = arith.constant 0 : i32
    %dma_start3A_53 = arith.constant 0 : i32
    %dma_start3A_54 = tpu.memref_slice %arg2[%dma_start3A_52, %dma_start3A_53] : memref<10112x128xf32, #tpu.memory_space<hbm>> -> memref<10112x128xf32, #tpu.memory_space<hbm>>
    tpu.enqueue_indirect_dma source(%dma_start3A_54 : memref<10112x128xf32, #tpu.memory_space<hbm>>) target(%dma_start3A_48 : memref<128x128xf32, #tpu.memory_space<vmem>>) offsets(%dma_start3A_51 : memref<128xi32, #tpu.memory_space<vmem>>) semaphore(%arg15 : memref<!tpu.dma_semaphore, #tpu.memory_space<semaphore_mem>>) {add = true}
    %dma_wait3A = arith.constant 0 : i32
    %dma_wait3A_55 = arith.constant 0 : i32
    %dma_wait3A_56 = arith.constant 0 : i32
    %dma_wait3A_57 = arith.constant 0 : i32
    %dma_wait3A_58 = tpu.memref_slice %arg9[%dma_wait3A_55, %dma_wait3A_56, %dma_wait3A_57] : memref<2x128x128xf32, #tpu.memory_space<vmem>> -> memref<1x128x128xf32, #tpu.memory_space<vmem>>
    %dma_wait3A_59 = tpu.memref_squeeze %dma_wait3A_58 : memref<1x128x128xf32, #tpu.memory_space<vmem>> -> memref<128x128xf32, #tpu.memory_space<vmem>>
    %dma_wait3A_60 = arith.constant 0 : i32
    %dma_wait3A_61 = tpu.memref_slice %arg11[%dma_wait3A, %dma_wait3A_60] : memref<2x128xi32, #tpu.memory_space<vmem>> -> memref<1x128xi32, #tpu.memory_space<vmem>>
    %dma_wait3A_62 = tpu.memref_squeeze %dma_wait3A_61 : memref<1x128xi32, #tpu.memory_space<vmem>> -> memref<128xi32, #tpu.memory_space<vmem>>
    %dma_wait3A_63 = arith.constant 0 : i32
    %dma_wait3A_64 = arith.constant 0 : i32
    %dma_wait3A_65 = tpu.memref_slice %arg2[%dma_wait3A_63, %dma_wait3A_64] : memref<10112x128xf32, #tpu.memory_space<hbm>> -> memref<10112x128xf32, #tpu.memory_space<hbm>>
    tpu.wait_indirect_dma semaphore(%arg15 : memref<!tpu.dma_semaphore, #tpu.memory_space<semaphore_mem>>) src(%dma_wait3A_65 : memref<10112x128xf32, #tpu.memory_space<hbm>>) dst(%dma_wait3A_59 : memref<128x128xf32, #tpu.memory_space<vmem>>)
    %dma_start3A_66 = arith.constant 0 : i32
    %dma_start3A_67 = arith.constant 0 : i32
    %dma_start3A_68 = arith.constant 0 : i32
    %dma_start3A_69 = arith.constant 0 : i32
    %dma_start3A_70 = tpu.memref_slice %arg9[%dma_start3A_67, %dma_start3A_68, %dma_start3A_69] : memref<2x128x128xf32, #tpu.memory_space<vmem>> -> memref<1x128x128xf32, #tpu.memory_space<vmem>>
    %dma_start3A_71 = tpu.memref_squeeze %dma_start3A_70 : memref<1x128x128xf32, #tpu.memory_space<vmem>> -> memref<128x128xf32, #tpu.memory_space<vmem>>
    %dma_start3A_72 = arith.constant 0 : i32
    %dma_start3A_73 = tpu.memref_slice %arg12[%dma_start3A_66, %dma_start3A_72] : memref<2x128xi32, #tpu.memory_space<vmem>> -> memref<1x128xi32, #tpu.memory_space<vmem>>
    %dma_start3A_74 = tpu.memref_squeeze %dma_start3A_73 : memref<1x128xi32, #tpu.memory_space<vmem>> -> memref<128xi32, #tpu.memory_space<vmem>>
    %dma_start3A_75 = arith.constant 0 : i32
    %dma_start3A_76 = arith.constant 0 : i32
    %dma_start3A_77 = tpu.memref_slice %arg3[%dma_start3A_75, %dma_start3A_76] : memref<10112x128xf32, #tpu.memory_space<hbm>> -> memref<10112x128xf32, #tpu.memory_space<hbm>>
    tpu.enqueue_indirect_dma source(%dma_start3A_77 : memref<10112x128xf32, #tpu.memory_space<hbm>>) target(%dma_start3A_71 : memref<128x128xf32, #tpu.memory_space<vmem>>) offsets(%dma_start3A_74 : memref<128xi32, #tpu.memory_space<vmem>>) semaphore(%arg16 : memref<!tpu.dma_semaphore, #tpu.memory_space<semaphore_mem>>) {add = true}
    %dma_start3A_78 = arith.constant 0 : i32
    %dma_start3A_79 = arith.constant 0 : i32
    %dma_start3A_80 = tpu.memref_slice %arg12[%dma_start3A_78, %dma_start3A_79] : memref<2x128xi32, #tpu.memory_space<vmem>> -> memref<1x128xi32, #tpu.memory_space<vmem>>
    %dma_start3A_81 = tpu.memref_squeeze %dma_start3A_80 : memref<1x128xi32, #tpu.memory_space<vmem>> -> memref<128xi32, #tpu.memory_space<vmem>>
    %dma_start3A_82 = arith.constant 0 : i32
    %dma_start3A_83 = arith.constant 0 : i32
    %dma_start3A_84 = tpu.memref_slice %arg4[%dma_start3A_82, %dma_start3A_83] : memref<10112x128xf32, #tpu.memory_space<hbm>> -> memref<10112x128xf32, #tpu.memory_space<hbm>>
    tpu.enqueue_indirect_dma source(%dma_start3A_84 : memref<10112x128xf32, #tpu.memory_space<hbm>>) target(%arg10 : memref<128x128xf32, #tpu.memory_space<vmem>>) offsets(%dma_start3A_81 : memref<128xi32, #tpu.memory_space<vmem>>) semaphore(%arg17 : memref<!tpu.dma_semaphore, #tpu.memory_space<semaphore_mem>>)
    %jit3A = arith.constant 2 : i32
    %div3A = arith.divsi %add3A_1, %jit3A : i32
    %sign3A = arith.constant 0 : i32
    %sign3A_85 = arith.cmpi sgt, %add3A_1, %sign3A : i32
    %sign3A_86 = arith.extui %sign3A_85 : i1 to i32
    %sign3A_87 = arith.constant 0 : i32
    %sign3A_88 = arith.cmpi slt, %add3A_1, %sign3A_87 : i32
    %sign3A_89 = arith.extui %sign3A_88 : i1 to i32
    %sign3A_90 = arith.subi %sign3A_86, %sign3A_89 : i32
    %sign3A_91 = arith.constant 0 : i32
    %sign3A_92 = arith.cmpi sgt, %jit3A, %sign3A_91 : i32
    %sign3A_93 = arith.extui %sign3A_92 : i1 to i32
    %sign3A_94 = arith.constant 0 : i32
    %sign3A_95 = arith.cmpi slt, %jit3A, %sign3A_94 : i32
    %sign3A_96 = arith.extui %sign3A_95 : i1 to i32
    %sign3A_97 = arith.subi %sign3A_93, %sign3A_96 : i32
    %ne3A = arith.cmpi ne, %sign3A_90, %sign3A_97 : i32
    %rem3A = arith.remsi %add3A_1, %jit3A : i32
    %ne3A_98 = arith.constant 0 : i32
    %ne3A_99 = arith.cmpi ne, %rem3A, %ne3A_98 : i32
    %and3A = arith.andi %ne3A, %ne3A_99 : i1
    %sub3A = arith.constant 1 : i32
    %sub3A_100 = arith.subi %div3A, %sub3A : i32
    %select_n3A = arith.select %and3A, %sub3A_100, %div3A : i32
    %while3A = arith.constant 0 : i32
    %while3A_101 = arith.constant 0 : i32
    %while3A_102 = arith.subi %select_n3A, %while3A_101 : i32
    %while3A_103 = arith.addi %while3A_101, %while3A_102 : i32
    %while3A_104 = arith.constant 1 : i32
    %while3A_105 = arith.divsi %while3A_102, %while3A_104 : i32
    %while3A_106 = arith.muli %while3A_105, %while3A_104 : i32
    %while3A_107 = arith.addi %while3A_101, %while3A_106 : i32
    %while3A_108 = arith.constant 1 : i32
    scf.for %while3A_153 = %while3A_101 to %while3A_107 step %while3A_108  : i32 {
      %mul3A_154 = arith.constant 2 : i32
      %mul3A_155 = arith.muli %mul3A_154, %while3A_153 : i32
      %ge3A = arith.constant 1 : i32
      %ge3A_156 = arith.cmpi sge, %mul3A_155, %ge3A : i32
      %convert_element_type3A = arith.extui %ge3A_156 : i1 to i32
      %cond3A = arith.constant 0 : i32
      %cond3A_157 = arith.cmpi ne, %convert_element_type3A, %cond3A : i32
      scf.if %cond3A_157 {
        %dma_wait3A_258 = arith.constant 1 : i32
        %dma_wait3A_259 = arith.constant 1 : i32
        %dma_wait3A_260 = arith.constant 0 : i32
        %dma_wait3A_261 = arith.constant 0 : i32
        %dma_wait3A_262 = tpu.memref_slice %arg9[%dma_wait3A_258, %dma_wait3A_260, %dma_wait3A_261] : memref<2x128x128xf32, #tpu.memory_space<vmem>> -> memref<1x128x128xf32, #tpu.memory_space<vmem>>
        %dma_wait3A_263 = tpu.memref_squeeze %dma_wait3A_262 : memref<1x128x128xf32, #tpu.memory_space<vmem>> -> memref<128x128xf32, #tpu.memory_space<vmem>>
        %dma_wait3A_264 = arith.constant 0 : i32
        %dma_wait3A_265 = tpu.memref_slice %arg11[%dma_wait3A_259, %dma_wait3A_264] : memref<2x128xi32, #tpu.memory_space<vmem>> -> memref<1x128xi32, #tpu.memory_space<vmem>>
        %dma_wait3A_266 = tpu.memref_squeeze %dma_wait3A_265 : memref<1x128xi32, #tpu.memory_space<vmem>> -> memref<128xi32, #tpu.memory_space<vmem>>
        %dma_wait3A_267 = arith.constant 0 : i32
        %dma_wait3A_268 = arith.constant 0 : i32
        %dma_wait3A_269 = tpu.memref_slice %arg13[%dma_wait3A_267, %dma_wait3A_268] : memref<10112x128xf32, #tpu.memory_space<vmem_shared>> -> memref<10112x128xf32, #tpu.memory_space<vmem_shared>>
        tpu.wait_indirect_dma semaphore(%arg18 : memref<!tpu.dma_semaphore, #tpu.memory_space<semaphore_mem>>) src(%dma_wait3A_263 : memref<128x128xf32, #tpu.memory_space<vmem>>) dst(%dma_wait3A_269 : memref<10112x128xf32, #tpu.memory_space<vmem_shared>>)
      } else {
      }
      %sub3A_158 = arith.constant 2 : i32
      %sub3A_159 = arith.subi %add3A_1, %sub3A_158 : i32
      %le3A = arith.cmpi sle, %mul3A_155, %sub3A_159 : i32
      %convert_element_type3A_160 = arith.extui %le3A : i1 to i32
      %cond3A_161 = arith.constant 0 : i32
      %cond3A_162 = arith.cmpi ne, %convert_element_type3A_160, %cond3A_161 : i32
      scf.if %cond3A_162 {
        %add3A_258 = arith.addi %add3A_7, %mul3A_155 : i32
        %add3A_259 = arith.constant 1 : i32
        %add3A_260 = arith.addi %add3A_258, %add3A_259 : i32
        %run_scoped3A_261 = arith.constant 1 : i32
        "tpu.region"() ({
          %run_scoped3A_284 = tpu.sem_alloc : memref<!tpu.dma_semaphore, #tpu.memory_space<semaphore_mem>>
          %dma_start3A_285 = arith.constant 0 : i32
          %dma_start3A_286 = tpu.memref_slice %arg11[%run_scoped3A_261, %dma_start3A_285] : memref<2x128xi32, #tpu.memory_space<vmem>> -> memref<1x128xi32, #tpu.memory_space<vmem>>
          %dma_start3A_287 = tpu.memref_squeeze %dma_start3A_286 : memref<1x128xi32, #tpu.memory_space<vmem>> -> memref<128xi32, #tpu.memory_space<vmem>>
          %dma_start3A_288 = arith.constant 0 : i32
          %dma_start3A_289 = tpu.memref_slice %arg6[%add3A_260, %dma_start3A_288] : memref<2528x128xi32, #tpu.memory_space<hbm>> -> memref<1x128xi32, #tpu.memory_space<hbm>>
          %dma_start3A_290 = tpu.memref_squeeze %dma_start3A_289 : memref<1x128xi32, #tpu.memory_space<hbm>> -> memref<128xi32, #tpu.memory_space<hbm>>
          %dma_start3A_291 = arith.constant 0 : i32
          %dma_start3A_292 = tpu.memref_slice %arg11[%run_scoped3A_261, %dma_start3A_291] : memref<2x128xi32, #tpu.memory_space<vmem>> -> memref<1x128xi32, #tpu.memory_space<vmem>>
          %dma_start3A_293 = tpu.memref_squeeze %dma_start3A_292 : memref<1x128xi32, #tpu.memory_space<vmem>> -> memref<128xi32, #tpu.memory_space<vmem>>
          %dma_start3A_294 = arith.constant 0 : i32
          %dma_start3A_295 = tpu.memref_slice %arg6[%add3A_260, %dma_start3A_294] : memref<2528x128xi32, #tpu.memory_space<hbm>> -> memref<1x128xi32, #tpu.memory_space<hbm>>
          %dma_start3A_296 = tpu.memref_squeeze %dma_start3A_295 : memref<1x128xi32, #tpu.memory_space<hbm>> -> memref<128xi32, #tpu.memory_space<hbm>>
          tpu.enqueue_dma source(%dma_start3A_296 : memref<128xi32, #tpu.memory_space<hbm>>) target(%dma_start3A_293 : memref<128xi32, #tpu.memory_space<vmem>>) target_semaphore(%run_scoped3A_284 : memref<!tpu.dma_semaphore, #tpu.memory_space<semaphore_mem>>)
          %dma_wait3A_297 = arith.constant 0 : i32
          %dma_wait3A_298 = tpu.memref_slice %arg11[%run_scoped3A_261, %dma_wait3A_297] : memref<2x128xi32, #tpu.memory_space<vmem>> -> memref<1x128xi32, #tpu.memory_space<vmem>>
          %dma_wait3A_299 = tpu.memref_squeeze %dma_wait3A_298 : memref<1x128xi32, #tpu.memory_space<vmem>> -> memref<128xi32, #tpu.memory_space<vmem>>
          %dma_wait3A_300 = arith.constant 0 : i32
          %dma_wait3A_301 = tpu.memref_slice %arg6[%add3A_260, %dma_wait3A_300] : memref<2528x128xi32, #tpu.memory_space<hbm>> -> memref<1x128xi32, #tpu.memory_space<hbm>>
          %dma_wait3A_302 = tpu.memref_squeeze %dma_wait3A_301 : memref<1x128xi32, #tpu.memory_space<hbm>> -> memref<128xi32, #tpu.memory_space<hbm>>
          %dma_wait3A_303 = arith.constant 0 : i32
          %dma_wait3A_304 = tpu.memref_slice %arg11[%run_scoped3A_261, %dma_wait3A_303] : memref<2x128xi32, #tpu.memory_space<vmem>> -> memref<1x128xi32, #tpu.memory_space<vmem>>
          %dma_wait3A_305 = tpu.memref_squeeze %dma_wait3A_304 : memref<1x128xi32, #tpu.memory_space<vmem>> -> memref<128xi32, #tpu.memory_space<vmem>>
          %dma_wait3A_306 = arith.constant 0 : i32
          %dma_wait3A_307 = tpu.memref_slice %arg6[%add3A_260, %dma_wait3A_306] : memref<2528x128xi32, #tpu.memory_space<hbm>> -> memref<1x128xi32, #tpu.memory_space<hbm>>
          %dma_wait3A_308 = tpu.memref_squeeze %dma_wait3A_307 : memref<1x128xi32, #tpu.memory_space<hbm>> -> memref<128xi32, #tpu.memory_space<hbm>>
          tpu.wait_dma2 semaphore(%run_scoped3A_284 : memref<!tpu.dma_semaphore, #tpu.memory_space<semaphore_mem>>) src(%dma_wait3A_308 : memref<128xi32, #tpu.memory_space<hbm>>) dst(%dma_wait3A_305 : memref<128xi32, #tpu.memory_space<vmem>>)
          tpu.yield
        }) : () -> ()
        %add3A_262 = arith.addi %add3A_7, %mul3A_155 : i32
        %add3A_263 = arith.constant 1 : i32
        %add3A_264 = arith.addi %add3A_262, %add3A_263 : i32
        %run_scoped3A_265 = arith.constant 1 : i32
        "tpu.region"() ({
          %run_scoped3A_284 = tpu.sem_alloc : memref<!tpu.dma_semaphore, #tpu.memory_space<semaphore_mem>>
          %dma_start3A_285 = arith.constant 0 : i32
          %dma_start3A_286 = tpu.memref_slice %arg12[%run_scoped3A_265, %dma_start3A_285] : memref<2x128xi32, #tpu.memory_space<vmem>> -> memref<1x128xi32, #tpu.memory_space<vmem>>
          %dma_start3A_287 = tpu.memref_squeeze %dma_start3A_286 : memref<1x128xi32, #tpu.memory_space<vmem>> -> memref<128xi32, #tpu.memory_space<vmem>>
          %dma_start3A_288 = arith.constant 0 : i32
          %dma_start3A_289 = tpu.memref_slice %arg7[%add3A_264, %dma_start3A_288] : memref<2528x128xi32, #tpu.memory_space<hbm>> -> memref<1x128xi32, #tpu.memory_space<hbm>>
          %dma_start3A_290 = tpu.memref_squeeze %dma_start3A_289 : memref<1x128xi32, #tpu.memory_space<hbm>> -> memref<128xi32, #tpu.memory_space<hbm>>
          %dma_start3A_291 = arith.constant 0 : i32
          %dma_start3A_292 = tpu.memref_slice %arg12[%run_scoped3A_265, %dma_start3A_291] : memref<2x128xi32, #tpu.memory_space<vmem>> -> memref<1x128xi32, #tpu.memory_space<vmem>>
          %dma_start3A_293 = tpu.memref_squeeze %dma_start3A_292 : memref<1x128xi32, #tpu.memory_space<vmem>> -> memref<128xi32, #tpu.memory_space<vmem>>
          %dma_start3A_294 = arith.constant 0 : i32
          %dma_start3A_295 = tpu.memref_slice %arg7[%add3A_264, %dma_start3A_294] : memref<2528x128xi32, #tpu.memory_space<hbm>> -> memref<1x128xi32, #tpu.memory_space<hbm>>
          %dma_start3A_296 = tpu.memref_squeeze %dma_start3A_295 : memref<1x128xi32, #tpu.memory_space<hbm>> -> memref<128xi32, #tpu.memory_space<hbm>>
          tpu.enqueue_dma source(%dma_start3A_296 : memref<128xi32, #tpu.memory_space<hbm>>) target(%dma_start3A_293 : memref<128xi32, #tpu.memory_space<vmem>>) target_semaphore(%run_scoped3A_284 : memref<!tpu.dma_semaphore, #tpu.memory_space<semaphore_mem>>)
          %dma_wait3A_297 = arith.constant 0 : i32
          %dma_wait3A_298 = tpu.memref_slice %arg12[%run_scoped3A_265, %dma_wait3A_297] : memref<2x128xi32, #tpu.memory_space<vmem>> -> memref<1x128xi32, #tpu.memory_space<vmem>>
          %dma_wait3A_299 = tpu.memref_squeeze %dma_wait3A_298 : memref<1x128xi32, #tpu.memory_space<vmem>> -> memref<128xi32, #tpu.memory_space<vmem>>
          %dma_wait3A_300 = arith.constant 0 : i32
          %dma_wait3A_301 = tpu.memref_slice %arg7[%add3A_264, %dma_wait3A_300] : memref<2528x128xi32, #tpu.memory_space<hbm>> -> memref<1x128xi32, #tpu.memory_space<hbm>>
          %dma_wait3A_302 = tpu.memref_squeeze %dma_wait3A_301 : memref<1x128xi32, #tpu.memory_space<hbm>> -> memref<128xi32, #tpu.memory_space<hbm>>
          %dma_wait3A_303 = arith.constant 0 : i32
          %dma_wait3A_304 = tpu.memref_slice %arg12[%run_scoped3A_265, %dma_wait3A_303] : memref<2x128xi32, #tpu.memory_space<vmem>> -> memref<1x128xi32, #tpu.memory_space<vmem>>
          %dma_wait3A_305 = tpu.memref_squeeze %dma_wait3A_304 : memref<1x128xi32, #tpu.memory_space<vmem>> -> memref<128xi32, #tpu.memory_space<vmem>>
          %dma_wait3A_306 = arith.constant 0 : i32
          %dma_wait3A_307 = tpu.memref_slice %arg7[%add3A_264, %dma_wait3A_306] : memref<2528x128xi32, #tpu.memory_space<hbm>> -> memref<1x128xi32, #tpu.memory_space<hbm>>
          %dma_wait3A_308 = tpu.memref_squeeze %dma_wait3A_307 : memref<1x128xi32, #tpu.memory_space<hbm>> -> memref<128xi32, #tpu.memory_space<hbm>>
          tpu.wait_dma2 semaphore(%run_scoped3A_284 : memref<!tpu.dma_semaphore, #tpu.memory_space<semaphore_mem>>) src(%dma_wait3A_308 : memref<128xi32, #tpu.memory_space<hbm>>) dst(%dma_wait3A_305 : memref<128xi32, #tpu.memory_space<vmem>>)
          tpu.yield
        }) : () -> ()
        %add3A_266 = arith.constant 1 : i32
        %add3A_267 = arith.addi %mul3A_155, %add3A_266 : i32
        %add3A_268 = arith.addi %add3A_7, %add3A_267 : i32
        %mul3A_269 = arith.constant 128 : i32
        %mul3A_270 = arith.muli %add3A_268, %mul3A_269 : i32
        %dma_start3A_271 = arith.constant 1 : i32
        %dma_start3A_272 = arith.constant 0 : i32
        %dma_start3A_273 = arith.constant 0 : i32
        %dma_start3A_274 = tpu.memref_slice %arg9[%dma_start3A_271, %dma_start3A_272, %dma_start3A_273] : memref<2x128x128xf32, #tpu.memory_space<vmem>> -> memref<1x128x128xf32, #tpu.memory_space<vmem>>
        %dma_start3A_275 = tpu.memref_squeeze %dma_start3A_274 : memref<1x128x128xf32, #tpu.memory_space<vmem>> -> memref<128x128xf32, #tpu.memory_space<vmem>>
        %dma_start3A_276 = arith.constant 0 : i32
        %dma_start3A_277 = tpu.memref_slice %arg5[%mul3A_270, %dma_start3A_276] : memref<323584x128xf32, #tpu.memory_space<hbm>> -> memref<128x128xf32, #tpu.memory_space<hbm>>
        %dma_start3A_278 = arith.constant 0 : i32
        %dma_start3A_279 = arith.constant 0 : i32
        %dma_start3A_280 = tpu.memref_slice %arg9[%dma_start3A_271, %dma_start3A_278, %dma_start3A_279] : memref<2x128x128xf32, #tpu.memory_space<vmem>> -> memref<1x128x128xf32, #tpu.memory_space<vmem>>
        %dma_start3A_281 = tpu.memref_squeeze %dma_start3A_280 : memref<1x128x128xf32, #tpu.memory_space<vmem>> -> memref<128x128xf32, #tpu.memory_space<vmem>>
        %dma_start3A_282 = arith.constant 0 : i32
        %dma_start3A_283 = tpu.memref_slice %arg5[%mul3A_270, %dma_start3A_282] : memref<323584x128xf32, #tpu.memory_space<hbm>> -> memref<128x128xf32, #tpu.memory_space<hbm>>
        tpu.enqueue_dma source(%dma_start3A_283 : memref<128x128xf32, #tpu.memory_space<hbm>>) target(%dma_start3A_281 : memref<128x128xf32, #tpu.memory_space<vmem>>) target_semaphore(%arg14 : memref<!tpu.dma_semaphore, #tpu.memory_space<semaphore_mem>>)
      } else {
      }
      %dma_wait3A_163 = arith.constant 0 : i32
      %dma_wait3A_164 = arith.constant 0 : i32
      %dma_wait3A_165 = arith.constant 0 : i32
      %dma_wait3A_166 = arith.constant 0 : i32
      %dma_wait3A_167 = tpu.memref_slice %arg9[%dma_wait3A_164, %dma_wait3A_165, %dma_wait3A_166] : memref<2x128x128xf32, #tpu.memory_space<vmem>> -> memref<1x128x128xf32, #tpu.memory_space<vmem>>
      %dma_wait3A_168 = tpu.memref_squeeze %dma_wait3A_167 : memref<1x128x128xf32, #tpu.memory_space<vmem>> -> memref<128x128xf32, #tpu.memory_space<vmem>>
      %dma_wait3A_169 = arith.constant 0 : i32
      %dma_wait3A_170 = tpu.memref_slice %arg12[%dma_wait3A_163, %dma_wait3A_169] : memref<2x128xi32, #tpu.memory_space<vmem>> -> memref<1x128xi32, #tpu.memory_space<vmem>>
      %dma_wait3A_171 = tpu.memref_squeeze %dma_wait3A_170 : memref<1x128xi32, #tpu.memory_space<vmem>> -> memref<128xi32, #tpu.memory_space<vmem>>
      %dma_wait3A_172 = arith.constant 0 : i32
      %dma_wait3A_173 = arith.constant 0 : i32
      %dma_wait3A_174 = tpu.memref_slice %arg3[%dma_wait3A_172, %dma_wait3A_173] : memref<10112x128xf32, #tpu.memory_space<hbm>> -> memref<10112x128xf32, #tpu.memory_space<hbm>>
      tpu.wait_indirect_dma semaphore(%arg16 : memref<!tpu.dma_semaphore, #tpu.memory_space<semaphore_mem>>) src(%dma_wait3A_174 : memref<10112x128xf32, #tpu.memory_space<hbm>>) dst(%dma_wait3A_168 : memref<128x128xf32, #tpu.memory_space<vmem>>)
      %dma_wait3A_175 = arith.constant 0 : i32
      %dma_wait3A_176 = arith.constant 0 : i32
      %dma_wait3A_177 = tpu.memref_slice %arg12[%dma_wait3A_175, %dma_wait3A_176] : memref<2x128xi32, #tpu.memory_space<vmem>> -> memref<1x128xi32, #tpu.memory_space<vmem>>
      %dma_wait3A_178 = tpu.memref_squeeze %dma_wait3A_177 : memref<1x128xi32, #tpu.memory_space<vmem>> -> memref<128xi32, #tpu.memory_space<vmem>>
      %dma_wait3A_179 = arith.constant 0 : i32
      %dma_wait3A_180 = arith.constant 0 : i32
      %dma_wait3A_181 = tpu.memref_slice %arg4[%dma_wait3A_179, %dma_wait3A_180] : memref<10112x128xf32, #tpu.memory_space<hbm>> -> memref<10112x128xf32, #tpu.memory_space<hbm>>
      tpu.wait_indirect_dma semaphore(%arg17 : memref<!tpu.dma_semaphore, #tpu.memory_space<semaphore_mem>>) src(%dma_wait3A_181 : memref<10112x128xf32, #tpu.memory_space<hbm>>) dst(%arg10 : memref<128x128xf32, #tpu.memory_space<vmem>>)
      %scan3A_182 = arith.constant 0 : i32
      %scan3A_183 = arith.constant 0 : i32
      %scan3A_184 = arith.constant 128 : i32
      %scan3A_185 = arith.addi %scan3A_183, %scan3A_184 : i32
      %scan3A_186 = arith.constant 1 : i32
      scf.for %scan3A_258 = %scan3A_183 to %scan3A_185 step %scan3A_186  : i32 {
        %get3A = arith.index_cast %scan3A_258 : i32 to index
        %get3A_259 = arith.constant 0 : index
        %get3A_260 = tpu.vector_load %arg10[%get3A, %get3A_259] {strides = array<i32>} : memref<128x128xf32, #tpu.memory_space<vmem>>, vector<1x16xf32>,
        %get3A_261 = vector.shape_cast %get3A_260 : vector<1x16xf32> to vector<16xf32>
        %get3A_262 = arith.constant 0 : i32
        %get3A_263 = arith.index_cast %get3A_262 : i32 to index
        %get3A_264 = arith.index_cast %scan3A_258 : i32 to index
        %get3A_265 = arith.constant 0 : index
        %get3A_266 = tpu.vector_load %arg9[%get3A_263, %get3A_264, %get3A_265] {strides = array<i32>} : memref<2x128x128xf32, #tpu.memory_space<vmem>>, vector<1x1x16xf32>,
        %get3A_267 = vector.shape_cast %get3A_266 : vector<1x1x16xf32> to vector<16xf32>
        %neg3A = arith.constant 0.000000e+00 : f32
        %neg3A_268 = vector.broadcast %neg3A : f32 to vector<16xf32>
        %neg3A_269 = arith.subf %neg3A_268, %get3A_267 : vector<16xf32>
        %exp3A = math.exp %neg3A_269 : vector<16xf32>
        %add3A_270 = arith.constant 1.000000e+00 : f32
        %add3A_271 = vector.broadcast %add3A_270 : f32 to vector<16xf32>
        %add3A_272 = arith.addf %add3A_271, %exp3A : vector<16xf32>
        %div3A_273 = arith.divf %get3A_261, %add3A_272 : vector<16xf32>
        %swap3A = arith.constant 0 : i32
        %swap3A_274 = arith.index_cast %swap3A : i32 to index
        %swap3A_275 = arith.index_cast %scan3A_258 : i32 to index
        %swap3A_276 = arith.constant 0 : index
        %swap3A_277 = tpu.vector_load %arg9[%swap3A_274, %swap3A_275, %swap3A_276] {strides = array<i32>} : memref<2x128x128xf32, #tpu.memory_space<vmem>>, vector<1x1x16xf32>,
        %swap3A_278 = vector.shape_cast %swap3A_277 : vector<1x1x16xf32> to vector<16xf32>
        %swap3A_279 = vector.shape_cast %div3A_273 : vector<16xf32> to vector<1x1x16xf32>
        tpu.vector_store %arg9[%swap3A_274, %swap3A_275, %swap3A_276], %swap3A_279 {strides = array<i32>} : memref<2x128x128xf32, #tpu.memory_space<vmem>>, vector<1x1x16xf32>,
        %get3A_280 = arith.index_cast %scan3A_258 : i32 to index
        %get3A_281 = arith.constant 16 : index
        %get3A_282 = tpu.vector_load %arg10[%get3A_280, %get3A_281] {strides = array<i32>} : memref<128x128xf32, #tpu.memory_space<vmem>>, vector<1x16xf32>,
        %get3A_283 = vector.shape_cast %get3A_282 : vector<1x16xf32> to vector<16xf32>
        %get3A_284 = arith.constant 0 : i32
        %get3A_285 = arith.index_cast %get3A_284 : i32 to index
        %get3A_286 = arith.index_cast %scan3A_258 : i32 to index
        %get3A_287 = arith.constant 16 : index
        %get3A_288 = tpu.vector_load %arg9[%get3A_285, %get3A_286, %get3A_287] {strides = array<i32>} : memref<2x128x128xf32, #tpu.memory_space<vmem>>, vector<1x1x16xf32>,
        %get3A_289 = vector.shape_cast %get3A_288 : vector<1x1x16xf32> to vector<16xf32>
        %neg3A_290 = arith.constant 0.000000e+00 : f32
        %neg3A_291 = vector.broadcast %neg3A_290 : f32 to vector<16xf32>
        %neg3A_292 = arith.subf %neg3A_291, %get3A_289 : vector<16xf32>
        %exp3A_293 = math.exp %neg3A_292 : vector<16xf32>
        %add3A_294 = arith.constant 1.000000e+00 : f32
        %add3A_295 = vector.broadcast %add3A_294 : f32 to vector<16xf32>
        %add3A_296 = arith.addf %add3A_295, %exp3A_293 : vector<16xf32>
        %div3A_297 = arith.divf %get3A_283, %add3A_296 : vector<16xf32>
        %swap3A_298 = arith.constant 0 : i32
        %swap3A_299 = arith.index_cast %swap3A_298 : i32 to index
        %swap3A_300 = arith.index_cast %scan3A_258 : i32 to index
        %swap3A_301 = arith.constant 16 : index
        %swap3A_302 = tpu.vector_load %arg9[%swap3A_299, %swap3A_300, %swap3A_301] {strides = array<i32>} : memref<2x128x128xf32, #tpu.memory_space<vmem>>, vector<1x1x16xf32>,
        %swap3A_303 = vector.shape_cast %swap3A_302 : vector<1x1x16xf32> to vector<16xf32>
        %swap3A_304 = vector.shape_cast %div3A_297 : vector<16xf32> to vector<1x1x16xf32>
        tpu.vector_store %arg9[%swap3A_299, %swap3A_300, %swap3A_301], %swap3A_304 {strides = array<i32>} : memref<2x128x128xf32, #tpu.memory_space<vmem>>, vector<1x1x16xf32>,
        %get3A_305 = arith.index_cast %scan3A_258 : i32 to index
        %get3A_306 = arith.constant 32 : index
        %get3A_307 = tpu.vector_load %arg10[%get3A_305, %get3A_306] {strides = array<i32>} : memref<128x128xf32, #tpu.memory_space<vmem>>, vector<1x16xf32>,
        %get3A_308 = vector.shape_cast %get3A_307 : vector<1x16xf32> to vector<16xf32>
        %get3A_309 = arith.constant 0 : i32
        %get3A_310 = arith.index_cast %get3A_309 : i32 to index
        %get3A_311 = arith.index_cast %scan3A_258 : i32 to index
        %get3A_312 = arith.constant 32 : index
        %get3A_313 = tpu.vector_load %arg9[%get3A_310, %get3A_311, %get3A_312] {strides = array<i32>} : memref<2x128x128xf32, #tpu.memory_space<vmem>>, vector<1x1x16xf32>,
        %get3A_314 = vector.shape_cast %get3A_313 : vector<1x1x16xf32> to vector<16xf32>
        %neg3A_315 = arith.constant 0.000000e+00 : f32
        %neg3A_316 = vector.broadcast %neg3A_315 : f32 to vector<16xf32>
        %neg3A_317 = arith.subf %neg3A_316, %get3A_314 : vector<16xf32>
        %exp3A_318 = math.exp %neg3A_317 : vector<16xf32>
        %add3A_319 = arith.constant 1.000000e+00 : f32
        %add3A_320 = vector.broadcast %add3A_319 : f32 to vector<16xf32>
        %add3A_321 = arith.addf %add3A_320, %exp3A_318 : vector<16xf32>
        %div3A_322 = arith.divf %get3A_308, %add3A_321 : vector<16xf32>
        %swap3A_323 = arith.constant 0 : i32
        %swap3A_324 = arith.index_cast %swap3A_323 : i32 to index
        %swap3A_325 = arith.index_cast %scan3A_258 : i32 to index
        %swap3A_326 = arith.constant 32 : index
        %swap3A_327 = tpu.vector_load %arg9[%swap3A_324, %swap3A_325, %swap3A_326] {strides = array<i32>} : memref<2x128x128xf32, #tpu.memory_space<vmem>>, vector<1x1x16xf32>,
        %swap3A_328 = vector.shape_cast %swap3A_327 : vector<1x1x16xf32> to vector<16xf32>
        %swap3A_329 = vector.shape_cast %div3A_322 : vector<16xf32> to vector<1x1x16xf32>
        tpu.vector_store %arg9[%swap3A_324, %swap3A_325, %swap3A_326], %swap3A_329 {strides = array<i32>} : memref<2x128x128xf32, #tpu.memory_space<vmem>>, vector<1x1x16xf32>,
        %get3A_330 = arith.index_cast %scan3A_258 : i32 to index
        %get3A_331 = arith.constant 48 : index
        %get3A_332 = tpu.vector_load %arg10[%get3A_330, %get3A_331] {strides = array<i32>} : memref<128x128xf32, #tpu.memory_space<vmem>>, vector<1x16xf32>,
        %get3A_333 = vector.shape_cast %get3A_332 : vector<1x16xf32> to vector<16xf32>
        %get3A_334 = arith.constant 0 : i32
        %get3A_335 = arith.index_cast %get3A_334 : i32 to index
        %get3A_336 = arith.index_cast %scan3A_258 : i32 to index
        %get3A_337 = arith.constant 48 : index
        %get3A_338 = tpu.vector_load %arg9[%get3A_335, %get3A_336, %get3A_337] {strides = array<i32>} : memref<2x128x128xf32, #tpu.memory_space<vmem>>, vector<1x1x16xf32>,
        %get3A_339 = vector.shape_cast %get3A_338 : vector<1x1x16xf32> to vector<16xf32>
        %neg3A_340 = arith.constant 0.000000e+00 : f32
        %neg3A_341 = vector.broadcast %neg3A_340 : f32 to vector<16xf32>
        %neg3A_342 = arith.subf %neg3A_341, %get3A_339 : vector<16xf32>
        %exp3A_343 = math.exp %neg3A_342 : vector<16xf32>
        %add3A_344 = arith.constant 1.000000e+00 : f32
        %add3A_345 = vector.broadcast %add3A_344 : f32 to vector<16xf32>
        %add3A_346 = arith.addf %add3A_345, %exp3A_343 : vector<16xf32>
        %div3A_347 = arith.divf %get3A_333, %add3A_346 : vector<16xf32>
        %swap3A_348 = arith.constant 0 : i32
        %swap3A_349 = arith.index_cast %swap3A_348 : i32 to index
        %swap3A_350 = arith.index_cast %scan3A_258 : i32 to index
        %swap3A_351 = arith.constant 48 : index
        %swap3A_352 = tpu.vector_load %arg9[%swap3A_349, %swap3A_350, %swap3A_351] {strides = array<i32>} : memref<2x128x128xf32, #tpu.memory_space<vmem>>, vector<1x1x16xf32>,
        %swap3A_353 = vector.shape_cast %swap3A_352 : vector<1x1x16xf32> to vector<16xf32>
        %swap3A_354 = vector.shape_cast %div3A_347 : vector<16xf32> to vector<1x1x16xf32>
        tpu.vector_store %arg9[%swap3A_349, %swap3A_350, %swap3A_351], %swap3A_354 {strides = array<i32>} : memref<2x128x128xf32, #tpu.memory_space<vmem>>, vector<1x1x16xf32>,
        %get3A_355 = arith.index_cast %scan3A_258 : i32 to index
        %get3A_356 = arith.constant 64 : index
        %get3A_357 = tpu.vector_load %arg10[%get3A_355, %get3A_356] {strides = array<i32>} : memref<128x128xf32, #tpu.memory_space<vmem>>, vector<1x16xf32>,
        %get3A_358 = vector.shape_cast %get3A_357 : vector<1x16xf32> to vector<16xf32>
        %get3A_359 = arith.constant 0 : i32
        %get3A_360 = arith.index_cast %get3A_359 : i32 to index
        %get3A_361 = arith.index_cast %scan3A_258 : i32 to index
        %get3A_362 = arith.constant 64 : index
        %get3A_363 = tpu.vector_load %arg9[%get3A_360, %get3A_361, %get3A_362] {strides = array<i32>} : memref<2x128x128xf32, #tpu.memory_space<vmem>>, vector<1x1x16xf32>,
        %get3A_364 = vector.shape_cast %get3A_363 : vector<1x1x16xf32> to vector<16xf32>
        %neg3A_365 = arith.constant 0.000000e+00 : f32
        %neg3A_366 = vector.broadcast %neg3A_365 : f32 to vector<16xf32>
        %neg3A_367 = arith.subf %neg3A_366, %get3A_364 : vector<16xf32>
        %exp3A_368 = math.exp %neg3A_367 : vector<16xf32>
        %add3A_369 = arith.constant 1.000000e+00 : f32
        %add3A_370 = vector.broadcast %add3A_369 : f32 to vector<16xf32>
        %add3A_371 = arith.addf %add3A_370, %exp3A_368 : vector<16xf32>
        %div3A_372 = arith.divf %get3A_358, %add3A_371 : vector<16xf32>
        %swap3A_373 = arith.constant 0 : i32
        %swap3A_374 = arith.index_cast %swap3A_373 : i32 to index
        %swap3A_375 = arith.index_cast %scan3A_258 : i32 to index
        %swap3A_376 = arith.constant 64 : index
        %swap3A_377 = tpu.vector_load %arg9[%swap3A_374, %swap3A_375, %swap3A_376] {strides = array<i32>} : memref<2x128x128xf32, #tpu.memory_space<vmem>>, vector<1x1x16xf32>,
        %swap3A_378 = vector.shape_cast %swap3A_377 : vector<1x1x16xf32> to vector<16xf32>
        %swap3A_379 = vector.shape_cast %div3A_372 : vector<16xf32> to vector<1x1x16xf32>
        tpu.vector_store %arg9[%swap3A_374, %swap3A_375, %swap3A_376], %swap3A_379 {strides = array<i32>} : memref<2x128x128xf32, #tpu.memory_space<vmem>>, vector<1x1x16xf32>,
        %get3A_380 = arith.index_cast %scan3A_258 : i32 to index
        %get3A_381 = arith.constant 80 : index
        %get3A_382 = tpu.vector_load %arg10[%get3A_380, %get3A_381] {strides = array<i32>} : memref<128x128xf32, #tpu.memory_space<vmem>>, vector<1x16xf32>,
        %get3A_383 = vector.shape_cast %get3A_382 : vector<1x16xf32> to vector<16xf32>
        %get3A_384 = arith.constant 0 : i32
        %get3A_385 = arith.index_cast %get3A_384 : i32 to index
        %get3A_386 = arith.index_cast %scan3A_258 : i32 to index
        %get3A_387 = arith.constant 80 : index
        %get3A_388 = tpu.vector_load %arg9[%get3A_385, %get3A_386, %get3A_387] {strides = array<i32>} : memref<2x128x128xf32, #tpu.memory_space<vmem>>, vector<1x1x16xf32>,
        %get3A_389 = vector.shape_cast %get3A_388 : vector<1x1x16xf32> to vector<16xf32>
        %neg3A_390 = arith.constant 0.000000e+00 : f32
        %neg3A_391 = vector.broadcast %neg3A_390 : f32 to vector<16xf32>
        %neg3A_392 = arith.subf %neg3A_391, %get3A_389 : vector<16xf32>
        %exp3A_393 = math.exp %neg3A_392 : vector<16xf32>
        %add3A_394 = arith.constant 1.000000e+00 : f32
        %add3A_395 = vector.broadcast %add3A_394 : f32 to vector<16xf32>
        %add3A_396 = arith.addf %add3A_395, %exp3A_393 : vector<16xf32>
        %div3A_397 = arith.divf %get3A_383, %add3A_396 : vector<16xf32>
        %swap3A_398 = arith.constant 0 : i32
        %swap3A_399 = arith.index_cast %swap3A_398 : i32 to index
        %swap3A_400 = arith.index_cast %scan3A_258 : i32 to index
        %swap3A_401 = arith.constant 80 : index
        %swap3A_402 = tpu.vector_load %arg9[%swap3A_399, %swap3A_400, %swap3A_401] {strides = array<i32>} : memref<2x128x128xf32, #tpu.memory_space<vmem>>, vector<1x1x16xf32>,
        %swap3A_403 = vector.shape_cast %swap3A_402 : vector<1x1x16xf32> to vector<16xf32>
        %swap3A_404 = vector.shape_cast %div3A_397 : vector<16xf32> to vector<1x1x16xf32>
        tpu.vector_store %arg9[%swap3A_399, %swap3A_400, %swap3A_401], %swap3A_404 {strides = array<i32>} : memref<2x128x128xf32, #tpu.memory_space<vmem>>, vector<1x1x16xf32>,
        %get3A_405 = arith.index_cast %scan3A_258 : i32 to index
        %get3A_406 = arith.constant 96 : index
        %get3A_407 = tpu.vector_load %arg10[%get3A_405, %get3A_406] {strides = array<i32>} : memref<128x128xf32, #tpu.memory_space<vmem>>, vector<1x16xf32>,
        %get3A_408 = vector.shape_cast %get3A_407 : vector<1x16xf32> to vector<16xf32>
        %get3A_409 = arith.constant 0 : i32
        %get3A_410 = arith.index_cast %get3A_409 : i32 to index
        %get3A_411 = arith.index_cast %scan3A_258 : i32 to index
        %get3A_412 = arith.constant 96 : index
        %get3A_413 = tpu.vector_load %arg9[%get3A_410, %get3A_411, %get3A_412] {strides = array<i32>} : memref<2x128x128xf32, #tpu.memory_space<vmem>>, vector<1x1x16xf32>,
        %get3A_414 = vector.shape_cast %get3A_413 : vector<1x1x16xf32> to vector<16xf32>
        %neg3A_415 = arith.constant 0.000000e+00 : f32
        %neg3A_416 = vector.broadcast %neg3A_415 : f32 to vector<16xf32>
        %neg3A_417 = arith.subf %neg3A_416, %get3A_414 : vector<16xf32>
        %exp3A_418 = math.exp %neg3A_417 : vector<16xf32>
        %add3A_419 = arith.constant 1.000000e+00 : f32
        %add3A_420 = vector.broadcast %add3A_419 : f32 to vector<16xf32>
        %add3A_421 = arith.addf %add3A_420, %exp3A_418 : vector<16xf32>
        %div3A_422 = arith.divf %get3A_408, %add3A_421 : vector<16xf32>
        %swap3A_423 = arith.constant 0 : i32
        %swap3A_424 = arith.index_cast %swap3A_423 : i32 to index
        %swap3A_425 = arith.index_cast %scan3A_258 : i32 to index
        %swap3A_426 = arith.constant 96 : index
        %swap3A_427 = tpu.vector_load %arg9[%swap3A_424, %swap3A_425, %swap3A_426] {strides = array<i32>} : memref<2x128x128xf32, #tpu.memory_space<vmem>>, vector<1x1x16xf32>,
        %swap3A_428 = vector.shape_cast %swap3A_427 : vector<1x1x16xf32> to vector<16xf32>
        %swap3A_429 = vector.shape_cast %div3A_422 : vector<16xf32> to vector<1x1x16xf32>
        tpu.vector_store %arg9[%swap3A_424, %swap3A_425, %swap3A_426], %swap3A_429 {strides = array<i32>} : memref<2x128x128xf32, #tpu.memory_space<vmem>>, vector<1x1x16xf32>,
        %get3A_430 = arith.index_cast %scan3A_258 : i32 to index
        %get3A_431 = arith.constant 112 : index
        %get3A_432 = tpu.vector_load %arg10[%get3A_430, %get3A_431] {strides = array<i32>} : memref<128x128xf32, #tpu.memory_space<vmem>>, vector<1x16xf32>,
        %get3A_433 = vector.shape_cast %get3A_432 : vector<1x16xf32> to vector<16xf32>
        %get3A_434 = arith.constant 0 : i32
        %get3A_435 = arith.index_cast %get3A_434 : i32 to index
        %get3A_436 = arith.index_cast %scan3A_258 : i32 to index
        %get3A_437 = arith.constant 112 : index
        %get3A_438 = tpu.vector_load %arg9[%get3A_435, %get3A_436, %get3A_437] {strides = array<i32>} : memref<2x128x128xf32, #tpu.memory_space<vmem>>, vector<1x1x16xf32>,
        %get3A_439 = vector.shape_cast %get3A_438 : vector<1x1x16xf32> to vector<16xf32>
        %neg3A_440 = arith.constant 0.000000e+00 : f32
        %neg3A_441 = vector.broadcast %neg3A_440 : f32 to vector<16xf32>
        %neg3A_442 = arith.subf %neg3A_441, %get3A_439 : vector<16xf32>
        %exp3A_443 = math.exp %neg3A_442 : vector<16xf32>
        %add3A_444 = arith.constant 1.000000e+00 : f32
        %add3A_445 = vector.broadcast %add3A_444 : f32 to vector<16xf32>
        %add3A_446 = arith.addf %add3A_445, %exp3A_443 : vector<16xf32>
        %div3A_447 = arith.divf %get3A_433, %add3A_446 : vector<16xf32>
        %swap3A_448 = arith.constant 0 : i32
        %swap3A_449 = arith.index_cast %swap3A_448 : i32 to index
        %swap3A_450 = arith.index_cast %scan3A_258 : i32 to index
        %swap3A_451 = arith.constant 112 : index
        %swap3A_452 = tpu.vector_load %arg9[%swap3A_449, %swap3A_450, %swap3A_451] {strides = array<i32>} : memref<2x128x128xf32, #tpu.memory_space<vmem>>, vector<1x1x16xf32>,
        %swap3A_453 = vector.shape_cast %swap3A_452 : vector<1x1x16xf32> to vector<16xf32>
        %swap3A_454 = vector.shape_cast %div3A_447 : vector<16xf32> to vector<1x1x16xf32>
        tpu.vector_store %arg9[%swap3A_449, %swap3A_450, %swap3A_451], %swap3A_454 {strides = array<i32>} : memref<2x128x128xf32, #tpu.memory_space<vmem>>, vector<1x1x16xf32>,
      }
      %scan3A_187 = arith.constant 128 : i32
      %dma_start3A_188 = arith.constant 0 : i32
      %dma_start3A_189 = arith.constant 0 : i32
      %dma_start3A_190 = arith.constant 0 : i32
      %dma_start3A_191 = arith.constant 0 : i32
      %dma_start3A_192 = tpu.memref_slice %arg9[%dma_start3A_188, %dma_start3A_190, %dma_start3A_191] : memref<2x128x128xf32, #tpu.memory_space<vmem>> -> memref<1x128x128xf32, #tpu.memory_space<vmem>>
      %dma_start3A_193 = tpu.memref_squeeze %dma_start3A_192 : memref<1x128x128xf32, #tpu.memory_space<vmem>> -> memref<128x128xf32, #tpu.memory_space<vmem>>
      %dma_start3A_194 = arith.constant 0 : i32
      %dma_start3A_195 = tpu.memref_slice %arg11[%dma_start3A_189, %dma_start3A_194] : memref<2x128xi32, #tpu.memory_space<vmem>> -> memref<1x128xi32, #tpu.memory_space<vmem>>
      %dma_start3A_196 = tpu.memref_squeeze %dma_start3A_195 : memref<1x128xi32, #tpu.memory_space<vmem>> -> memref<128xi32, #tpu.memory_space<vmem>>
      %dma_start3A_197 = arith.constant 0 : i32
      %dma_start3A_198 = arith.constant 0 : i32
      %dma_start3A_199 = tpu.memref_slice %arg13[%dma_start3A_197, %dma_start3A_198] : memref<10112x128xf32, #tpu.memory_space<vmem_shared>> -> memref<10112x128xf32, #tpu.memory_space<vmem_shared>>
      tpu.enqueue_indirect_dma source(%dma_start3A_193 : memref<128x128xf32, #tpu.memory_space<vmem>>) target(%dma_start3A_199 : memref<10112x128xf32, #tpu.memory_space<vmem_shared>>) offsets(%dma_start3A_196 : memref<128xi32, #tpu.memory_space<vmem>>) semaphore(%arg18 : memref<!tpu.dma_semaphore, #tpu.memory_space<semaphore_mem>>) {add = true}
      %convert_element_type3A_200 = arith.extui %le3A : i1 to i32
      %cond3A_201 = arith.constant 0 : i32
      %cond3A_202 = arith.cmpi ne, %convert_element_type3A_200, %cond3A_201 : i32
      scf.if %cond3A_202 {
        %add3A_258 = arith.constant 1 : i32
        %add3A_259 = arith.addi %mul3A_155, %add3A_258 : i32
        %add3A_260 = arith.addi %add3A_7, %add3A_259 : i32
        %mul3A_261 = arith.constant 128 : i32
        %mul3A_262 = arith.muli %add3A_260, %mul3A_261 : i32
        %dma_wait3A_263 = arith.constant 1 : i32
        %dma_wait3A_264 = arith.constant 0 : i32
        %dma_wait3A_265 = arith.constant 0 : i32
        %dma_wait3A_266 = tpu.memref_slice %arg9[%dma_wait3A_263, %dma_wait3A_264, %dma_wait3A_265] : memref<2x128x128xf32, #tpu.memory_space<vmem>> -> memref<1x128x128xf32, #tpu.memory_space<vmem>>
        %dma_wait3A_267 = tpu.memref_squeeze %dma_wait3A_266 : memref<1x128x128xf32, #tpu.memory_space<vmem>> -> memref<128x128xf32, #tpu.memory_space<vmem>>
        %dma_wait3A_268 = arith.constant 0 : i32
        %dma_wait3A_269 = tpu.memref_slice %arg5[%mul3A_262, %dma_wait3A_268] : memref<323584x128xf32, #tpu.memory_space<hbm>> -> memref<128x128xf32, #tpu.memory_space<hbm>>
        %dma_wait3A_270 = arith.constant 0 : i32
        %dma_wait3A_271 = arith.constant 0 : i32
        %dma_wait3A_272 = tpu.memref_slice %arg9[%dma_wait3A_263, %dma_wait3A_270, %dma_wait3A_271] : memref<2x128x128xf32, #tpu.memory_space<vmem>> -> memref<1x128x128xf32, #tpu.memory_space<vmem>>
        %dma_wait3A_273 = tpu.memref_squeeze %dma_wait3A_272 : memref<1x128x128xf32, #tpu.memory_space<vmem>> -> memref<128x128xf32, #tpu.memory_space<vmem>>
        %dma_wait3A_274 = arith.constant 0 : i32
        %dma_wait3A_275 = tpu.memref_slice %arg5[%mul3A_262, %dma_wait3A_274] : memref<323584x128xf32, #tpu.memory_space<hbm>> -> memref<128x128xf32, #tpu.memory_space<hbm>>
        tpu.wait_dma2 semaphore(%arg14 : memref<!tpu.dma_semaphore, #tpu.memory_space<semaphore_mem>>) src(%dma_wait3A_275 : memref<128x128xf32, #tpu.memory_space<hbm>>) dst(%dma_wait3A_273 : memref<128x128xf32, #tpu.memory_space<vmem>>)
        %dma_start3A_276 = arith.constant 1 : i32
        %dma_start3A_277 = arith.constant 1 : i32
        %dma_start3A_278 = arith.constant 0 : i32
        %dma_start3A_279 = arith.constant 0 : i32
        %dma_start3A_280 = tpu.memref_slice %arg9[%dma_start3A_277, %dma_start3A_278, %dma_start3A_279] : memref<2x128x128xf32, #tpu.memory_space<vmem>> -> memref<1x128x128xf32, #tpu.memory_space<vmem>>
        %dma_start3A_281 = tpu.memref_squeeze %dma_start3A_280 : memref<1x128x128xf32, #tpu.memory_space<vmem>> -> memref<128x128xf32, #tpu.memory_space<vmem>>
        %dma_start3A_282 = arith.constant 0 : i32
        %dma_start3A_283 = tpu.memref_slice %arg11[%dma_start3A_276, %dma_start3A_282] : memref<2x128xi32, #tpu.memory_space<vmem>> -> memref<1x128xi32, #tpu.memory_space<vmem>>
        %dma_start3A_284 = tpu.memref_squeeze %dma_start3A_283 : memref<1x128xi32, #tpu.memory_space<vmem>> -> memref<128xi32, #tpu.memory_space<vmem>>
        %dma_start3A_285 = arith.constant 0 : i32
        %dma_start3A_286 = arith.constant 0 : i32
        %dma_start3A_287 = tpu.memref_slice %arg2[%dma_start3A_285, %dma_start3A_286] : memref<10112x128xf32, #tpu.memory_space<hbm>> -> memref<10112x128xf32, #tpu.memory_space<hbm>>
        tpu.enqueue_indirect_dma source(%dma_start3A_287 : memref<10112x128xf32, #tpu.memory_space<hbm>>) target(%dma_start3A_281 : memref<128x128xf32, #tpu.memory_space<vmem>>) offsets(%dma_start3A_284 : memref<128xi32, #tpu.memory_space<vmem>>) semaphore(%arg15 : memref<!tpu.dma_semaphore, #tpu.memory_space<semaphore_mem>>) {add = true}
        %dma_start3A_288 = arith.constant 1 : i32
        %dma_start3A_289 = arith.constant 0 : i32
        %dma_start3A_290 = tpu.memref_slice %arg12[%dma_start3A_288, %dma_start3A_289] : memref<2x128xi32, #tpu.memory_space<vmem>> -> memref<1x128xi32, #tpu.memory_space<vmem>>
        %dma_start3A_291 = tpu.memref_squeeze %dma_start3A_290 : memref<1x128xi32, #tpu.memory_space<vmem>> -> memref<128xi32, #tpu.memory_space<vmem>>
        %dma_start3A_292 = arith.constant 0 : i32
        %dma_start3A_293 = arith.constant 0 : i32
        %dma_start3A_294 = tpu.memref_slice %arg4[%dma_start3A_292, %dma_start3A_293] : memref<10112x128xf32, #tpu.memory_space<hbm>> -> memref<10112x128xf32, #tpu.memory_space<hbm>>
        tpu.enqueue_indirect_dma source(%dma_start3A_294 : memref<10112x128xf32, #tpu.memory_space<hbm>>) target(%arg10 : memref<128x128xf32, #tpu.memory_space<vmem>>) offsets(%dma_start3A_291 : memref<128xi32, #tpu.memory_space<vmem>>) semaphore(%arg17 : memref<!tpu.dma_semaphore, #tpu.memory_space<semaphore_mem>>)
        %dma_wait3A_295 = arith.constant 1 : i32
        %dma_wait3A_296 = arith.constant 1 : i32
        %dma_wait3A_297 = arith.constant 0 : i32
        %dma_wait3A_298 = arith.constant 0 : i32
        %dma_wait3A_299 = tpu.memref_slice %arg9[%dma_wait3A_296, %dma_wait3A_297, %dma_wait3A_298] : memref<2x128x128xf32, #tpu.memory_space<vmem>> -> memref<1x128x128xf32, #tpu.memory_space<vmem>>
        %dma_wait3A_300 = tpu.memref_squeeze %dma_wait3A_299 : memref<1x128x128xf32, #tpu.memory_space<vmem>> -> memref<128x128xf32, #tpu.memory_space<vmem>>
        %dma_wait3A_301 = arith.constant 0 : i32
        %dma_wait3A_302 = tpu.memref_slice %arg11[%dma_wait3A_295, %dma_wait3A_301] : memref<2x128xi32, #tpu.memory_space<vmem>> -> memref<1x128xi32, #tpu.memory_space<vmem>>
        %dma_wait3A_303 = tpu.memref_squeeze %dma_wait3A_302 : memref<1x128xi32, #tpu.memory_space<vmem>> -> memref<128xi32, #tpu.memory_space<vmem>>
        %dma_wait3A_304 = arith.constant 0 : i32
        %dma_wait3A_305 = arith.constant 0 : i32
        %dma_wait3A_306 = tpu.memref_slice %arg2[%dma_wait3A_304, %dma_wait3A_305] : memref<10112x128xf32, #tpu.memory_space<hbm>> -> memref<10112x128xf32, #tpu.memory_space<hbm>>
        tpu.wait_indirect_dma semaphore(%arg15 : memref<!tpu.dma_semaphore, #tpu.memory_space<semaphore_mem>>) src(%dma_wait3A_306 : memref<10112x128xf32, #tpu.memory_space<hbm>>) dst(%dma_wait3A_300 : memref<128x128xf32, #tpu.memory_space<vmem>>)
        %dma_start3A_307 = arith.constant 1 : i32
        %dma_start3A_308 = arith.constant 1 : i32
        %dma_start3A_309 = arith.constant 0 : i32
        %dma_start3A_310 = arith.constant 0 : i32
        %dma_start3A_311 = tpu.memref_slice %arg9[%dma_start3A_308, %dma_start3A_309, %dma_start3A_310] : memref<2x128x128xf32, #tpu.memory_space<vmem>> -> memref<1x128x128xf32, #tpu.memory_space<vmem>>
        %dma_start3A_312 = tpu.memref_squeeze %dma_start3A_311 : memref<1x128x128xf32, #tpu.memory_space<vmem>> -> memref<128x128xf32, #tpu.memory_space<vmem>>
        %dma_start3A_313 = arith.constant 0 : i32
        %dma_start3A_314 = tpu.memref_slice %arg12[%dma_start3A_307, %dma_start3A_313] : memref<2x128xi32, #tpu.memory_space<vmem>> -> memref<1x128xi32, #tpu.memory_space<vmem>>
        %dma_start3A_315 = tpu.memref_squeeze %dma_start3A_314 : memref<1x128xi32, #tpu.memory_space<vmem>> -> memref<128xi32, #tpu.memory_space<vmem>>
        %dma_start3A_316 = arith.constant 0 : i32
        %dma_start3A_317 = arith.constant 0 : i32
        %dma_start3A_318 = tpu.memref_slice %arg3[%dma_start3A_316, %dma_start3A_317] : memref<10112x128xf32, #tpu.memory_space<hbm>> -> memref<10112x128xf32, #tpu.memory_space<hbm>>
        tpu.enqueue_indirect_dma source(%dma_start3A_318 : memref<10112x128xf32, #tpu.memory_space<hbm>>) target(%dma_start3A_312 : memref<128x128xf32, #tpu.memory_space<vmem>>) offsets(%dma_start3A_315 : memref<128xi32, #tpu.memory_space<vmem>>) semaphore(%arg16 : memref<!tpu.dma_semaphore, #tpu.memory_space<semaphore_mem>>) {add = true}
      } else {
      }
      %mul3A_203 = arith.constant 2 : i32
      %mul3A_204 = arith.muli %mul3A_203, %while3A_153 : i32
      %add3A_205 = arith.constant 1 : i32
      %add3A_206 = arith.addi %mul3A_204, %add3A_205 : i32
      %ge3A_207 = arith.constant 1 : i32
      %ge3A_208 = arith.cmpi sge, %add3A_206, %ge3A_207 : i32
      %convert_element_type3A_209 = arith.extui %ge3A_208 : i1 to i32
      %cond3A_210 = arith.constant 0 : i32
      %cond3A_211 = arith.cmpi ne, %convert_element_type3A_209, %cond3A_210 : i32
      scf.if %cond3A_211 {
        %dma_wait3A_258 = arith.constant 0 : i32
        %dma_wait3A_259 = arith.constant 0 : i32
        %dma_wait3A_260 = arith.constant 0 : i32
        %dma_wait3A_261 = arith.constant 0 : i32
        %dma_wait3A_262 = tpu.memref_slice %arg9[%dma_wait3A_258, %dma_wait3A_260, %dma_wait3A_261] : memref<2x128x128xf32, #tpu.memory_space<vmem>> -> memref<1x128x128xf32, #tpu.memory_space<vmem>>
        %dma_wait3A_263 = tpu.memref_squeeze %dma_wait3A_262 : memref<1x128x128xf32, #tpu.memory_space<vmem>> -> memref<128x128xf32, #tpu.memory_space<vmem>>
        %dma_wait3A_264 = arith.constant 0 : i32
        %dma_wait3A_265 = tpu.memref_slice %arg11[%dma_wait3A_259, %dma_wait3A_264] : memref<2x128xi32, #tpu.memory_space<vmem>> -> memref<1x128xi32, #tpu.memory_space<vmem>>
        %dma_wait3A_266 = tpu.memref_squeeze %dma_wait3A_265 : memref<1x128xi32, #tpu.memory_space<vmem>> -> memref<128xi32, #tpu.memory_space<vmem>>
        %dma_wait3A_267 = arith.constant 0 : i32
        %dma_wait3A_268 = arith.constant 0 : i32
        %dma_wait3A_269 = tpu.memref_slice %arg13[%dma_wait3A_267, %dma_wait3A_268] : memref<10112x128xf32, #tpu.memory_space<vmem_shared>> -> memref<10112x128xf32, #tpu.memory_space<vmem_shared>>
        tpu.wait_indirect_dma semaphore(%arg18 : memref<!tpu.dma_semaphore, #tpu.memory_space<semaphore_mem>>) src(%dma_wait3A_263 : memref<128x128xf32, #tpu.memory_space<vmem>>) dst(%dma_wait3A_269 : memref<10112x128xf32, #tpu.memory_space<vmem_shared>>)
      } else {
      }
      %sub3A_212 = arith.constant 2 : i32
      %sub3A_213 = arith.subi %add3A_1, %sub3A_212 : i32
      %le3A_214 = arith.cmpi sle, %add3A_206, %sub3A_213 : i32
      %convert_element_type3A_215 = arith.extui %le3A_214 : i1 to i32
      %cond3A_216 = arith.constant 0 : i32
      %cond3A_217 = arith.cmpi ne, %convert_element_type3A_215, %cond3A_216 : i32
      scf.if %cond3A_217 {
        %add3A_258 = arith.addi %add3A_7, %add3A_206 : i32
        %add3A_259 = arith.constant 1 : i32
        %add3A_260 = arith.addi %add3A_258, %add3A_259 : i32
        %run_scoped3A_261 = arith.constant 0 : i32
        "tpu.region"() ({
          %run_scoped3A_284 = tpu.sem_alloc : memref<!tpu.dma_semaphore, #tpu.memory_space<semaphore_mem>>
          %dma_start3A_285 = arith.constant 0 : i32
          %dma_start3A_286 = tpu.memref_slice %arg11[%run_scoped3A_261, %dma_start3A_285] : memref<2x128xi32, #tpu.memory_space<vmem>> -> memref<1x128xi32, #tpu.memory_space<vmem>>
          %dma_start3A_287 = tpu.memref_squeeze %dma_start3A_286 : memref<1x128xi32, #tpu.memory_space<vmem>> -> memref<128xi32, #tpu.memory_space<vmem>>
          %dma_start3A_288 = arith.constant 0 : i32
          %dma_start3A_289 = tpu.memref_slice %arg6[%add3A_260, %dma_start3A_288] : memref<2528x128xi32, #tpu.memory_space<hbm>> -> memref<1x128xi32, #tpu.memory_space<hbm>>
          %dma_start3A_290 = tpu.memref_squeeze %dma_start3A_289 : memref<1x128xi32, #tpu.memory_space<hbm>> -> memref<128xi32, #tpu.memory_space<hbm>>
          %dma_start3A_291 = arith.constant 0 : i32
          %dma_start3A_292 = tpu.memref_slice %arg11[%run_scoped3A_261, %dma_start3A_291] : memref<2x128xi32, #tpu.memory_space<vmem>> -> memref<1x128xi32, #tpu.memory_space<vmem>>
          %dma_start3A_293 = tpu.memref_squeeze %dma_start3A_292 : memref<1x128xi32, #tpu.memory_space<vmem>> -> memref<128xi32, #tpu.memory_space<vmem>>
          %dma_start3A_294 = arith.constant 0 : i32
          %dma_start3A_295 = tpu.memref_slice %arg6[%add3A_260, %dma_start3A_294] : memref<2528x128xi32, #tpu.memory_space<hbm>> -> memref<1x128xi32, #tpu.memory_space<hbm>>
          %dma_start3A_296 = tpu.memref_squeeze %dma_start3A_295 : memref<1x128xi32, #tpu.memory_space<hbm>> -> memref<128xi32, #tpu.memory_space<hbm>>
          tpu.enqueue_dma source(%dma_start3A_296 : memref<128xi32, #tpu.memory_space<hbm>>) target(%dma_start3A_293 : memref<128xi32, #tpu.memory_space<vmem>>) target_semaphore(%run_scoped3A_284 : memref<!tpu.dma_semaphore, #tpu.memory_space<semaphore_mem>>)
          %dma_wait3A_297 = arith.constant 0 : i32
          %dma_wait3A_298 = tpu.memref_slice %arg11[%run_scoped3A_261, %dma_wait3A_297] : memref<2x128xi32, #tpu.memory_space<vmem>> -> memref<1x128xi32, #tpu.memory_space<vmem>>
          %dma_wait3A_299 = tpu.memref_squeeze %dma_wait3A_298 : memref<1x128xi32, #tpu.memory_space<vmem>> -> memref<128xi32, #tpu.memory_space<vmem>>
          %dma_wait3A_300 = arith.constant 0 : i32
          %dma_wait3A_301 = tpu.memref_slice %arg6[%add3A_260, %dma_wait3A_300] : memref<2528x128xi32, #tpu.memory_space<hbm>> -> memref<1x128xi32, #tpu.memory_space<hbm>>
          %dma_wait3A_302 = tpu.memref_squeeze %dma_wait3A_301 : memref<1x128xi32, #tpu.memory_space<hbm>> -> memref<128xi32, #tpu.memory_space<hbm>>
          %dma_wait3A_303 = arith.constant 0 : i32
          %dma_wait3A_304 = tpu.memref_slice %arg11[%run_scoped3A_261, %dma_wait3A_303] : memref<2x128xi32, #tpu.memory_space<vmem>> -> memref<1x128xi32, #tpu.memory_space<vmem>>
          %dma_wait3A_305 = tpu.memref_squeeze %dma_wait3A_304 : memref<1x128xi32, #tpu.memory_space<vmem>> -> memref<128xi32, #tpu.memory_space<vmem>>
          %dma_wait3A_306 = arith.constant 0 : i32
          %dma_wait3A_307 = tpu.memref_slice %arg6[%add3A_260, %dma_wait3A_306] : memref<2528x128xi32, #tpu.memory_space<hbm>> -> memref<1x128xi32, #tpu.memory_space<hbm>>
          %dma_wait3A_308 = tpu.memref_squeeze %dma_wait3A_307 : memref<1x128xi32, #tpu.memory_space<hbm>> -> memref<128xi32, #tpu.memory_space<hbm>>
          tpu.wait_dma2 semaphore(%run_scoped3A_284 : memref<!tpu.dma_semaphore, #tpu.memory_space<semaphore_mem>>) src(%dma_wait3A_308 : memref<128xi32, #tpu.memory_space<hbm>>) dst(%dma_wait3A_305 : memref<128xi32, #tpu.memory_space<vmem>>)
          tpu.yield
        }) : () -> ()
        %add3A_262 = arith.addi %add3A_7, %add3A_206 : i32
        %add3A_263 = arith.constant 1 : i32
        %add3A_264 = arith.addi %add3A_262, %add3A_263 : i32
        %run_scoped3A_265 = arith.constant 0 : i32
        "tpu.region"() ({
          %run_scoped3A_284 = tpu.sem_alloc : memref<!tpu.dma_semaphore, #tpu.memory_space<semaphore_mem>>
          %dma_start3A_285 = arith.constant 0 : i32
          %dma_start3A_286 = tpu.memref_slice %arg12[%run_scoped3A_265, %dma_start3A_285] : memref<2x128xi32, #tpu.memory_space<vmem>> -> memref<1x128xi32, #tpu.memory_space<vmem>>
          %dma_start3A_287 = tpu.memref_squeeze %dma_start3A_286 : memref<1x128xi32, #tpu.memory_space<vmem>> -> memref<128xi32, #tpu.memory_space<vmem>>
          %dma_start3A_288 = arith.constant 0 : i32
          %dma_start3A_289 = tpu.memref_slice %arg7[%add3A_264, %dma_start3A_288] : memref<2528x128xi32, #tpu.memory_space<hbm>> -> memref<1x128xi32, #tpu.memory_space<hbm>>
          %dma_start3A_290 = tpu.memref_squeeze %dma_start3A_289 : memref<1x128xi32, #tpu.memory_space<hbm>> -> memref<128xi32, #tpu.memory_space<hbm>>
          %dma_start3A_291 = arith.constant 0 : i32
          %dma_start3A_292 = tpu.memref_slice %arg12[%run_scoped3A_265, %dma_start3A_291] : memref<2x128xi32, #tpu.memory_space<vmem>> -> memref<1x128xi32, #tpu.memory_space<vmem>>
          %dma_start3A_293 = tpu.memref_squeeze %dma_start3A_292 : memref<1x128xi32, #tpu.memory_space<vmem>> -> memref<128xi32, #tpu.memory_space<vmem>>
          %dma_start3A_294 = arith.constant 0 : i32
          %dma_start3A_295 = tpu.memref_slice %arg7[%add3A_264, %dma_start3A_294] : memref<2528x128xi32, #tpu.memory_space<hbm>> -> memref<1x128xi32, #tpu.memory_space<hbm>>
          %dma_start3A_296 = tpu.memref_squeeze %dma_start3A_295 : memref<1x128xi32, #tpu.memory_space<hbm>> -> memref<128xi32, #tpu.memory_space<hbm>>
          tpu.enqueue_dma source(%dma_start3A_296 : memref<128xi32, #tpu.memory_space<hbm>>) target(%dma_start3A_293 : memref<128xi32, #tpu.memory_space<vmem>>) target_semaphore(%run_scoped3A_284 : memref<!tpu.dma_semaphore, #tpu.memory_space<semaphore_mem>>)
          %dma_wait3A_297 = arith.constant 0 : i32
          %dma_wait3A_298 = tpu.memref_slice %arg12[%run_scoped3A_265, %dma_wait3A_297] : memref<2x128xi32, #tpu.memory_space<vmem>> -> memref<1x128xi32, #tpu.memory_space<vmem>>
          %dma_wait3A_299 = tpu.memref_squeeze %dma_wait3A_298 : memref<1x128xi32, #tpu.memory_space<vmem>> -> memref<128xi32, #tpu.memory_space<vmem>>
          %dma_wait3A_300 = arith.constant 0 : i32
          %dma_wait3A_301 = tpu.memref_slice %arg7[%add3A_264, %dma_wait3A_300] : memref<2528x128xi32, #tpu.memory_space<hbm>> -> memref<1x128xi32, #tpu.memory_space<hbm>>
          %dma_wait3A_302 = tpu.memref_squeeze %dma_wait3A_301 : memref<1x128xi32, #tpu.memory_space<hbm>> -> memref<128xi32, #tpu.memory_space<hbm>>
          %dma_wait3A_303 = arith.constant 0 : i32
          %dma_wait3A_304 = tpu.memref_slice %arg12[%run_scoped3A_265, %dma_wait3A_303] : memref<2x128xi32, #tpu.memory_space<vmem>> -> memref<1x128xi32, #tpu.memory_space<vmem>>
          %dma_wait3A_305 = tpu.memref_squeeze %dma_wait3A_304 : memref<1x128xi32, #tpu.memory_space<vmem>> -> memref<128xi32, #tpu.memory_space<vmem>>
          %dma_wait3A_306 = arith.constant 0 : i32
          %dma_wait3A_307 = tpu.memref_slice %arg7[%add3A_264, %dma_wait3A_306] : memref<2528x128xi32, #tpu.memory_space<hbm>> -> memref<1x128xi32, #tpu.memory_space<hbm>>
          %dma_wait3A_308 = tpu.memref_squeeze %dma_wait3A_307 : memref<1x128xi32, #tpu.memory_space<hbm>> -> memref<128xi32, #tpu.memory_space<hbm>>
          tpu.wait_dma2 semaphore(%run_scoped3A_284 : memref<!tpu.dma_semaphore, #tpu.memory_space<semaphore_mem>>) src(%dma_wait3A_308 : memref<128xi32, #tpu.memory_space<hbm>>) dst(%dma_wait3A_305 : memref<128xi32, #tpu.memory_space<vmem>>)
          tpu.yield
        }) : () -> ()
        %add3A_266 = arith.constant 1 : i32
        %add3A_267 = arith.addi %add3A_206, %add3A_266 : i32
        %add3A_268 = arith.addi %add3A_7, %add3A_267 : i32
        %mul3A_269 = arith.constant 128 : i32
        %mul3A_270 = arith.muli %add3A_268, %mul3A_269 : i32
        %dma_start3A_271 = arith.constant 0 : i32
        %dma_start3A_272 = arith.constant 0 : i32
        %dma_start3A_273 = arith.constant 0 : i32
        %dma_start3A_274 = tpu.memref_slice %arg9[%dma_start3A_271, %dma_start3A_272, %dma_start3A_273] : memref<2x128x128xf32, #tpu.memory_space<vmem>> -> memref<1x128x128xf32, #tpu.memory_space<vmem>>
        %dma_start3A_275 = tpu.memref_squeeze %dma_start3A_274 : memref<1x128x128xf32, #tpu.memory_space<vmem>> -> memref<128x128xf32, #tpu.memory_space<vmem>>
        %dma_start3A_276 = arith.constant 0 : i32
        %dma_start3A_277 = tpu.memref_slice %arg5[%mul3A_270, %dma_start3A_276] : memref<323584x128xf32, #tpu.memory_space<hbm>> -> memref<128x128xf32, #tpu.memory_space<hbm>>
        %dma_start3A_278 = arith.constant 0 : i32
        %dma_start3A_279 = arith.constant 0 : i32
        %dma_start3A_280 = tpu.memref_slice %arg9[%dma_start3A_271, %dma_start3A_278, %dma_start3A_279] : memref<2x128x128xf32, #tpu.memory_space<vmem>> -> memref<1x128x128xf32, #tpu.memory_space<vmem>>
        %dma_start3A_281 = tpu.memref_squeeze %dma_start3A_280 : memref<1x128x128xf32, #tpu.memory_space<vmem>> -> memref<128x128xf32, #tpu.memory_space<vmem>>
        %dma_start3A_282 = arith.constant 0 : i32
        %dma_start3A_283 = tpu.memref_slice %arg5[%mul3A_270, %dma_start3A_282] : memref<323584x128xf32, #tpu.memory_space<hbm>> -> memref<128x128xf32, #tpu.memory_space<hbm>>
        tpu.enqueue_dma source(%dma_start3A_283 : memref<128x128xf32, #tpu.memory_space<hbm>>) target(%dma_start3A_281 : memref<128x128xf32, #tpu.memory_space<vmem>>) target_semaphore(%arg14 : memref<!tpu.dma_semaphore, #tpu.memory_space<semaphore_mem>>)
      } else {
      }
      %dma_wait3A_218 = arith.constant 1 : i32
      %dma_wait3A_219 = arith.constant 1 : i32
      %dma_wait3A_220 = arith.constant 0 : i32
      %dma_wait3A_221 = arith.constant 0 : i32
      %dma_wait3A_222 = tpu.memref_slice %arg9[%dma_wait3A_219, %dma_wait3A_220, %dma_wait3A_221] : memref<2x128x128xf32, #tpu.memory_space<vmem>> -> memref<1x128x128xf32, #tpu.memory_space<vmem>>
      %dma_wait3A_223 = tpu.memref_squeeze %dma_wait3A_222 : memref<1x128x128xf32, #tpu.memory_space<vmem>> -> memref<128x128xf32, #tpu.memory_space<vmem>>
      %dma_wait3A_224 = arith.constant 0 : i32
      %dma_wait3A_225 = tpu.memref_slice %arg12[%dma_wait3A_218, %dma_wait3A_224] : memref<2x128xi32, #tpu.memory_space<vmem>> -> memref<1x128xi32, #tpu.memory_space<vmem>>
      %dma_wait3A_226 = tpu.memref_squeeze %dma_wait3A_225 : memref<1x128xi32, #tpu.memory_space<vmem>> -> memref<128xi32, #tpu.memory_space<vmem>>
      %dma_wait3A_227 = arith.constant 0 : i32
      %dma_wait3A_228 = arith.constant 0 : i32
      %dma_wait3A_229 = tpu.memref_slice %arg3[%dma_wait3A_227, %dma_wait3A_228] : memref<10112x128xf32, #tpu.memory_space<hbm>> -> memref<10112x128xf32, #tpu.memory_space<hbm>>
      tpu.wait_indirect_dma semaphore(%arg16 : memref<!tpu.dma_semaphore, #tpu.memory_space<semaphore_mem>>) src(%dma_wait3A_229 : memref<10112x128xf32, #tpu.memory_space<hbm>>) dst(%dma_wait3A_223 : memref<128x128xf32, #tpu.memory_space<vmem>>)
      %dma_wait3A_230 = arith.constant 1 : i32
      %dma_wait3A_231 = arith.constant 0 : i32
      %dma_wait3A_232 = tpu.memref_slice %arg12[%dma_wait3A_230, %dma_wait3A_231] : memref<2x128xi32, #tpu.memory_space<vmem>> -> memref<1x128xi32, #tpu.memory_space<vmem>>
      %dma_wait3A_233 = tpu.memref_squeeze %dma_wait3A_232 : memref<1x128xi32, #tpu.memory_space<vmem>> -> memref<128xi32, #tpu.memory_space<vmem>>
      %dma_wait3A_234 = arith.constant 0 : i32
      %dma_wait3A_235 = arith.constant 0 : i32
      %dma_wait3A_236 = tpu.memref_slice %arg4[%dma_wait3A_234, %dma_wait3A_235] : memref<10112x128xf32, #tpu.memory_space<hbm>> -> memref<10112x128xf32, #tpu.memory_space<hbm>>
      tpu.wait_indirect_dma semaphore(%arg17 : memref<!tpu.dma_semaphore, #tpu.memory_space<semaphore_mem>>) src(%dma_wait3A_236 : memref<10112x128xf32, #tpu.memory_space<hbm>>) dst(%arg10 : memref<128x128xf32, #tpu.memory_space<vmem>>)
      %scan3A_237 = arith.constant 0 : i32
      %scan3A_238 = arith.constant 0 : i32
      %scan3A_239 = arith.constant 128 : i32
      %scan3A_240 = arith.addi %scan3A_238, %scan3A_239 : i32
      %scan3A_241 = arith.constant 1 : i32
      scf.for %scan3A_258 = %scan3A_238 to %scan3A_240 step %scan3A_241  : i32 {
        %get3A = arith.index_cast %scan3A_258 : i32 to index
        %get3A_259 = arith.constant 0 : index
        %get3A_260 = tpu.vector_load %arg10[%get3A, %get3A_259] {strides = array<i32>} : memref<128x128xf32, #tpu.memory_space<vmem>>, vector<1x16xf32>,
        %get3A_261 = vector.shape_cast %get3A_260 : vector<1x16xf32> to vector<16xf32>
        %get3A_262 = arith.constant 1 : i32
        %get3A_263 = arith.index_cast %get3A_262 : i32 to index
        %get3A_264 = arith.index_cast %scan3A_258 : i32 to index
        %get3A_265 = arith.constant 0 : index
        %get3A_266 = tpu.vector_load %arg9[%get3A_263, %get3A_264, %get3A_265] {strides = array<i32>} : memref<2x128x128xf32, #tpu.memory_space<vmem>>, vector<1x1x16xf32>,
        %get3A_267 = vector.shape_cast %get3A_266 : vector<1x1x16xf32> to vector<16xf32>
        %neg3A = arith.constant 0.000000e+00 : f32
        %neg3A_268 = vector.broadcast %neg3A : f32 to vector<16xf32>
        %neg3A_269 = arith.subf %neg3A_268, %get3A_267 : vector<16xf32>
        %exp3A = math.exp %neg3A_269 : vector<16xf32>
        %add3A_270 = arith.constant 1.000000e+00 : f32
        %add3A_271 = vector.broadcast %add3A_270 : f32 to vector<16xf32>
        %add3A_272 = arith.addf %add3A_271, %exp3A : vector<16xf32>
        %div3A_273 = arith.divf %get3A_261, %add3A_272 : vector<16xf32>
        %swap3A = arith.constant 1 : i32
        %swap3A_274 = arith.index_cast %swap3A : i32 to index
        %swap3A_275 = arith.index_cast %scan3A_258 : i32 to index
        %swap3A_276 = arith.constant 0 : index
        %swap3A_277 = tpu.vector_load %arg9[%swap3A_274, %swap3A_275, %swap3A_276] {strides = array<i32>} : memref<2x128x128xf32, #tpu.memory_space<vmem>>, vector<1x1x16xf32>,
        %swap3A_278 = vector.shape_cast %swap3A_277 : vector<1x1x16xf32> to vector<16xf32>
        %swap3A_279 = vector.shape_cast %div3A_273 : vector<16xf32> to vector<1x1x16xf32>
        tpu.vector_store %arg9[%swap3A_274, %swap3A_275, %swap3A_276], %swap3A_279 {strides = array<i32>} : memref<2x128x128xf32, #tpu.memory_space<vmem>>, vector<1x1x16xf32>,
        %get3A_280 = arith.index_cast %scan3A_258 : i32 to index
        %get3A_281 = arith.constant 16 : index
        %get3A_282 = tpu.vector_load %arg10[%get3A_280, %get3A_281] {strides = array<i32>} : memref<128x128xf32, #tpu.memory_space<vmem>>, vector<1x16xf32>,
        %get3A_283 = vector.shape_cast %get3A_282 : vector<1x16xf32> to vector<16xf32>
        %get3A_284 = arith.constant 1 : i32
        %get3A_285 = arith.index_cast %get3A_284 : i32 to index
        %get3A_286 = arith.index_cast %scan3A_258 : i32 to index
        %get3A_287 = arith.constant 16 : index
        %get3A_288 = tpu.vector_load %arg9[%get3A_285, %get3A_286, %get3A_287] {strides = array<i32>} : memref<2x128x128xf32, #tpu.memory_space<vmem>>, vector<1x1x16xf32>,
        %get3A_289 = vector.shape_cast %get3A_288 : vector<1x1x16xf32> to vector<16xf32>
        %neg3A_290 = arith.constant 0.000000e+00 : f32
        %neg3A_291 = vector.broadcast %neg3A_290 : f32 to vector<16xf32>
        %neg3A_292 = arith.subf %neg3A_291, %get3A_289 : vector<16xf32>
        %exp3A_293 = math.exp %neg3A_292 : vector<16xf32>
        %add3A_294 = arith.constant 1.000000e+00 : f32
        %add3A_295 = vector.broadcast %add3A_294 : f32 to vector<16xf32>
        %add3A_296 = arith.addf %add3A_295, %exp3A_293 : vector<16xf32>
        %div3A_297 = arith.divf %get3A_283, %add3A_296 : vector<16xf32>
        %swap3A_298 = arith.constant 1 : i32
        %swap3A_299 = arith.index_cast %swap3A_298 : i32 to index
        %swap3A_300 = arith.index_cast %scan3A_258 : i32 to index
        %swap3A_301 = arith.constant 16 : index
        %swap3A_302 = tpu.vector_load %arg9[%swap3A_299, %swap3A_300, %swap3A_301] {strides = array<i32>} : memref<2x128x128xf32, #tpu.memory_space<vmem>>, vector<1x1x16xf32>,
        %swap3A_303 = vector.shape_cast %swap3A_302 : vector<1x1x16xf32> to vector<16xf32>
        %swap3A_304 = vector.shape_cast %div3A_297 : vector<16xf32> to vector<1x1x16xf32>
        tpu.vector_store %arg9[%swap3A_299, %swap3A_300, %swap3A_301], %swap3A_304 {strides = array<i32>} : memref<2x128x128xf32, #tpu.memory_space<vmem>>, vector<1x1x16xf32>,
        %get3A_305 = arith.index_cast %scan3A_258 : i32 to index
        %get3A_306 = arith.constant 32 : index
        %get3A_307 = tpu.vector_load %arg10[%get3A_305, %get3A_306] {strides = array<i32>} : memref<128x128xf32, #tpu.memory_space<vmem>>, vector<1x16xf32>,
        %get3A_308 = vector.shape_cast %get3A_307 : vector<1x16xf32> to vector<16xf32>
        %get3A_309 = arith.constant 1 : i32
        %get3A_310 = arith.index_cast %get3A_309 : i32 to index
        %get3A_311 = arith.index_cast %scan3A_258 : i32 to index
        %get3A_312 = arith.constant 32 : index
        %get3A_313 = tpu.vector_load %arg9[%get3A_310, %get3A_311, %get3A_312] {strides = array<i32>} : memref<2x128x128xf32, #tpu.memory_space<vmem>>, vector<1x1x16xf32>,
        %get3A_314 = vector.shape_cast %get3A_313 : vector<1x1x16xf32> to vector<16xf32>
        %neg3A_315 = arith.constant 0.000000e+00 : f32
        %neg3A_316 = vector.broadcast %neg3A_315 : f32 to vector<16xf32>
        %neg3A_317 = arith.subf %neg3A_316, %get3A_314 : vector<16xf32>
        %exp3A_318 = math.exp %neg3A_317 : vector<16xf32>
        %add3A_319 = arith.constant 1.000000e+00 : f32
        %add3A_320 = vector.broadcast %add3A_319 : f32 to vector<16xf32>
        %add3A_321 = arith.addf %add3A_320, %exp3A_318 : vector<16xf32>
        %div3A_322 = arith.divf %get3A_308, %add3A_321 : vector<16xf32>
        %swap3A_323 = arith.constant 1 : i32
        %swap3A_324 = arith.index_cast %swap3A_323 : i32 to index
        %swap3A_325 = arith.index_cast %scan3A_258 : i32 to index
        %swap3A_326 = arith.constant 32 : index
        %swap3A_327 = tpu.vector_load %arg9[%swap3A_324, %swap3A_325, %swap3A_326] {strides = array<i32>} : memref<2x128x128xf32, #tpu.memory_space<vmem>>, vector<1x1x16xf32>,
        %swap3A_328 = vector.shape_cast %swap3A_327 : vector<1x1x16xf32> to vector<16xf32>
        %swap3A_329 = vector.shape_cast %div3A_322 : vector<16xf32> to vector<1x1x16xf32>
        tpu.vector_store %arg9[%swap3A_324, %swap3A_325, %swap3A_326], %swap3A_329 {strides = array<i32>} : memref<2x128x128xf32, #tpu.memory_space<vmem>>, vector<1x1x16xf32>,
        %get3A_330 = arith.index_cast %scan3A_258 : i32 to index
        %get3A_331 = arith.constant 48 : index
        %get3A_332 = tpu.vector_load %arg10[%get3A_330, %get3A_331] {strides = array<i32>} : memref<128x128xf32, #tpu.memory_space<vmem>>, vector<1x16xf32>,
        %get3A_333 = vector.shape_cast %get3A_332 : vector<1x16xf32> to vector<16xf32>
        %get3A_334 = arith.constant 1 : i32
        %get3A_335 = arith.index_cast %get3A_334 : i32 to index
        %get3A_336 = arith.index_cast %scan3A_258 : i32 to index
        %get3A_337 = arith.constant 48 : index
        %get3A_338 = tpu.vector_load %arg9[%get3A_335, %get3A_336, %get3A_337] {strides = array<i32>} : memref<2x128x128xf32, #tpu.memory_space<vmem>>, vector<1x1x16xf32>,
        %get3A_339 = vector.shape_cast %get3A_338 : vector<1x1x16xf32> to vector<16xf32>
        %neg3A_340 = arith.constant 0.000000e+00 : f32
        %neg3A_341 = vector.broadcast %neg3A_340 : f32 to vector<16xf32>
        %neg3A_342 = arith.subf %neg3A_341, %get3A_339 : vector<16xf32>
        %exp3A_343 = math.exp %neg3A_342 : vector<16xf32>
        %add3A_344 = arith.constant 1.000000e+00 : f32
        %add3A_345 = vector.broadcast %add3A_344 : f32 to vector<16xf32>
        %add3A_346 = arith.addf %add3A_345, %exp3A_343 : vector<16xf32>
        %div3A_347 = arith.divf %get3A_333, %add3A_346 : vector<16xf32>
        %swap3A_348 = arith.constant 1 : i32
        %swap3A_349 = arith.index_cast %swap3A_348 : i32 to index
        %swap3A_350 = arith.index_cast %scan3A_258 : i32 to index
        %swap3A_351 = arith.constant 48 : index
        %swap3A_352 = tpu.vector_load %arg9[%swap3A_349, %swap3A_350, %swap3A_351] {strides = array<i32>} : memref<2x128x128xf32, #tpu.memory_space<vmem>>, vector<1x1x16xf32>,
        %swap3A_353 = vector.shape_cast %swap3A_352 : vector<1x1x16xf32> to vector<16xf32>
        %swap3A_354 = vector.shape_cast %div3A_347 : vector<16xf32> to vector<1x1x16xf32>
        tpu.vector_store %arg9[%swap3A_349, %swap3A_350, %swap3A_351], %swap3A_354 {strides = array<i32>} : memref<2x128x128xf32, #tpu.memory_space<vmem>>, vector<1x1x16xf32>,
        %get3A_355 = arith.index_cast %scan3A_258 : i32 to index
        %get3A_356 = arith.constant 64 : index
        %get3A_357 = tpu.vector_load %arg10[%get3A_355, %get3A_356] {strides = array<i32>} : memref<128x128xf32, #tpu.memory_space<vmem>>, vector<1x16xf32>,
        %get3A_358 = vector.shape_cast %get3A_357 : vector<1x16xf32> to vector<16xf32>
        %get3A_359 = arith.constant 1 : i32
        %get3A_360 = arith.index_cast %get3A_359 : i32 to index
        %get3A_361 = arith.index_cast %scan3A_258 : i32 to index
        %get3A_362 = arith.constant 64 : index
        %get3A_363 = tpu.vector_load %arg9[%get3A_360, %get3A_361, %get3A_362] {strides = array<i32>} : memref<2x128x128xf32, #tpu.memory_space<vmem>>, vector<1x1x16xf32>,
        %get3A_364 = vector.shape_cast %get3A_363 : vector<1x1x16xf32> to vector<16xf32>
        %neg3A_365 = arith.constant 0.000000e+00 : f32
        %neg3A_366 = vector.broadcast %neg3A_365 : f32 to vector<16xf32>
        %neg3A_367 = arith.subf %neg3A_366, %get3A_364 : vector<16xf32>
        %exp3A_368 = math.exp %neg3A_367 : vector<16xf32>
        %add3A_369 = arith.constant 1.000000e+00 : f32
        %add3A_370 = vector.broadcast %add3A_369 : f32 to vector<16xf32>
        %add3A_371 = arith.addf %add3A_370, %exp3A_368 : vector<16xf32>
        %div3A_372 = arith.divf %get3A_358, %add3A_371 : vector<16xf32>
        %swap3A_373 = arith.constant 1 : i32
        %swap3A_374 = arith.index_cast %swap3A_373 : i32 to index
        %swap3A_375 = arith.index_cast %scan3A_258 : i32 to index
        %swap3A_376 = arith.constant 64 : index
        %swap3A_377 = tpu.vector_load %arg9[%swap3A_374, %swap3A_375, %swap3A_376] {strides = array<i32>} : memref<2x128x128xf32, #tpu.memory_space<vmem>>, vector<1x1x16xf32>,
        %swap3A_378 = vector.shape_cast %swap3A_377 : vector<1x1x16xf32> to vector<16xf32>
        %swap3A_379 = vector.shape_cast %div3A_372 : vector<16xf32> to vector<1x1x16xf32>
        tpu.vector_store %arg9[%swap3A_374, %swap3A_375, %swap3A_376], %swap3A_379 {strides = array<i32>} : memref<2x128x128xf32, #tpu.memory_space<vmem>>, vector<1x1x16xf32>,
        %get3A_380 = arith.index_cast %scan3A_258 : i32 to index
        %get3A_381 = arith.constant 80 : index
        %get3A_382 = tpu.vector_load %arg10[%get3A_380, %get3A_381] {strides = array<i32>} : memref<128x128xf32, #tpu.memory_space<vmem>>, vector<1x16xf32>,
        %get3A_383 = vector.shape_cast %get3A_382 : vector<1x16xf32> to vector<16xf32>
        %get3A_384 = arith.constant 1 : i32
        %get3A_385 = arith.index_cast %get3A_384 : i32 to index
        %get3A_386 = arith.index_cast %scan3A_258 : i32 to index
        %get3A_387 = arith.constant 80 : index
        %get3A_388 = tpu.vector_load %arg9[%get3A_385, %get3A_386, %get3A_387] {strides = array<i32>} : memref<2x128x128xf32, #tpu.memory_space<vmem>>, vector<1x1x16xf32>,
        %get3A_389 = vector.shape_cast %get3A_388 : vector<1x1x16xf32> to vector<16xf32>
        %neg3A_390 = arith.constant 0.000000e+00 : f32
        %neg3A_391 = vector.broadcast %neg3A_390 : f32 to vector<16xf32>
        %neg3A_392 = arith.subf %neg3A_391, %get3A_389 : vector<16xf32>
        %exp3A_393 = math.exp %neg3A_392 : vector<16xf32>
        %add3A_394 = arith.constant 1.000000e+00 : f32
        %add3A_395 = vector.broadcast %add3A_394 : f32 to vector<16xf32>
        %add3A_396 = arith.addf %add3A_395, %exp3A_393 : vector<16xf32>
        %div3A_397 = arith.divf %get3A_383, %add3A_396 : vector<16xf32>
        %swap3A_398 = arith.constant 1 : i32
        %swap3A_399 = arith.index_cast %swap3A_398 : i32 to index
        %swap3A_400 = arith.index_cast %scan3A_258 : i32 to index
        %swap3A_401 = arith.constant 80 : index
        %swap3A_402 = tpu.vector_load %arg9[%swap3A_399, %swap3A_400, %swap3A_401] {strides = array<i32>} : memref<2x128x128xf32, #tpu.memory_space<vmem>>, vector<1x1x16xf32>,
        %swap3A_403 = vector.shape_cast %swap3A_402 : vector<1x1x16xf32> to vector<16xf32>
        %swap3A_404 = vector.shape_cast %div3A_397 : vector<16xf32> to vector<1x1x16xf32>
        tpu.vector_store %arg9[%swap3A_399, %swap3A_400, %swap3A_401], %swap3A_404 {strides = array<i32>} : memref<2x128x128xf32, #tpu.memory_space<vmem>>, vector<1x1x16xf32>,
        %get3A_405 = arith.index_cast %scan3A_258 : i32 to index
        %get3A_406 = arith.constant 96 : index
        %get3A_407 = tpu.vector_load %arg10[%get3A_405, %get3A_406] {strides = array<i32>} : memref<128x128xf32, #tpu.memory_space<vmem>>, vector<1x16xf32>,
        %get3A_408 = vector.shape_cast %get3A_407 : vector<1x16xf32> to vector<16xf32>
        %get3A_409 = arith.constant 1 : i32
        %get3A_410 = arith.index_cast %get3A_409 : i32 to index
        %get3A_411 = arith.index_cast %scan3A_258 : i32 to index
        %get3A_412 = arith.constant 96 : index
        %get3A_413 = tpu.vector_load %arg9[%get3A_410, %get3A_411, %get3A_412] {strides = array<i32>} : memref<2x128x128xf32, #tpu.memory_space<vmem>>, vector<1x1x16xf32>,
        %get3A_414 = vector.shape_cast %get3A_413 : vector<1x1x16xf32> to vector<16xf32>
        %neg3A_415 = arith.constant 0.000000e+00 : f32
        %neg3A_416 = vector.broadcast %neg3A_415 : f32 to vector<16xf32>
        %neg3A_417 = arith.subf %neg3A_416, %get3A_414 : vector<16xf32>
        %exp3A_418 = math.exp %neg3A_417 : vector<16xf32>
        %add3A_419 = arith.constant 1.000000e+00 : f32
        %add3A_420 = vector.broadcast %add3A_419 : f32 to vector<16xf32>
        %add3A_421 = arith.addf %add3A_420, %exp3A_418 : vector<16xf32>
        %div3A_422 = arith.divf %get3A_408, %add3A_421 : vector<16xf32>
        %swap3A_423 = arith.constant 1 : i32
        %swap3A_424 = arith.index_cast %swap3A_423 : i32 to index
        %swap3A_425 = arith.index_cast %scan3A_258 : i32 to index
        %swap3A_426 = arith.constant 96 : index
        %swap3A_427 = tpu.vector_load %arg9[%swap3A_424, %swap3A_425, %swap3A_426] {strides = array<i32>} : memref<2x128x128xf32, #tpu.memory_space<vmem>>, vector<1x1x16xf32>,
        %swap3A_428 = vector.shape_cast %swap3A_427 : vector<1x1x16xf32> to vector<16xf32>
        %swap3A_429 = vector.shape_cast %div3A_422 : vector<16xf32> to vector<1x1x16xf32>
        tpu.vector_store %arg9[%swap3A_424, %swap3A_425, %swap3A_426], %swap3A_429 {strides = array<i32>} : memref<2x128x128xf32, #tpu.memory_space<vmem>>, vector<1x1x16xf32>,
        %get3A_430 = arith.index_cast %scan3A_258 : i32 to index
        %get3A_431 = arith.constant 112 : index
        %get3A_432 = tpu.vector_load %arg10[%get3A_430, %get3A_431] {strides = array<i32>} : memref<128x128xf32, #tpu.memory_space<vmem>>, vector<1x16xf32>,
        %get3A_433 = vector.shape_cast %get3A_432 : vector<1x16xf32> to vector<16xf32>
        %get3A_434 = arith.constant 1 : i32
        %get3A_435 = arith.index_cast %get3A_434 : i32 to index
        %get3A_436 = arith.index_cast %scan3A_258 : i32 to index
        %get3A_437 = arith.constant 112 : index
        %get3A_438 = tpu.vector_load %arg9[%get3A_435, %get3A_436, %get3A_437] {strides = array<i32>} : memref<2x128x128xf32, #tpu.memory_space<vmem>>, vector<1x1x16xf32>,
        %get3A_439 = vector.shape_cast %get3A_438 : vector<1x1x16xf32> to vector<16xf32>
        %neg3A_440 = arith.constant 0.000000e+00 : f32
        %neg3A_441 = vector.broadcast %neg3A_440 : f32 to vector<16xf32>
        %neg3A_442 = arith.subf %neg3A_441, %get3A_439 : vector<16xf32>
        %exp3A_443 = math.exp %neg3A_442 : vector<16xf32>
        %add3A_444 = arith.constant 1.000000e+00 : f32
        %add3A_445 = vector.broadcast %add3A_444 : f32 to vector<16xf32>
        %add3A_446 = arith.addf %add3A_445, %exp3A_443 : vector<16xf32>
        %div3A_447 = arith.divf %get3A_433, %add3A_446 : vector<16xf32>
        %swap3A_448 = arith.constant 1 : i32
        %swap3A_449 = arith.index_cast %swap3A_448 : i32 to index
        %swap3A_450 = arith.index_cast %scan3A_258 : i32 to index
        %swap3A_451 = arith.constant 112 : index
        %swap3A_452 = tpu.vector_load %arg9[%swap3A_449, %swap3A_450, %swap3A_451] {strides = array<i32>} : memref<2x128x128xf32, #tpu.memory_space<vmem>>, vector<1x1x16xf32>,
        %swap3A_453 = vector.shape_cast %swap3A_452 : vector<1x1x16xf32> to vector<16xf32>
        %swap3A_454 = vector.shape_cast %div3A_447 : vector<16xf32> to vector<1x1x16xf32>
        tpu.vector_store %arg9[%swap3A_449, %swap3A_450, %swap3A_451], %swap3A_454 {strides = array<i32>} : memref<2x128x128xf32, #tpu.memory_space<vmem>>, vector<1x1x16xf32>,
      }
      %scan3A_242 = arith.constant 128 : i32
      %dma_start3A_243 = arith.constant 1 : i32
      %dma_start3A_244 = arith.constant 1 : i32
      %dma_start3A_245 = arith.constant 0 : i32
      %dma_start3A_246 = arith.constant 0 : i32
      %dma_start3A_247 = tpu.memref_slice %arg9[%dma_start3A_243, %dma_start3A_245, %dma_start3A_246] : memref<2x128x128xf32, #tpu.memory_space<vmem>> -> memref<1x128x128xf32, #tpu.memory_space<vmem>>
      %dma_start3A_248 = tpu.memref_squeeze %dma_start3A_247 : memref<1x128x128xf32, #tpu.memory_space<vmem>> -> memref<128x128xf32, #tpu.memory_space<vmem>>
      %dma_start3A_249 = arith.constant 0 : i32
      %dma_start3A_250 = tpu.memref_slice %arg11[%dma_start3A_244, %dma_start3A_249] : memref<2x128xi32, #tpu.memory_space<vmem>> -> memref<1x128xi32, #tpu.memory_space<vmem>>
      %dma_start3A_251 = tpu.memref_squeeze %dma_start3A_250 : memref<1x128xi32, #tpu.memory_space<vmem>> -> memref<128xi32, #tpu.memory_space<vmem>>
      %dma_start3A_252 = arith.constant 0 : i32
      %dma_start3A_253 = arith.constant 0 : i32
      %dma_start3A_254 = tpu.memref_slice %arg13[%dma_start3A_252, %dma_start3A_253] : memref<10112x128xf32, #tpu.memory_space<vmem_shared>> -> memref<10112x128xf32, #tpu.memory_space<vmem_shared>>
      tpu.enqueue_indirect_dma source(%dma_start3A_248 : memref<128x128xf32, #tpu.memory_space<vmem>>) target(%dma_start3A_254 : memref<10112x128xf32, #tpu.memory_space<vmem_shared>>) offsets(%dma_start3A_251 : memref<128xi32, #tpu.memory_space<vmem>>) semaphore(%arg18 : memref<!tpu.dma_semaphore, #tpu.memory_space<semaphore_mem>>) {add = true}
      %convert_element_type3A_255 = arith.extui %le3A_214 : i1 to i32
      %cond3A_256 = arith.constant 0 : i32
      %cond3A_257 = arith.cmpi ne, %convert_element_type3A_255, %cond3A_256 : i32
      scf.if %cond3A_257 {
        %add3A_258 = arith.constant 1 : i32
        %add3A_259 = arith.addi %add3A_206, %add3A_258 : i32
        %add3A_260 = arith.addi %add3A_7, %add3A_259 : i32
        %mul3A_261 = arith.constant 128 : i32
        %mul3A_262 = arith.muli %add3A_260, %mul3A_261 : i32
        %dma_wait3A_263 = arith.constant 0 : i32
        %dma_wait3A_264 = arith.constant 0 : i32
        %dma_wait3A_265 = arith.constant 0 : i32
        %dma_wait3A_266 = tpu.memref_slice %arg9[%dma_wait3A_263, %dma_wait3A_264, %dma_wait3A_265] : memref<2x128x128xf32, #tpu.memory_space<vmem>> -> memref<1x128x128xf32, #tpu.memory_space<vmem>>
        %dma_wait3A_267 = tpu.memref_squeeze %dma_wait3A_266 : memref<1x128x128xf32, #tpu.memory_space<vmem>> -> memref<128x128xf32, #tpu.memory_space<vmem>>
        %dma_wait3A_268 = arith.constant 0 : i32
        %dma_wait3A_269 = tpu.memref_slice %arg5[%mul3A_262, %dma_wait3A_268] : memref<323584x128xf32, #tpu.memory_space<hbm>> -> memref<128x128xf32, #tpu.memory_space<hbm>>
        %dma_wait3A_270 = arith.constant 0 : i32
        %dma_wait3A_271 = arith.constant 0 : i32
        %dma_wait3A_272 = tpu.memref_slice %arg9[%dma_wait3A_263, %dma_wait3A_270, %dma_wait3A_271] : memref<2x128x128xf32, #tpu.memory_space<vmem>> -> memref<1x128x128xf32, #tpu.memory_space<vmem>>
        %dma_wait3A_273 = tpu.memref_squeeze %dma_wait3A_272 : memref<1x128x128xf32, #tpu.memory_space<vmem>> -> memref<128x128xf32, #tpu.memory_space<vmem>>
        %dma_wait3A_274 = arith.constant 0 : i32
        %dma_wait3A_275 = tpu.memref_slice %arg5[%mul3A_262, %dma_wait3A_274] : memref<323584x128xf32, #tpu.memory_space<hbm>> -> memref<128x128xf32, #tpu.memory_space<hbm>>
        tpu.wait_dma2 semaphore(%arg14 : memref<!tpu.dma_semaphore, #tpu.memory_space<semaphore_mem>>) src(%dma_wait3A_275 : memref<128x128xf32, #tpu.memory_space<hbm>>) dst(%dma_wait3A_273 : memref<128x128xf32, #tpu.memory_space<vmem>>)
        %dma_start3A_276 = arith.constant 0 : i32
        %dma_start3A_277 = arith.constant 0 : i32
        %dma_start3A_278 = arith.constant 0 : i32
        %dma_start3A_279 = arith.constant 0 : i32
        %dma_start3A_280 = tpu.memref_slice %arg9[%dma_start3A_277, %dma_start3A_278, %dma_start3A_279] : memref<2x128x128xf32, #tpu.memory_space<vmem>> -> memref<1x128x128xf32, #tpu.memory_space<vmem>>
        %dma_start3A_281 = tpu.memref_squeeze %dma_start3A_280 : memref<1x128x128xf32, #tpu.memory_space<vmem>> -> memref<128x128xf32, #tpu.memory_space<vmem>>
        %dma_start3A_282 = arith.constant 0 : i32
        %dma_start3A_283 = tpu.memref_slice %arg11[%dma_start3A_276, %dma_start3A_282] : memref<2x128xi32, #tpu.memory_space<vmem>> -> memref<1x128xi32, #tpu.memory_space<vmem>>
        %dma_start3A_284 = tpu.memref_squeeze %dma_start3A_283 : memref<1x128xi32, #tpu.memory_space<vmem>> -> memref<128xi32, #tpu.memory_space<vmem>>
        %dma_start3A_285 = arith.constant 0 : i32
        %dma_start3A_286 = arith.constant 0 : i32
        %dma_start3A_287 = tpu.memref_slice %arg2[%dma_start3A_285, %dma_start3A_286] : memref<10112x128xf32, #tpu.memory_space<hbm>> -> memref<10112x128xf32, #tpu.memory_space<hbm>>
        tpu.enqueue_indirect_dma source(%dma_start3A_287 : memref<10112x128xf32, #tpu.memory_space<hbm>>) target(%dma_start3A_281 : memref<128x128xf32, #tpu.memory_space<vmem>>) offsets(%dma_start3A_284 : memref<128xi32, #tpu.memory_space<vmem>>) semaphore(%arg15 : memref<!tpu.dma_semaphore, #tpu.memory_space<semaphore_mem>>) {add = true}
        %dma_start3A_288 = arith.constant 0 : i32
        %dma_start3A_289 = arith.constant 0 : i32
        %dma_start3A_290 = tpu.memref_slice %arg12[%dma_start3A_288, %dma_start3A_289] : memref<2x128xi32, #tpu.memory_space<vmem>> -> memref<1x128xi32, #tpu.memory_space<vmem>>
        %dma_start3A_291 = tpu.memref_squeeze %dma_start3A_290 : memref<1x128xi32, #tpu.memory_space<vmem>> -> memref<128xi32, #tpu.memory_space<vmem>>
        %dma_start3A_292 = arith.constant 0 : i32
        %dma_start3A_293 = arith.constant 0 : i32
        %dma_start3A_294 = tpu.memref_slice %arg4[%dma_start3A_292, %dma_start3A_293] : memref<10112x128xf32, #tpu.memory_space<hbm>> -> memref<10112x128xf32, #tpu.memory_space<hbm>>
        tpu.enqueue_indirect_dma source(%dma_start3A_294 : memref<10112x128xf32, #tpu.memory_space<hbm>>) target(%arg10 : memref<128x128xf32, #tpu.memory_space<vmem>>) offsets(%dma_start3A_291 : memref<128xi32, #tpu.memory_space<vmem>>) semaphore(%arg17 : memref<!tpu.dma_semaphore, #tpu.memory_space<semaphore_mem>>)
        %dma_wait3A_295 = arith.constant 0 : i32
        %dma_wait3A_296 = arith.constant 0 : i32
        %dma_wait3A_297 = arith.constant 0 : i32
        %dma_wait3A_298 = arith.constant 0 : i32
        %dma_wait3A_299 = tpu.memref_slice %arg9[%dma_wait3A_296, %dma_wait3A_297, %dma_wait3A_298] : memref<2x128x128xf32, #tpu.memory_space<vmem>> -> memref<1x128x128xf32, #tpu.memory_space<vmem>>
        %dma_wait3A_300 = tpu.memref_squeeze %dma_wait3A_299 : memref<1x128x128xf32, #tpu.memory_space<vmem>> -> memref<128x128xf32, #tpu.memory_space<vmem>>
        %dma_wait3A_301 = arith.constant 0 : i32
        %dma_wait3A_302 = tpu.memref_slice %arg11[%dma_wait3A_295, %dma_wait3A_301] : memref<2x128xi32, #tpu.memory_space<vmem>> -> memref<1x128xi32, #tpu.memory_space<vmem>>
        %dma_wait3A_303 = tpu.memref_squeeze %dma_wait3A_302 : memref<1x128xi32, #tpu.memory_space<vmem>> -> memref<128xi32, #tpu.memory_space<vmem>>
        %dma_wait3A_304 = arith.constant 0 : i32
        %dma_wait3A_305 = arith.constant 0 : i32
        %dma_wait3A_306 = tpu.memref_slice %arg2[%dma_wait3A_304, %dma_wait3A_305] : memref<10112x128xf32, #tpu.memory_space<hbm>> -> memref<10112x128xf32, #tpu.memory_space<hbm>>
        tpu.wait_indirect_dma semaphore(%arg15 : memref<!tpu.dma_semaphore, #tpu.memory_space<semaphore_mem>>) src(%dma_wait3A_306 : memref<10112x128xf32, #tpu.memory_space<hbm>>) dst(%dma_wait3A_300 : memref<128x128xf32, #tpu.memory_space<vmem>>)
        %dma_start3A_307 = arith.constant 0 : i32
        %dma_start3A_308 = arith.constant 0 : i32
        %dma_start3A_309 = arith.constant 0 : i32
        %dma_start3A_310 = arith.constant 0 : i32
        %dma_start3A_311 = tpu.memref_slice %arg9[%dma_start3A_308, %dma_start3A_309, %dma_start3A_310] : memref<2x128x128xf32, #tpu.memory_space<vmem>> -> memref<1x128x128xf32, #tpu.memory_space<vmem>>
        %dma_start3A_312 = tpu.memref_squeeze %dma_start3A_311 : memref<1x128x128xf32, #tpu.memory_space<vmem>> -> memref<128x128xf32, #tpu.memory_space<vmem>>
        %dma_start3A_313 = arith.constant 0 : i32
        %dma_start3A_314 = tpu.memref_slice %arg12[%dma_start3A_307, %dma_start3A_313] : memref<2x128xi32, #tpu.memory_space<vmem>> -> memref<1x128xi32, #tpu.memory_space<vmem>>
        %dma_start3A_315 = tpu.memref_squeeze %dma_start3A_314 : memref<1x128xi32, #tpu.memory_space<vmem>> -> memref<128xi32, #tpu.memory_space<vmem>>
        %dma_start3A_316 = arith.constant 0 : i32
        %dma_start3A_317 = arith.constant 0 : i32
        %dma_start3A_318 = tpu.memref_slice %arg3[%dma_start3A_316, %dma_start3A_317] : memref<10112x128xf32, #tpu.memory_space<hbm>> -> memref<10112x128xf32, #tpu.memory_space<hbm>>
        tpu.enqueue_indirect_dma source(%dma_start3A_318 : memref<10112x128xf32, #tpu.memory_space<hbm>>) target(%dma_start3A_312 : memref<128x128xf32, #tpu.memory_space<vmem>>) offsets(%dma_start3A_315 : memref<128xi32, #tpu.memory_space<vmem>>) semaphore(%arg16 : memref<!tpu.dma_semaphore, #tpu.memory_space<semaphore_mem>>) {add = true}
      } else {
      }
    }
    %while3A_109 = arith.constant 1 : i32
    scf.for %while3A_153 = %while3A_107 to %while3A_103 step %while3A_109  : i32 {
      %mul3A_154 = arith.constant 2 : i32
      %mul3A_155 = arith.muli %mul3A_154, %while3A_153 : i32
      %ge3A = arith.constant 1 : i32
      %ge3A_156 = arith.cmpi sge, %mul3A_155, %ge3A : i32
      %convert_element_type3A = arith.extui %ge3A_156 : i1 to i32
      %cond3A = arith.constant 0 : i32
      %cond3A_157 = arith.cmpi ne, %convert_element_type3A, %cond3A : i32
      scf.if %cond3A_157 {
        %dma_wait3A_258 = arith.constant 1 : i32
        %dma_wait3A_259 = arith.constant 1 : i32
        %dma_wait3A_260 = arith.constant 0 : i32
        %dma_wait3A_261 = arith.constant 0 : i32
        %dma_wait3A_262 = tpu.memref_slice %arg9[%dma_wait3A_258, %dma_wait3A_260, %dma_wait3A_261] : memref<2x128x128xf32, #tpu.memory_space<vmem>> -> memref<1x128x128xf32, #tpu.memory_space<vmem>>
        %dma_wait3A_263 = tpu.memref_squeeze %dma_wait3A_262 : memref<1x128x128xf32, #tpu.memory_space<vmem>> -> memref<128x128xf32, #tpu.memory_space<vmem>>
        %dma_wait3A_264 = arith.constant 0 : i32
        %dma_wait3A_265 = tpu.memref_slice %arg11[%dma_wait3A_259, %dma_wait3A_264] : memref<2x128xi32, #tpu.memory_space<vmem>> -> memref<1x128xi32, #tpu.memory_space<vmem>>
        %dma_wait3A_266 = tpu.memref_squeeze %dma_wait3A_265 : memref<1x128xi32, #tpu.memory_space<vmem>> -> memref<128xi32, #tpu.memory_space<vmem>>
        %dma_wait3A_267 = arith.constant 0 : i32
        %dma_wait3A_268 = arith.constant 0 : i32
        %dma_wait3A_269 = tpu.memref_slice %arg13[%dma_wait3A_267, %dma_wait3A_268] : memref<10112x128xf32, #tpu.memory_space<vmem_shared>> -> memref<10112x128xf32, #tpu.memory_space<vmem_shared>>
        tpu.wait_indirect_dma semaphore(%arg18 : memref<!tpu.dma_semaphore, #tpu.memory_space<semaphore_mem>>) src(%dma_wait3A_263 : memref<128x128xf32, #tpu.memory_space<vmem>>) dst(%dma_wait3A_269 : memref<10112x128xf32, #tpu.memory_space<vmem_shared>>)
      } else {
      }
      %sub3A_158 = arith.constant 2 : i32
      %sub3A_159 = arith.subi %add3A_1, %sub3A_158 : i32
      %le3A = arith.cmpi sle, %mul3A_155, %sub3A_159 : i32
      %convert_element_type3A_160 = arith.extui %le3A : i1 to i32
      %cond3A_161 = arith.constant 0 : i32
      %cond3A_162 = arith.cmpi ne, %convert_element_type3A_160, %cond3A_161 : i32
      scf.if %cond3A_162 {
        %add3A_258 = arith.addi %add3A_7, %mul3A_155 : i32
        %add3A_259 = arith.constant 1 : i32
        %add3A_260 = arith.addi %add3A_258, %add3A_259 : i32
        %run_scoped3A_261 = arith.constant 1 : i32
        "tpu.region"() ({
          %run_scoped3A_284 = tpu.sem_alloc : memref<!tpu.dma_semaphore, #tpu.memory_space<semaphore_mem>>
          %dma_start3A_285 = arith.constant 0 : i32
          %dma_start3A_286 = tpu.memref_slice %arg11[%run_scoped3A_261, %dma_start3A_285] : memref<2x128xi32, #tpu.memory_space<vmem>> -> memref<1x128xi32, #tpu.memory_space<vmem>>
          %dma_start3A_287 = tpu.memref_squeeze %dma_start3A_286 : memref<1x128xi32, #tpu.memory_space<vmem>> -> memref<128xi32, #tpu.memory_space<vmem>>
          %dma_start3A_288 = arith.constant 0 : i32
          %dma_start3A_289 = tpu.memref_slice %arg6[%add3A_260, %dma_start3A_288] : memref<2528x128xi32, #tpu.memory_space<hbm>> -> memref<1x128xi32, #tpu.memory_space<hbm>>
          %dma_start3A_290 = tpu.memref_squeeze %dma_start3A_289 : memref<1x128xi32, #tpu.memory_space<hbm>> -> memref<128xi32, #tpu.memory_space<hbm>>
          %dma_start3A_291 = arith.constant 0 : i32
          %dma_start3A_292 = tpu.memref_slice %arg11[%run_scoped3A_261, %dma_start3A_291] : memref<2x128xi32, #tpu.memory_space<vmem>> -> memref<1x128xi32, #tpu.memory_space<vmem>>
          %dma_start3A_293 = tpu.memref_squeeze %dma_start3A_292 : memref<1x128xi32, #tpu.memory_space<vmem>> -> memref<128xi32, #tpu.memory_space<vmem>>
          %dma_start3A_294 = arith.constant 0 : i32
          %dma_start3A_295 = tpu.memref_slice %arg6[%add3A_260, %dma_start3A_294] : memref<2528x128xi32, #tpu.memory_space<hbm>> -> memref<1x128xi32, #tpu.memory_space<hbm>>
          %dma_start3A_296 = tpu.memref_squeeze %dma_start3A_295 : memref<1x128xi32, #tpu.memory_space<hbm>> -> memref<128xi32, #tpu.memory_space<hbm>>
          tpu.enqueue_dma source(%dma_start3A_296 : memref<128xi32, #tpu.memory_space<hbm>>) target(%dma_start3A_293 : memref<128xi32, #tpu.memory_space<vmem>>) target_semaphore(%run_scoped3A_284 : memref<!tpu.dma_semaphore, #tpu.memory_space<semaphore_mem>>)
          %dma_wait3A_297 = arith.constant 0 : i32
          %dma_wait3A_298 = tpu.memref_slice %arg11[%run_scoped3A_261, %dma_wait3A_297] : memref<2x128xi32, #tpu.memory_space<vmem>> -> memref<1x128xi32, #tpu.memory_space<vmem>>
          %dma_wait3A_299 = tpu.memref_squeeze %dma_wait3A_298 : memref<1x128xi32, #tpu.memory_space<vmem>> -> memref<128xi32, #tpu.memory_space<vmem>>
          %dma_wait3A_300 = arith.constant 0 : i32
          %dma_wait3A_301 = tpu.memref_slice %arg6[%add3A_260, %dma_wait3A_300] : memref<2528x128xi32, #tpu.memory_space<hbm>> -> memref<1x128xi32, #tpu.memory_space<hbm>>
          %dma_wait3A_302 = tpu.memref_squeeze %dma_wait3A_301 : memref<1x128xi32, #tpu.memory_space<hbm>> -> memref<128xi32, #tpu.memory_space<hbm>>
          %dma_wait3A_303 = arith.constant 0 : i32
          %dma_wait3A_304 = tpu.memref_slice %arg11[%run_scoped3A_261, %dma_wait3A_303] : memref<2x128xi32, #tpu.memory_space<vmem>> -> memref<1x128xi32, #tpu.memory_space<vmem>>
          %dma_wait3A_305 = tpu.memref_squeeze %dma_wait3A_304 : memref<1x128xi32, #tpu.memory_space<vmem>> -> memref<128xi32, #tpu.memory_space<vmem>>
          %dma_wait3A_306 = arith.constant 0 : i32
          %dma_wait3A_307 = tpu.memref_slice %arg6[%add3A_260, %dma_wait3A_306] : memref<2528x128xi32, #tpu.memory_space<hbm>> -> memref<1x128xi32, #tpu.memory_space<hbm>>
          %dma_wait3A_308 = tpu.memref_squeeze %dma_wait3A_307 : memref<1x128xi32, #tpu.memory_space<hbm>> -> memref<128xi32, #tpu.memory_space<hbm>>
          tpu.wait_dma2 semaphore(%run_scoped3A_284 : memref<!tpu.dma_semaphore, #tpu.memory_space<semaphore_mem>>) src(%dma_wait3A_308 : memref<128xi32, #tpu.memory_space<hbm>>) dst(%dma_wait3A_305 : memref<128xi32, #tpu.memory_space<vmem>>)
          tpu.yield
        }) : () -> ()
        %add3A_262 = arith.addi %add3A_7, %mul3A_155 : i32
        %add3A_263 = arith.constant 1 : i32
        %add3A_264 = arith.addi %add3A_262, %add3A_263 : i32
        %run_scoped3A_265 = arith.constant 1 : i32
        "tpu.region"() ({
          %run_scoped3A_284 = tpu.sem_alloc : memref<!tpu.dma_semaphore, #tpu.memory_space<semaphore_mem>>
          %dma_start3A_285 = arith.constant 0 : i32
          %dma_start3A_286 = tpu.memref_slice %arg12[%run_scoped3A_265, %dma_start3A_285] : memref<2x128xi32, #tpu.memory_space<vmem>> -> memref<1x128xi32, #tpu.memory_space<vmem>>
          %dma_start3A_287 = tpu.memref_squeeze %dma_start3A_286 : memref<1x128xi32, #tpu.memory_space<vmem>> -> memref<128xi32, #tpu.memory_space<vmem>>
          %dma_start3A_288 = arith.constant 0 : i32
          %dma_start3A_289 = tpu.memref_slice %arg7[%add3A_264, %dma_start3A_288] : memref<2528x128xi32, #tpu.memory_space<hbm>> -> memref<1x128xi32, #tpu.memory_space<hbm>>
          %dma_start3A_290 = tpu.memref_squeeze %dma_start3A_289 : memref<1x128xi32, #tpu.memory_space<hbm>> -> memref<128xi32, #tpu.memory_space<hbm>>
          %dma_start3A_291 = arith.constant 0 : i32
          %dma_start3A_292 = tpu.memref_slice %arg12[%run_scoped3A_265, %dma_start3A_291] : memref<2x128xi32, #tpu.memory_space<vmem>> -> memref<1x128xi32, #tpu.memory_space<vmem>>
          %dma_start3A_293 = tpu.memref_squeeze %dma_start3A_292 : memref<1x128xi32, #tpu.memory_space<vmem>> -> memref<128xi32, #tpu.memory_space<vmem>>
          %dma_start3A_294 = arith.constant 0 : i32
          %dma_start3A_295 = tpu.memref_slice %arg7[%add3A_264, %dma_start3A_294] : memref<2528x128xi32, #tpu.memory_space<hbm>> -> memref<1x128xi32, #tpu.memory_space<hbm>>
          %dma_start3A_296 = tpu.memref_squeeze %dma_start3A_295 : memref<1x128xi32, #tpu.memory_space<hbm>> -> memref<128xi32, #tpu.memory_space<hbm>>
          tpu.enqueue_dma source(%dma_start3A_296 : memref<128xi32, #tpu.memory_space<hbm>>) target(%dma_start3A_293 : memref<128xi32, #tpu.memory_space<vmem>>) target_semaphore(%run_scoped3A_284 : memref<!tpu.dma_semaphore, #tpu.memory_space<semaphore_mem>>)
          %dma_wait3A_297 = arith.constant 0 : i32
          %dma_wait3A_298 = tpu.memref_slice %arg12[%run_scoped3A_265, %dma_wait3A_297] : memref<2x128xi32, #tpu.memory_space<vmem>> -> memref<1x128xi32, #tpu.memory_space<vmem>>
          %dma_wait3A_299 = tpu.memref_squeeze %dma_wait3A_298 : memref<1x128xi32, #tpu.memory_space<vmem>> -> memref<128xi32, #tpu.memory_space<vmem>>
          %dma_wait3A_300 = arith.constant 0 : i32
          %dma_wait3A_301 = tpu.memref_slice %arg7[%add3A_264, %dma_wait3A_300] : memref<2528x128xi32, #tpu.memory_space<hbm>> -> memref<1x128xi32, #tpu.memory_space<hbm>>
          %dma_wait3A_302 = tpu.memref_squeeze %dma_wait3A_301 : memref<1x128xi32, #tpu.memory_space<hbm>> -> memref<128xi32, #tpu.memory_space<hbm>>
          %dma_wait3A_303 = arith.constant 0 : i32
          %dma_wait3A_304 = tpu.memref_slice %arg12[%run_scoped3A_265, %dma_wait3A_303] : memref<2x128xi32, #tpu.memory_space<vmem>> -> memref<1x128xi32, #tpu.memory_space<vmem>>
          %dma_wait3A_305 = tpu.memref_squeeze %dma_wait3A_304 : memref<1x128xi32, #tpu.memory_space<vmem>> -> memref<128xi32, #tpu.memory_space<vmem>>
          %dma_wait3A_306 = arith.constant 0 : i32
          %dma_wait3A_307 = tpu.memref_slice %arg7[%add3A_264, %dma_wait3A_306] : memref<2528x128xi32, #tpu.memory_space<hbm>> -> memref<1x128xi32, #tpu.memory_space<hbm>>
          %dma_wait3A_308 = tpu.memref_squeeze %dma_wait3A_307 : memref<1x128xi32, #tpu.memory_space<hbm>> -> memref<128xi32, #tpu.memory_space<hbm>>
          tpu.wait_dma2 semaphore(%run_scoped3A_284 : memref<!tpu.dma_semaphore, #tpu.memory_space<semaphore_mem>>) src(%dma_wait3A_308 : memref<128xi32, #tpu.memory_space<hbm>>) dst(%dma_wait3A_305 : memref<128xi32, #tpu.memory_space<vmem>>)
          tpu.yield
        }) : () -> ()
        %add3A_266 = arith.constant 1 : i32
        %add3A_267 = arith.addi %mul3A_155, %add3A_266 : i32
        %add3A_268 = arith.addi %add3A_7, %add3A_267 : i32
        %mul3A_269 = arith.constant 128 : i32
        %mul3A_270 = arith.muli %add3A_268, %mul3A_269 : i32
        %dma_start3A_271 = arith.constant 1 : i32
        %dma_start3A_272 = arith.constant 0 : i32
        %dma_start3A_273 = arith.constant 0 : i32
        %dma_start3A_274 = tpu.memref_slice %arg9[%dma_start3A_271, %dma_start3A_272, %dma_start3A_273] : memref<2x128x128xf32, #tpu.memory_space<vmem>> -> memref<1x128x128xf32, #tpu.memory_space<vmem>>
        %dma_start3A_275 = tpu.memref_squeeze %dma_start3A_274 : memref<1x128x128xf32, #tpu.memory_space<vmem>> -> memref<128x128xf32, #tpu.memory_space<vmem>>
        %dma_start3A_276 = arith.constant 0 : i32
        %dma_start3A_277 = tpu.memref_slice %arg5[%mul3A_270, %dma_start3A_276] : memref<323584x128xf32, #tpu.memory_space<hbm>> -> memref<128x128xf32, #tpu.memory_space<hbm>>
        %dma_start3A_278 = arith.constant 0 : i32
        %dma_start3A_279 = arith.constant 0 : i32
        %dma_start3A_280 = tpu.memref_slice %arg9[%dma_start3A_271, %dma_start3A_278, %dma_start3A_279] : memref<2x128x128xf32, #tpu.memory_space<vmem>> -> memref<1x128x128xf32, #tpu.memory_space<vmem>>
        %dma_start3A_281 = tpu.memref_squeeze %dma_start3A_280 : memref<1x128x128xf32, #tpu.memory_space<vmem>> -> memref<128x128xf32, #tpu.memory_space<vmem>>
        %dma_start3A_282 = arith.constant 0 : i32
        %dma_start3A_283 = tpu.memref_slice %arg5[%mul3A_270, %dma_start3A_282] : memref<323584x128xf32, #tpu.memory_space<hbm>> -> memref<128x128xf32, #tpu.memory_space<hbm>>
        tpu.enqueue_dma source(%dma_start3A_283 : memref<128x128xf32, #tpu.memory_space<hbm>>) target(%dma_start3A_281 : memref<128x128xf32, #tpu.memory_space<vmem>>) target_semaphore(%arg14 : memref<!tpu.dma_semaphore, #tpu.memory_space<semaphore_mem>>)
      } else {
      }
      %dma_wait3A_163 = arith.constant 0 : i32
      %dma_wait3A_164 = arith.constant 0 : i32
      %dma_wait3A_165 = arith.constant 0 : i32
      %dma_wait3A_166 = arith.constant 0 : i32
      %dma_wait3A_167 = tpu.memref_slice %arg9[%dma_wait3A_164, %dma_wait3A_165, %dma_wait3A_166] : memref<2x128x128xf32, #tpu.memory_space<vmem>> -> memref<1x128x128xf32, #tpu.memory_space<vmem>>
      %dma_wait3A_168 = tpu.memref_squeeze %dma_wait3A_167 : memref<1x128x128xf32, #tpu.memory_space<vmem>> -> memref<128x128xf32, #tpu.memory_space<vmem>>
      %dma_wait3A_169 = arith.constant 0 : i32
      %dma_wait3A_170 = tpu.memref_slice %arg12[%dma_wait3A_163, %dma_wait3A_169] : memref<2x128xi32, #tpu.memory_space<vmem>> -> memref<1x128xi32, #tpu.memory_space<vmem>>
      %dma_wait3A_171 = tpu.memref_squeeze %dma_wait3A_170 : memref<1x128xi32, #tpu.memory_space<vmem>> -> memref<128xi32, #tpu.memory_space<vmem>>
      %dma_wait3A_172 = arith.constant 0 : i32
      %dma_wait3A_173 = arith.constant 0 : i32
      %dma_wait3A_174 = tpu.memref_slice %arg3[%dma_wait3A_172, %dma_wait3A_173] : memref<10112x128xf32, #tpu.memory_space<hbm>> -> memref<10112x128xf32, #tpu.memory_space<hbm>>
      tpu.wait_indirect_dma semaphore(%arg16 : memref<!tpu.dma_semaphore, #tpu.memory_space<semaphore_mem>>) src(%dma_wait3A_174 : memref<10112x128xf32, #tpu.memory_space<hbm>>) dst(%dma_wait3A_168 : memref<128x128xf32, #tpu.memory_space<vmem>>)
      %dma_wait3A_175 = arith.constant 0 : i32
      %dma_wait3A_176 = arith.constant 0 : i32
      %dma_wait3A_177 = tpu.memref_slice %arg12[%dma_wait3A_175, %dma_wait3A_176] : memref<2x128xi32, #tpu.memory_space<vmem>> -> memref<1x128xi32, #tpu.memory_space<vmem>>
      %dma_wait3A_178 = tpu.memref_squeeze %dma_wait3A_177 : memref<1x128xi32, #tpu.memory_space<vmem>> -> memref<128xi32, #tpu.memory_space<vmem>>
      %dma_wait3A_179 = arith.constant 0 : i32
      %dma_wait3A_180 = arith.constant 0 : i32
      %dma_wait3A_181 = tpu.memref_slice %arg4[%dma_wait3A_179, %dma_wait3A_180] : memref<10112x128xf32, #tpu.memory_space<hbm>> -> memref<10112x128xf32, #tpu.memory_space<hbm>>
      tpu.wait_indirect_dma semaphore(%arg17 : memref<!tpu.dma_semaphore, #tpu.memory_space<semaphore_mem>>) src(%dma_wait3A_181 : memref<10112x128xf32, #tpu.memory_space<hbm>>) dst(%arg10 : memref<128x128xf32, #tpu.memory_space<vmem>>)
      %scan3A_182 = arith.constant 0 : i32
      %scan3A_183 = arith.constant 0 : i32
      %scan3A_184 = arith.constant 128 : i32
      %scan3A_185 = arith.addi %scan3A_183, %scan3A_184 : i32
      %scan3A_186 = arith.constant 1 : i32
      scf.for %scan3A_258 = %scan3A_183 to %scan3A_185 step %scan3A_186  : i32 {
        %get3A = arith.index_cast %scan3A_258 : i32 to index
        %get3A_259 = arith.constant 0 : index
        %get3A_260 = tpu.vector_load %arg10[%get3A, %get3A_259] {strides = array<i32>} : memref<128x128xf32, #tpu.memory_space<vmem>>, vector<1x16xf32>,
        %get3A_261 = vector.shape_cast %get3A_260 : vector<1x16xf32> to vector<16xf32>
        %get3A_262 = arith.constant 0 : i32
        %get3A_263 = arith.index_cast %get3A_262 : i32 to index
        %get3A_264 = arith.index_cast %scan3A_258 : i32 to index
        %get3A_265 = arith.constant 0 : index
        %get3A_266 = tpu.vector_load %arg9[%get3A_263, %get3A_264, %get3A_265] {strides = array<i32>} : memref<2x128x128xf32, #tpu.memory_space<vmem>>, vector<1x1x16xf32>,
        %get3A_267 = vector.shape_cast %get3A_266 : vector<1x1x16xf32> to vector<16xf32>
        %neg3A = arith.constant 0.000000e+00 : f32
        %neg3A_268 = vector.broadcast %neg3A : f32 to vector<16xf32>
        %neg3A_269 = arith.subf %neg3A_268, %get3A_267 : vector<16xf32>
        %exp3A = math.exp %neg3A_269 : vector<16xf32>
        %add3A_270 = arith.constant 1.000000e+00 : f32
        %add3A_271 = vector.broadcast %add3A_270 : f32 to vector<16xf32>
        %add3A_272 = arith.addf %add3A_271, %exp3A : vector<16xf32>
        %div3A_273 = arith.divf %get3A_261, %add3A_272 : vector<16xf32>
        %swap3A = arith.constant 0 : i32
        %swap3A_274 = arith.index_cast %swap3A : i32 to index
        %swap3A_275 = arith.index_cast %scan3A_258 : i32 to index
        %swap3A_276 = arith.constant 0 : index
        %swap3A_277 = tpu.vector_load %arg9[%swap3A_274, %swap3A_275, %swap3A_276] {strides = array<i32>} : memref<2x128x128xf32, #tpu.memory_space<vmem>>, vector<1x1x16xf32>,
        %swap3A_278 = vector.shape_cast %swap3A_277 : vector<1x1x16xf32> to vector<16xf32>
        %swap3A_279 = vector.shape_cast %div3A_273 : vector<16xf32> to vector<1x1x16xf32>
        tpu.vector_store %arg9[%swap3A_274, %swap3A_275, %swap3A_276], %swap3A_279 {strides = array<i32>} : memref<2x128x128xf32, #tpu.memory_space<vmem>>, vector<1x1x16xf32>,
        %get3A_280 = arith.index_cast %scan3A_258 : i32 to index
        %get3A_281 = arith.constant 16 : index
        %get3A_282 = tpu.vector_load %arg10[%get3A_280, %get3A_281] {strides = array<i32>} : memref<128x128xf32, #tpu.memory_space<vmem>>, vector<1x16xf32>,
        %get3A_283 = vector.shape_cast %get3A_282 : vector<1x16xf32> to vector<16xf32>
        %get3A_284 = arith.constant 0 : i32
        %get3A_285 = arith.index_cast %get3A_284 : i32 to index
        %get3A_286 = arith.index_cast %scan3A_258 : i32 to index
        %get3A_287 = arith.constant 16 : index
        %get3A_288 = tpu.vector_load %arg9[%get3A_285, %get3A_286, %get3A_287] {strides = array<i32>} : memref<2x128x128xf32, #tpu.memory_space<vmem>>, vector<1x1x16xf32>,
        %get3A_289 = vector.shape_cast %get3A_288 : vector<1x1x16xf32> to vector<16xf32>
        %neg3A_290 = arith.constant 0.000000e+00 : f32
        %neg3A_291 = vector.broadcast %neg3A_290 : f32 to vector<16xf32>
        %neg3A_292 = arith.subf %neg3A_291, %get3A_289 : vector<16xf32>
        %exp3A_293 = math.exp %neg3A_292 : vector<16xf32>
        %add3A_294 = arith.constant 1.000000e+00 : f32
        %add3A_295 = vector.broadcast %add3A_294 : f32 to vector<16xf32>
        %add3A_296 = arith.addf %add3A_295, %exp3A_293 : vector<16xf32>
        %div3A_297 = arith.divf %get3A_283, %add3A_296 : vector<16xf32>
        %swap3A_298 = arith.constant 0 : i32
        %swap3A_299 = arith.index_cast %swap3A_298 : i32 to index
        %swap3A_300 = arith.index_cast %scan3A_258 : i32 to index
        %swap3A_301 = arith.constant 16 : index
        %swap3A_302 = tpu.vector_load %arg9[%swap3A_299, %swap3A_300, %swap3A_301] {strides = array<i32>} : memref<2x128x128xf32, #tpu.memory_space<vmem>>, vector<1x1x16xf32>,
        %swap3A_303 = vector.shape_cast %swap3A_302 : vector<1x1x16xf32> to vector<16xf32>
        %swap3A_304 = vector.shape_cast %div3A_297 : vector<16xf32> to vector<1x1x16xf32>
        tpu.vector_store %arg9[%swap3A_299, %swap3A_300, %swap3A_301], %swap3A_304 {strides = array<i32>} : memref<2x128x128xf32, #tpu.memory_space<vmem>>, vector<1x1x16xf32>,
        %get3A_305 = arith.index_cast %scan3A_258 : i32 to index
        %get3A_306 = arith.constant 32 : index
        %get3A_307 = tpu.vector_load %arg10[%get3A_305, %get3A_306] {strides = array<i32>} : memref<128x128xf32, #tpu.memory_space<vmem>>, vector<1x16xf32>,
        %get3A_308 = vector.shape_cast %get3A_307 : vector<1x16xf32> to vector<16xf32>
        %get3A_309 = arith.constant 0 : i32
        %get3A_310 = arith.index_cast %get3A_309 : i32 to index
        %get3A_311 = arith.index_cast %scan3A_258 : i32 to index
        %get3A_312 = arith.constant 32 : index
        %get3A_313 = tpu.vector_load %arg9[%get3A_310, %get3A_311, %get3A_312] {strides = array<i32>} : memref<2x128x128xf32, #tpu.memory_space<vmem>>, vector<1x1x16xf32>,
        %get3A_314 = vector.shape_cast %get3A_313 : vector<1x1x16xf32> to vector<16xf32>
        %neg3A_315 = arith.constant 0.000000e+00 : f32
        %neg3A_316 = vector.broadcast %neg3A_315 : f32 to vector<16xf32>
        %neg3A_317 = arith.subf %neg3A_316, %get3A_314 : vector<16xf32>
        %exp3A_318 = math.exp %neg3A_317 : vector<16xf32>
        %add3A_319 = arith.constant 1.000000e+00 : f32
        %add3A_320 = vector.broadcast %add3A_319 : f32 to vector<16xf32>
        %add3A_321 = arith.addf %add3A_320, %exp3A_318 : vector<16xf32>
        %div3A_322 = arith.divf %get3A_308, %add3A_321 : vector<16xf32>
        %swap3A_323 = arith.constant 0 : i32
        %swap3A_324 = arith.index_cast %swap3A_323 : i32 to index
        %swap3A_325 = arith.index_cast %scan3A_258 : i32 to index
        %swap3A_326 = arith.constant 32 : index
        %swap3A_327 = tpu.vector_load %arg9[%swap3A_324, %swap3A_325, %swap3A_326] {strides = array<i32>} : memref<2x128x128xf32, #tpu.memory_space<vmem>>, vector<1x1x16xf32>,
        %swap3A_328 = vector.shape_cast %swap3A_327 : vector<1x1x16xf32> to vector<16xf32>
        %swap3A_329 = vector.shape_cast %div3A_322 : vector<16xf32> to vector<1x1x16xf32>
        tpu.vector_store %arg9[%swap3A_324, %swap3A_325, %swap3A_326], %swap3A_329 {strides = array<i32>} : memref<2x128x128xf32, #tpu.memory_space<vmem>>, vector<1x1x16xf32>,
        %get3A_330 = arith.index_cast %scan3A_258 : i32 to index
        %get3A_331 = arith.constant 48 : index
        %get3A_332 = tpu.vector_load %arg10[%get3A_330, %get3A_331] {strides = array<i32>} : memref<128x128xf32, #tpu.memory_space<vmem>>, vector<1x16xf32>,
        %get3A_333 = vector.shape_cast %get3A_332 : vector<1x16xf32> to vector<16xf32>
        %get3A_334 = arith.constant 0 : i32
        %get3A_335 = arith.index_cast %get3A_334 : i32 to index
        %get3A_336 = arith.index_cast %scan3A_258 : i32 to index
        %get3A_337 = arith.constant 48 : index
        %get3A_338 = tpu.vector_load %arg9[%get3A_335, %get3A_336, %get3A_337] {strides = array<i32>} : memref<2x128x128xf32, #tpu.memory_space<vmem>>, vector<1x1x16xf32>,
        %get3A_339 = vector.shape_cast %get3A_338 : vector<1x1x16xf32> to vector<16xf32>
        %neg3A_340 = arith.constant 0.000000e+00 : f32
        %neg3A_341 = vector.broadcast %neg3A_340 : f32 to vector<16xf32>
        %neg3A_342 = arith.subf %neg3A_341, %get3A_339 : vector<16xf32>
        %exp3A_343 = math.exp %neg3A_342 : vector<16xf32>
        %add3A_344 = arith.constant 1.000000e+00 : f32
        %add3A_345 = vector.broadcast %add3A_344 : f32 to vector<16xf32>
        %add3A_346 = arith.addf %add3A_345, %exp3A_343 : vector<16xf32>
        %div3A_347 = arith.divf %get3A_333, %add3A_346 : vector<16xf32>
        %swap3A_348 = arith.constant 0 : i32
        %swap3A_349 = arith.index_cast %swap3A_348 : i32 to index
        %swap3A_350 = arith.index_cast %scan3A_258 : i32 to index
        %swap3A_351 = arith.constant 48 : index
        %swap3A_352 = tpu.vector_load %arg9[%swap3A_349, %swap3A_350, %swap3A_351] {strides = array<i32>} : memref<2x128x128xf32, #tpu.memory_space<vmem>>, vector<1x1x16xf32>,
        %swap3A_353 = vector.shape_cast %swap3A_352 : vector<1x1x16xf32> to vector<16xf32>
        %swap3A_354 = vector.shape_cast %div3A_347 : vector<16xf32> to vector<1x1x16xf32>
        tpu.vector_store %arg9[%swap3A_349, %swap3A_350, %swap3A_351], %swap3A_354 {strides = array<i32>} : memref<2x128x128xf32, #tpu.memory_space<vmem>>, vector<1x1x16xf32>,
        %get3A_355 = arith.index_cast %scan3A_258 : i32 to index
        %get3A_356 = arith.constant 64 : index
        %get3A_357 = tpu.vector_load %arg10[%get3A_355, %get3A_356] {strides = array<i32>} : memref<128x128xf32, #tpu.memory_space<vmem>>, vector<1x16xf32>,
        %get3A_358 = vector.shape_cast %get3A_357 : vector<1x16xf32> to vector<16xf32>
        %get3A_359 = arith.constant 0 : i32
        %get3A_360 = arith.index_cast %get3A_359 : i32 to index
        %get3A_361 = arith.index_cast %scan3A_258 : i32 to index
        %get3A_362 = arith.constant 64 : index
        %get3A_363 = tpu.vector_load %arg9[%get3A_360, %get3A_361, %get3A_362] {strides = array<i32>} : memref<2x128x128xf32, #tpu.memory_space<vmem>>, vector<1x1x16xf32>,
        %get3A_364 = vector.shape_cast %get3A_363 : vector<1x1x16xf32> to vector<16xf32>
        %neg3A_365 = arith.constant 0.000000e+00 : f32
        %neg3A_366 = vector.broadcast %neg3A_365 : f32 to vector<16xf32>
        %neg3A_367 = arith.subf %neg3A_366, %get3A_364 : vector<16xf32>
        %exp3A_368 = math.exp %neg3A_367 : vector<16xf32>
        %add3A_369 = arith.constant 1.000000e+00 : f32
        %add3A_370 = vector.broadcast %add3A_369 : f32 to vector<16xf32>
        %add3A_371 = arith.addf %add3A_370, %exp3A_368 : vector<16xf32>
        %div3A_372 = arith.divf %get3A_358, %add3A_371 : vector<16xf32>
        %swap3A_373 = arith.constant 0 : i32
        %swap3A_374 = arith.index_cast %swap3A_373 : i32 to index
        %swap3A_375 = arith.index_cast %scan3A_258 : i32 to index
        %swap3A_376 = arith.constant 64 : index
        %swap3A_377 = tpu.vector_load %arg9[%swap3A_374, %swap3A_375, %swap3A_376] {strides = array<i32>} : memref<2x128x128xf32, #tpu.memory_space<vmem>>, vector<1x1x16xf32>,
        %swap3A_378 = vector.shape_cast %swap3A_377 : vector<1x1x16xf32> to vector<16xf32>
        %swap3A_379 = vector.shape_cast %div3A_372 : vector<16xf32> to vector<1x1x16xf32>
        tpu.vector_store %arg9[%swap3A_374, %swap3A_375, %swap3A_376], %swap3A_379 {strides = array<i32>} : memref<2x128x128xf32, #tpu.memory_space<vmem>>, vector<1x1x16xf32>,
        %get3A_380 = arith.index_cast %scan3A_258 : i32 to index
        %get3A_381 = arith.constant 80 : index
        %get3A_382 = tpu.vector_load %arg10[%get3A_380, %get3A_381] {strides = array<i32>} : memref<128x128xf32, #tpu.memory_space<vmem>>, vector<1x16xf32>,
        %get3A_383 = vector.shape_cast %get3A_382 : vector<1x16xf32> to vector<16xf32>
        %get3A_384 = arith.constant 0 : i32
        %get3A_385 = arith.index_cast %get3A_384 : i32 to index
        %get3A_386 = arith.index_cast %scan3A_258 : i32 to index
        %get3A_387 = arith.constant 80 : index
        %get3A_388 = tpu.vector_load %arg9[%get3A_385, %get3A_386, %get3A_387] {strides = array<i32>} : memref<2x128x128xf32, #tpu.memory_space<vmem>>, vector<1x1x16xf32>,
        %get3A_389 = vector.shape_cast %get3A_388 : vector<1x1x16xf32> to vector<16xf32>
        %neg3A_390 = arith.constant 0.000000e+00 : f32
        %neg3A_391 = vector.broadcast %neg3A_390 : f32 to vector<16xf32>
        %neg3A_392 = arith.subf %neg3A_391, %get3A_389 : vector<16xf32>
        %exp3A_393 = math.exp %neg3A_392 : vector<16xf32>
        %add3A_394 = arith.constant 1.000000e+00 : f32
        %add3A_395 = vector.broadcast %add3A_394 : f32 to vector<16xf32>
        %add3A_396 = arith.addf %add3A_395, %exp3A_393 : vector<16xf32>
        %div3A_397 = arith.divf %get3A_383, %add3A_396 : vector<16xf32>
        %swap3A_398 = arith.constant 0 : i32
        %swap3A_399 = arith.index_cast %swap3A_398 : i32 to index
        %swap3A_400 = arith.index_cast %scan3A_258 : i32 to index
        %swap3A_401 = arith.constant 80 : index
        %swap3A_402 = tpu.vector_load %arg9[%swap3A_399, %swap3A_400, %swap3A_401] {strides = array<i32>} : memref<2x128x128xf32, #tpu.memory_space<vmem>>, vector<1x1x16xf32>,
        %swap3A_403 = vector.shape_cast %swap3A_402 : vector<1x1x16xf32> to vector<16xf32>
        %swap3A_404 = vector.shape_cast %div3A_397 : vector<16xf32> to vector<1x1x16xf32>
        tpu.vector_store %arg9[%swap3A_399, %swap3A_400, %swap3A_401], %swap3A_404 {strides = array<i32>} : memref<2x128x128xf32, #tpu.memory_space<vmem>>, vector<1x1x16xf32>,
        %get3A_405 = arith.index_cast %scan3A_258 : i32 to index
        %get3A_406 = arith.constant 96 : index
        %get3A_407 = tpu.vector_load %arg10[%get3A_405, %get3A_406] {strides = array<i32>} : memref<128x128xf32, #tpu.memory_space<vmem>>, vector<1x16xf32>,
        %get3A_408 = vector.shape_cast %get3A_407 : vector<1x16xf32> to vector<16xf32>
        %get3A_409 = arith.constant 0 : i32
        %get3A_410 = arith.index_cast %get3A_409 : i32 to index
        %get3A_411 = arith.index_cast %scan3A_258 : i32 to index
        %get3A_412 = arith.constant 96 : index
        %get3A_413 = tpu.vector_load %arg9[%get3A_410, %get3A_411, %get3A_412] {strides = array<i32>} : memref<2x128x128xf32, #tpu.memory_space<vmem>>, vector<1x1x16xf32>,
        %get3A_414 = vector.shape_cast %get3A_413 : vector<1x1x16xf32> to vector<16xf32>
        %neg3A_415 = arith.constant 0.000000e+00 : f32
        %neg3A_416 = vector.broadcast %neg3A_415 : f32 to vector<16xf32>
        %neg3A_417 = arith.subf %neg3A_416, %get3A_414 : vector<16xf32>
        %exp3A_418 = math.exp %neg3A_417 : vector<16xf32>
        %add3A_419 = arith.constant 1.000000e+00 : f32
        %add3A_420 = vector.broadcast %add3A_419 : f32 to vector<16xf32>
        %add3A_421 = arith.addf %add3A_420, %exp3A_418 : vector<16xf32>
        %div3A_422 = arith.divf %get3A_408, %add3A_421 : vector<16xf32>
        %swap3A_423 = arith.constant 0 : i32
        %swap3A_424 = arith.index_cast %swap3A_423 : i32 to index
        %swap3A_425 = arith.index_cast %scan3A_258 : i32 to index
        %swap3A_426 = arith.constant 96 : index
        %swap3A_427 = tpu.vector_load %arg9[%swap3A_424, %swap3A_425, %swap3A_426] {strides = array<i32>} : memref<2x128x128xf32, #tpu.memory_space<vmem>>, vector<1x1x16xf32>,
        %swap3A_428 = vector.shape_cast %swap3A_427 : vector<1x1x16xf32> to vector<16xf32>
        %swap3A_429 = vector.shape_cast %div3A_422 : vector<16xf32> to vector<1x1x16xf32>
        tpu.vector_store %arg9[%swap3A_424, %swap3A_425, %swap3A_426], %swap3A_429 {strides = array<i32>} : memref<2x128x128xf32, #tpu.memory_space<vmem>>, vector<1x1x16xf32>,
        %get3A_430 = arith.index_cast %scan3A_258 : i32 to index
        %get3A_431 = arith.constant 112 : index
        %get3A_432 = tpu.vector_load %arg10[%get3A_430, %get3A_431] {strides = array<i32>} : memref<128x128xf32, #tpu.memory_space<vmem>>, vector<1x16xf32>,
        %get3A_433 = vector.shape_cast %get3A_432 : vector<1x16xf32> to vector<16xf32>
        %get3A_434 = arith.constant 0 : i32
        %get3A_435 = arith.index_cast %get3A_434 : i32 to index
        %get3A_436 = arith.index_cast %scan3A_258 : i32 to index
        %get3A_437 = arith.constant 112 : index
        %get3A_438 = tpu.vector_load %arg9[%get3A_435, %get3A_436, %get3A_437] {strides = array<i32>} : memref<2x128x128xf32, #tpu.memory_space<vmem>>, vector<1x1x16xf32>,
        %get3A_439 = vector.shape_cast %get3A_438 : vector<1x1x16xf32> to vector<16xf32>
        %neg3A_440 = arith.constant 0.000000e+00 : f32
        %neg3A_441 = vector.broadcast %neg3A_440 : f32 to vector<16xf32>
        %neg3A_442 = arith.subf %neg3A_441, %get3A_439 : vector<16xf32>
        %exp3A_443 = math.exp %neg3A_442 : vector<16xf32>
        %add3A_444 = arith.constant 1.000000e+00 : f32
        %add3A_445 = vector.broadcast %add3A_444 : f32 to vector<16xf32>
        %add3A_446 = arith.addf %add3A_445, %exp3A_443 : vector<16xf32>
        %div3A_447 = arith.divf %get3A_433, %add3A_446 : vector<16xf32>
        %swap3A_448 = arith.constant 0 : i32
        %swap3A_449 = arith.index_cast %swap3A_448 : i32 to index
        %swap3A_450 = arith.index_cast %scan3A_258 : i32 to index
        %swap3A_451 = arith.constant 112 : index
        %swap3A_452 = tpu.vector_load %arg9[%swap3A_449, %swap3A_450, %swap3A_451] {strides = array<i32>} : memref<2x128x128xf32, #tpu.memory_space<vmem>>, vector<1x1x16xf32>,
        %swap3A_453 = vector.shape_cast %swap3A_452 : vector<1x1x16xf32> to vector<16xf32>
        %swap3A_454 = vector.shape_cast %div3A_447 : vector<16xf32> to vector<1x1x16xf32>
        tpu.vector_store %arg9[%swap3A_449, %swap3A_450, %swap3A_451], %swap3A_454 {strides = array<i32>} : memref<2x128x128xf32, #tpu.memory_space<vmem>>, vector<1x1x16xf32>,
      }
      %scan3A_187 = arith.constant 128 : i32
      %dma_start3A_188 = arith.constant 0 : i32
      %dma_start3A_189 = arith.constant 0 : i32
      %dma_start3A_190 = arith.constant 0 : i32
      %dma_start3A_191 = arith.constant 0 : i32
      %dma_start3A_192 = tpu.memref_slice %arg9[%dma_start3A_188, %dma_start3A_190, %dma_start3A_191] : memref<2x128x128xf32, #tpu.memory_space<vmem>> -> memref<1x128x128xf32, #tpu.memory_space<vmem>>
      %dma_start3A_193 = tpu.memref_squeeze %dma_start3A_192 : memref<1x128x128xf32, #tpu.memory_space<vmem>> -> memref<128x128xf32, #tpu.memory_space<vmem>>
      %dma_start3A_194 = arith.constant 0 : i32
      %dma_start3A_195 = tpu.memref_slice %arg11[%dma_start3A_189, %dma_start3A_194] : memref<2x128xi32, #tpu.memory_space<vmem>> -> memref<1x128xi32, #tpu.memory_space<vmem>>
      %dma_start3A_196 = tpu.memref_squeeze %dma_start3A_195 : memref<1x128xi32, #tpu.memory_space<vmem>> -> memref<128xi32, #tpu.memory_space<vmem>>
      %dma_start3A_197 = arith.constant 0 : i32
      %dma_start3A_198 = arith.constant 0 : i32
      %dma_start3A_199 = tpu.memref_slice %arg13[%dma_start3A_197, %dma_start3A_198] : memref<10112x128xf32, #tpu.memory_space<vmem_shared>> -> memref<10112x128xf32, #tpu.memory_space<vmem_shared>>
      tpu.enqueue_indirect_dma source(%dma_start3A_193 : memref<128x128xf32, #tpu.memory_space<vmem>>) target(%dma_start3A_199 : memref<10112x128xf32, #tpu.memory_space<vmem_shared>>) offsets(%dma_start3A_196 : memref<128xi32, #tpu.memory_space<vmem>>) semaphore(%arg18 : memref<!tpu.dma_semaphore, #tpu.memory_space<semaphore_mem>>) {add = true}
      %convert_element_type3A_200 = arith.extui %le3A : i1 to i32
      %cond3A_201 = arith.constant 0 : i32
      %cond3A_202 = arith.cmpi ne, %convert_element_type3A_200, %cond3A_201 : i32
      scf.if %cond3A_202 {
        %add3A_258 = arith.constant 1 : i32
        %add3A_259 = arith.addi %mul3A_155, %add3A_258 : i32
        %add3A_260 = arith.addi %add3A_7, %add3A_259 : i32
        %mul3A_261 = arith.constant 128 : i32
        %mul3A_262 = arith.muli %add3A_260, %mul3A_261 : i32
        %dma_wait3A_263 = arith.constant 1 : i32
        %dma_wait3A_264 = arith.constant 0 : i32
        %dma_wait3A_265 = arith.constant 0 : i32
        %dma_wait3A_266 = tpu.memref_slice %arg9[%dma_wait3A_263, %dma_wait3A_264, %dma_wait3A_265] : memref<2x128x128xf32, #tpu.memory_space<vmem>> -> memref<1x128x128xf32, #tpu.memory_space<vmem>>
        %dma_wait3A_267 = tpu.memref_squeeze %dma_wait3A_266 : memref<1x128x128xf32, #tpu.memory_space<vmem>> -> memref<128x128xf32, #tpu.memory_space<vmem>>
        %dma_wait3A_268 = arith.constant 0 : i32
        %dma_wait3A_269 = tpu.memref_slice %arg5[%mul3A_262, %dma_wait3A_268] : memref<323584x128xf32, #tpu.memory_space<hbm>> -> memref<128x128xf32, #tpu.memory_space<hbm>>
        %dma_wait3A_270 = arith.constant 0 : i32
        %dma_wait3A_271 = arith.constant 0 : i32
        %dma_wait3A_272 = tpu.memref_slice %arg9[%dma_wait3A_263, %dma_wait3A_270, %dma_wait3A_271] : memref<2x128x128xf32, #tpu.memory_space<vmem>> -> memref<1x128x128xf32, #tpu.memory_space<vmem>>
        %dma_wait3A_273 = tpu.memref_squeeze %dma_wait3A_272 : memref<1x128x128xf32, #tpu.memory_space<vmem>> -> memref<128x128xf32, #tpu.memory_space<vmem>>
        %dma_wait3A_274 = arith.constant 0 : i32
        %dma_wait3A_275 = tpu.memref_slice %arg5[%mul3A_262, %dma_wait3A_274] : memref<323584x128xf32, #tpu.memory_space<hbm>> -> memref<128x128xf32, #tpu.memory_space<hbm>>
        tpu.wait_dma2 semaphore(%arg14 : memref<!tpu.dma_semaphore, #tpu.memory_space<semaphore_mem>>) src(%dma_wait3A_275 : memref<128x128xf32, #tpu.memory_space<hbm>>) dst(%dma_wait3A_273 : memref<128x128xf32, #tpu.memory_space<vmem>>)
        %dma_start3A_276 = arith.constant 1 : i32
        %dma_start3A_277 = arith.constant 1 : i32
        %dma_start3A_278 = arith.constant 0 : i32
        %dma_start3A_279 = arith.constant 0 : i32
        %dma_start3A_280 = tpu.memref_slice %arg9[%dma_start3A_277, %dma_start3A_278, %dma_start3A_279] : memref<2x128x128xf32, #tpu.memory_space<vmem>> -> memref<1x128x128xf32, #tpu.memory_space<vmem>>
        %dma_start3A_281 = tpu.memref_squeeze %dma_start3A_280 : memref<1x128x128xf32, #tpu.memory_space<vmem>> -> memref<128x128xf32, #tpu.memory_space<vmem>>
        %dma_start3A_282 = arith.constant 0 : i32
        %dma_start3A_283 = tpu.memref_slice %arg11[%dma_start3A_276, %dma_start3A_282] : memref<2x128xi32, #tpu.memory_space<vmem>> -> memref<1x128xi32, #tpu.memory_space<vmem>>
        %dma_start3A_284 = tpu.memref_squeeze %dma_start3A_283 : memref<1x128xi32, #tpu.memory_space<vmem>> -> memref<128xi32, #tpu.memory_space<vmem>>
        %dma_start3A_285 = arith.constant 0 : i32
        %dma_start3A_286 = arith.constant 0 : i32
        %dma_start3A_287 = tpu.memref_slice %arg2[%dma_start3A_285, %dma_start3A_286] : memref<10112x128xf32, #tpu.memory_space<hbm>> -> memref<10112x128xf32, #tpu.memory_space<hbm>>
        tpu.enqueue_indirect_dma source(%dma_start3A_287 : memref<10112x128xf32, #tpu.memory_space<hbm>>) target(%dma_start3A_281 : memref<128x128xf32, #tpu.memory_space<vmem>>) offsets(%dma_start3A_284 : memref<128xi32, #tpu.memory_space<vmem>>) semaphore(%arg15 : memref<!tpu.dma_semaphore, #tpu.memory_space<semaphore_mem>>) {add = true}
        %dma_start3A_288 = arith.constant 1 : i32
        %dma_start3A_289 = arith.constant 0 : i32
        %dma_start3A_290 = tpu.memref_slice %arg12[%dma_start3A_288, %dma_start3A_289] : memref<2x128xi32, #tpu.memory_space<vmem>> -> memref<1x128xi32, #tpu.memory_space<vmem>>
        %dma_start3A_291 = tpu.memref_squeeze %dma_start3A_290 : memref<1x128xi32, #tpu.memory_space<vmem>> -> memref<128xi32, #tpu.memory_space<vmem>>
        %dma_start3A_292 = arith.constant 0 : i32
        %dma_start3A_293 = arith.constant 0 : i32
        %dma_start3A_294 = tpu.memref_slice %arg4[%dma_start3A_292, %dma_start3A_293] : memref<10112x128xf32, #tpu.memory_space<hbm>> -> memref<10112x128xf32, #tpu.memory_space<hbm>>
        tpu.enqueue_indirect_dma source(%dma_start3A_294 : memref<10112x128xf32, #tpu.memory_space<hbm>>) target(%arg10 : memref<128x128xf32, #tpu.memory_space<vmem>>) offsets(%dma_start3A_291 : memref<128xi32, #tpu.memory_space<vmem>>) semaphore(%arg17 : memref<!tpu.dma_semaphore, #tpu.memory_space<semaphore_mem>>)
        %dma_wait3A_295 = arith.constant 1 : i32
        %dma_wait3A_296 = arith.constant 1 : i32
        %dma_wait3A_297 = arith.constant 0 : i32
        %dma_wait3A_298 = arith.constant 0 : i32
        %dma_wait3A_299 = tpu.memref_slice %arg9[%dma_wait3A_296, %dma_wait3A_297, %dma_wait3A_298] : memref<2x128x128xf32, #tpu.memory_space<vmem>> -> memref<1x128x128xf32, #tpu.memory_space<vmem>>
        %dma_wait3A_300 = tpu.memref_squeeze %dma_wait3A_299 : memref<1x128x128xf32, #tpu.memory_space<vmem>> -> memref<128x128xf32, #tpu.memory_space<vmem>>
        %dma_wait3A_301 = arith.constant 0 : i32
        %dma_wait3A_302 = tpu.memref_slice %arg11[%dma_wait3A_295, %dma_wait3A_301] : memref<2x128xi32, #tpu.memory_space<vmem>> -> memref<1x128xi32, #tpu.memory_space<vmem>>
        %dma_wait3A_303 = tpu.memref_squeeze %dma_wait3A_302 : memref<1x128xi32, #tpu.memory_space<vmem>> -> memref<128xi32, #tpu.memory_space<vmem>>
        %dma_wait3A_304 = arith.constant 0 : i32
        %dma_wait3A_305 = arith.constant 0 : i32
        %dma_wait3A_306 = tpu.memref_slice %arg2[%dma_wait3A_304, %dma_wait3A_305] : memref<10112x128xf32, #tpu.memory_space<hbm>> -> memref<10112x128xf32, #tpu.memory_space<hbm>>
        tpu.wait_indirect_dma semaphore(%arg15 : memref<!tpu.dma_semaphore, #tpu.memory_space<semaphore_mem>>) src(%dma_wait3A_306 : memref<10112x128xf32, #tpu.memory_space<hbm>>) dst(%dma_wait3A_300 : memref<128x128xf32, #tpu.memory_space<vmem>>)
        %dma_start3A_307 = arith.constant 1 : i32
        %dma_start3A_308 = arith.constant 1 : i32
        %dma_start3A_309 = arith.constant 0 : i32
        %dma_start3A_310 = arith.constant 0 : i32
        %dma_start3A_311 = tpu.memref_slice %arg9[%dma_start3A_308, %dma_start3A_309, %dma_start3A_310] : memref<2x128x128xf32, #tpu.memory_space<vmem>> -> memref<1x128x128xf32, #tpu.memory_space<vmem>>
        %dma_start3A_312 = tpu.memref_squeeze %dma_start3A_311 : memref<1x128x128xf32, #tpu.memory_space<vmem>> -> memref<128x128xf32, #tpu.memory_space<vmem>>
        %dma_start3A_313 = arith.constant 0 : i32
        %dma_start3A_314 = tpu.memref_slice %arg12[%dma_start3A_307, %dma_start3A_313] : memref<2x128xi32, #tpu.memory_space<vmem>> -> memref<1x128xi32, #tpu.memory_space<vmem>>
        %dma_start3A_315 = tpu.memref_squeeze %dma_start3A_314 : memref<1x128xi32, #tpu.memory_space<vmem>> -> memref<128xi32, #tpu.memory_space<vmem>>
        %dma_start3A_316 = arith.constant 0 : i32
        %dma_start3A_317 = arith.constant 0 : i32
        %dma_start3A_318 = tpu.memref_slice %arg3[%dma_start3A_316, %dma_start3A_317] : memref<10112x128xf32, #tpu.memory_space<hbm>> -> memref<10112x128xf32, #tpu.memory_space<hbm>>
        tpu.enqueue_indirect_dma source(%dma_start3A_318 : memref<10112x128xf32, #tpu.memory_space<hbm>>) target(%dma_start3A_312 : memref<128x128xf32, #tpu.memory_space<vmem>>) offsets(%dma_start3A_315 : memref<128xi32, #tpu.memory_space<vmem>>) semaphore(%arg16 : memref<!tpu.dma_semaphore, #tpu.memory_space<semaphore_mem>>) {add = true}
      } else {
      }
      %mul3A_203 = arith.constant 2 : i32
      %mul3A_204 = arith.muli %mul3A_203, %while3A_153 : i32
      %add3A_205 = arith.constant 1 : i32
      %add3A_206 = arith.addi %mul3A_204, %add3A_205 : i32
      %ge3A_207 = arith.constant 1 : i32
      %ge3A_208 = arith.cmpi sge, %add3A_206, %ge3A_207 : i32
      %convert_element_type3A_209 = arith.extui %ge3A_208 : i1 to i32
      %cond3A_210 = arith.constant 0 : i32
      %cond3A_211 = arith.cmpi ne, %convert_element_type3A_209, %cond3A_210 : i32
      scf.if %cond3A_211 {
        %dma_wait3A_258 = arith.constant 0 : i32
        %dma_wait3A_259 = arith.constant 0 : i32
        %dma_wait3A_260 = arith.constant 0 : i32
        %dma_wait3A_261 = arith.constant 0 : i32
        %dma_wait3A_262 = tpu.memref_slice %arg9[%dma_wait3A_258, %dma_wait3A_260, %dma_wait3A_261] : memref<2x128x128xf32, #tpu.memory_space<vmem>> -> memref<1x128x128xf32, #tpu.memory_space<vmem>>
        %dma_wait3A_263 = tpu.memref_squeeze %dma_wait3A_262 : memref<1x128x128xf32, #tpu.memory_space<vmem>> -> memref<128x128xf32, #tpu.memory_space<vmem>>
        %dma_wait3A_264 = arith.constant 0 : i32
        %dma_wait3A_265 = tpu.memref_slice %arg11[%dma_wait3A_259, %dma_wait3A_264] : memref<2x128xi32, #tpu.memory_space<vmem>> -> memref<1x128xi32, #tpu.memory_space<vmem>>
        %dma_wait3A_266 = tpu.memref_squeeze %dma_wait3A_265 : memref<1x128xi32, #tpu.memory_space<vmem>> -> memref<128xi32, #tpu.memory_space<vmem>>
        %dma_wait3A_267 = arith.constant 0 : i32
        %dma_wait3A_268 = arith.constant 0 : i32
        %dma_wait3A_269 = tpu.memref_slice %arg13[%dma_wait3A_267, %dma_wait3A_268] : memref<10112x128xf32, #tpu.memory_space<vmem_shared>> -> memref<10112x128xf32, #tpu.memory_space<vmem_shared>>
        tpu.wait_indirect_dma semaphore(%arg18 : memref<!tpu.dma_semaphore, #tpu.memory_space<semaphore_mem>>) src(%dma_wait3A_263 : memref<128x128xf32, #tpu.memory_space<vmem>>) dst(%dma_wait3A_269 : memref<10112x128xf32, #tpu.memory_space<vmem_shared>>)
      } else {
      }
      %sub3A_212 = arith.constant 2 : i32
      %sub3A_213 = arith.subi %add3A_1, %sub3A_212 : i32
      %le3A_214 = arith.cmpi sle, %add3A_206, %sub3A_213 : i32
      %convert_element_type3A_215 = arith.extui %le3A_214 : i1 to i32
      %cond3A_216 = arith.constant 0 : i32
      %cond3A_217 = arith.cmpi ne, %convert_element_type3A_215, %cond3A_216 : i32
      scf.if %cond3A_217 {
        %add3A_258 = arith.addi %add3A_7, %add3A_206 : i32
        %add3A_259 = arith.constant 1 : i32
        %add3A_260 = arith.addi %add3A_258, %add3A_259 : i32
        %run_scoped3A_261 = arith.constant 0 : i32
        "tpu.region"() ({
          %run_scoped3A_284 = tpu.sem_alloc : memref<!tpu.dma_semaphore, #tpu.memory_space<semaphore_mem>>
          %dma_start3A_285 = arith.constant 0 : i32
          %dma_start3A_286 = tpu.memref_slice %arg11[%run_scoped3A_261, %dma_start3A_285] : memref<2x128xi32, #tpu.memory_space<vmem>> -> memref<1x128xi32, #tpu.memory_space<vmem>>
          %dma_start3A_287 = tpu.memref_squeeze %dma_start3A_286 : memref<1x128xi32, #tpu.memory_space<vmem>> -> memref<128xi32, #tpu.memory_space<vmem>>
          %dma_start3A_288 = arith.constant 0 : i32
          %dma_start3A_289 = tpu.memref_slice %arg6[%add3A_260, %dma_start3A_288] : memref<2528x128xi32, #tpu.memory_space<hbm>> -> memref<1x128xi32, #tpu.memory_space<hbm>>
          %dma_start3A_290 = tpu.memref_squeeze %dma_start3A_289 : memref<1x128xi32, #tpu.memory_space<hbm>> -> memref<128xi32, #tpu.memory_space<hbm>>
          %dma_start3A_291 = arith.constant 0 : i32
          %dma_start3A_292 = tpu.memref_slice %arg11[%run_scoped3A_261, %dma_start3A_291] : memref<2x128xi32, #tpu.memory_space<vmem>> -> memref<1x128xi32, #tpu.memory_space<vmem>>
          %dma_start3A_293 = tpu.memref_squeeze %dma_start3A_292 : memref<1x128xi32, #tpu.memory_space<vmem>> -> memref<128xi32, #tpu.memory_space<vmem>>
          %dma_start3A_294 = arith.constant 0 : i32
          %dma_start3A_295 = tpu.memref_slice %arg6[%add3A_260, %dma_start3A_294] : memref<2528x128xi32, #tpu.memory_space<hbm>> -> memref<1x128xi32, #tpu.memory_space<hbm>>
          %dma_start3A_296 = tpu.memref_squeeze %dma_start3A_295 : memref<1x128xi32, #tpu.memory_space<hbm>> -> memref<128xi32, #tpu.memory_space<hbm>>
          tpu.enqueue_dma source(%dma_start3A_296 : memref<128xi32, #tpu.memory_space<hbm>>) target(%dma_start3A_293 : memref<128xi32, #tpu.memory_space<vmem>>) target_semaphore(%run_scoped3A_284 : memref<!tpu.dma_semaphore, #tpu.memory_space<semaphore_mem>>)
          %dma_wait3A_297 = arith.constant 0 : i32
          %dma_wait3A_298 = tpu.memref_slice %arg11[%run_scoped3A_261, %dma_wait3A_297] : memref<2x128xi32, #tpu.memory_space<vmem>> -> memref<1x128xi32, #tpu.memory_space<vmem>>
          %dma_wait3A_299 = tpu.memref_squeeze %dma_wait3A_298 : memref<1x128xi32, #tpu.memory_space<vmem>> -> memref<128xi32, #tpu.memory_space<vmem>>
          %dma_wait3A_300 = arith.constant 0 : i32
          %dma_wait3A_301 = tpu.memref_slice %arg6[%add3A_260, %dma_wait3A_300] : memref<2528x128xi32, #tpu.memory_space<hbm>> -> memref<1x128xi32, #tpu.memory_space<hbm>>
          %dma_wait3A_302 = tpu.memref_squeeze %dma_wait3A_301 : memref<1x128xi32, #tpu.memory_space<hbm>> -> memref<128xi32, #tpu.memory_space<hbm>>
          %dma_wait3A_303 = arith.constant 0 : i32
          %dma_wait3A_304 = tpu.memref_slice %arg11[%run_scoped3A_261, %dma_wait3A_303] : memref<2x128xi32, #tpu.memory_space<vmem>> -> memref<1x128xi32, #tpu.memory_space<vmem>>
          %dma_wait3A_305 = tpu.memref_squeeze %dma_wait3A_304 : memref<1x128xi32, #tpu.memory_space<vmem>> -> memref<128xi32, #tpu.memory_space<vmem>>
          %dma_wait3A_306 = arith.constant 0 : i32
          %dma_wait3A_307 = tpu.memref_slice %arg6[%add3A_260, %dma_wait3A_306] : memref<2528x128xi32, #tpu.memory_space<hbm>> -> memref<1x128xi32, #tpu.memory_space<hbm>>
          %dma_wait3A_308 = tpu.memref_squeeze %dma_wait3A_307 : memref<1x128xi32, #tpu.memory_space<hbm>> -> memref<128xi32, #tpu.memory_space<hbm>>
          tpu.wait_dma2 semaphore(%run_scoped3A_284 : memref<!tpu.dma_semaphore, #tpu.memory_space<semaphore_mem>>) src(%dma_wait3A_308 : memref<128xi32, #tpu.memory_space<hbm>>) dst(%dma_wait3A_305 : memref<128xi32, #tpu.memory_space<vmem>>)
          tpu.yield
        }) : () -> ()
        %add3A_262 = arith.addi %add3A_7, %add3A_206 : i32
        %add3A_263 = arith.constant 1 : i32
        %add3A_264 = arith.addi %add3A_262, %add3A_263 : i32
        %run_scoped3A_265 = arith.constant 0 : i32
        "tpu.region"() ({
          %run_scoped3A_284 = tpu.sem_alloc : memref<!tpu.dma_semaphore, #tpu.memory_space<semaphore_mem>>
          %dma_start3A_285 = arith.constant 0 : i32
          %dma_start3A_286 = tpu.memref_slice %arg12[%run_scoped3A_265, %dma_start3A_285] : memref<2x128xi32, #tpu.memory_space<vmem>> -> memref<1x128xi32, #tpu.memory_space<vmem>>
          %dma_start3A_287 = tpu.memref_squeeze %dma_start3A_286 : memref<1x128xi32, #tpu.memory_space<vmem>> -> memref<128xi32, #tpu.memory_space<vmem>>
          %dma_start3A_288 = arith.constant 0 : i32
          %dma_start3A_289 = tpu.memref_slice %arg7[%add3A_264, %dma_start3A_288] : memref<2528x128xi32, #tpu.memory_space<hbm>> -> memref<1x128xi32, #tpu.memory_space<hbm>>
          %dma_start3A_290 = tpu.memref_squeeze %dma_start3A_289 : memref<1x128xi32, #tpu.memory_space<hbm>> -> memref<128xi32, #tpu.memory_space<hbm>>
          %dma_start3A_291 = arith.constant 0 : i32
          %dma_start3A_292 = tpu.memref_slice %arg12[%run_scoped3A_265, %dma_start3A_291] : memref<2x128xi32, #tpu.memory_space<vmem>> -> memref<1x128xi32, #tpu.memory_space<vmem>>
          %dma_start3A_293 = tpu.memref_squeeze %dma_start3A_292 : memref<1x128xi32, #tpu.memory_space<vmem>> -> memref<128xi32, #tpu.memory_space<vmem>>
          %dma_start3A_294 = arith.constant 0 : i32
          %dma_start3A_295 = tpu.memref_slice %arg7[%add3A_264, %dma_start3A_294] : memref<2528x128xi32, #tpu.memory_space<hbm>> -> memref<1x128xi32, #tpu.memory_space<hbm>>
          %dma_start3A_296 = tpu.memref_squeeze %dma_start3A_295 : memref<1x128xi32, #tpu.memory_space<hbm>> -> memref<128xi32, #tpu.memory_space<hbm>>
          tpu.enqueue_dma source(%dma_start3A_296 : memref<128xi32, #tpu.memory_space<hbm>>) target(%dma_start3A_293 : memref<128xi32, #tpu.memory_space<vmem>>) target_semaphore(%run_scoped3A_284 : memref<!tpu.dma_semaphore, #tpu.memory_space<semaphore_mem>>)
          %dma_wait3A_297 = arith.constant 0 : i32
          %dma_wait3A_298 = tpu.memref_slice %arg12[%run_scoped3A_265, %dma_wait3A_297] : memref<2x128xi32, #tpu.memory_space<vmem>> -> memref<1x128xi32, #tpu.memory_space<vmem>>
          %dma_wait3A_299 = tpu.memref_squeeze %dma_wait3A_298 : memref<1x128xi32, #tpu.memory_space<vmem>> -> memref<128xi32, #tpu.memory_space<vmem>>
          %dma_wait3A_300 = arith.constant 0 : i32
          %dma_wait3A_301 = tpu.memref_slice %arg7[%add3A_264, %dma_wait3A_300] : memref<2528x128xi32, #tpu.memory_space<hbm>> -> memref<1x128xi32, #tpu.memory_space<hbm>>
          %dma_wait3A_302 = tpu.memref_squeeze %dma_wait3A_301 : memref<1x128xi32, #tpu.memory_space<hbm>> -> memref<128xi32, #tpu.memory_space<hbm>>
          %dma_wait3A_303 = arith.constant 0 : i32
          %dma_wait3A_304 = tpu.memref_slice %arg12[%run_scoped3A_265, %dma_wait3A_303] : memref<2x128xi32, #tpu.memory_space<vmem>> -> memref<1x128xi32, #tpu.memory_space<vmem>>
          %dma_wait3A_305 = tpu.memref_squeeze %dma_wait3A_304 : memref<1x128xi32, #tpu.memory_space<vmem>> -> memref<128xi32, #tpu.memory_space<vmem>>
          %dma_wait3A_306 = arith.constant 0 : i32
          %dma_wait3A_307 = tpu.memref_slice %arg7[%add3A_264, %dma_wait3A_306] : memref<2528x128xi32, #tpu.memory_space<hbm>> -> memref<1x128xi32, #tpu.memory_space<hbm>>
          %dma_wait3A_308 = tpu.memref_squeeze %dma_wait3A_307 : memref<1x128xi32, #tpu.memory_space<hbm>> -> memref<128xi32, #tpu.memory_space<hbm>>
          tpu.wait_dma2 semaphore(%run_scoped3A_284 : memref<!tpu.dma_semaphore, #tpu.memory_space<semaphore_mem>>) src(%dma_wait3A_308 : memref<128xi32, #tpu.memory_space<hbm>>) dst(%dma_wait3A_305 : memref<128xi32, #tpu.memory_space<vmem>>)
          tpu.yield
        }) : () -> ()
        %add3A_266 = arith.constant 1 : i32
        %add3A_267 = arith.addi %add3A_206, %add3A_266 : i32
        %add3A_268 = arith.addi %add3A_7, %add3A_267 : i32
        %mul3A_269 = arith.constant 128 : i32
        %mul3A_270 = arith.muli %add3A_268, %mul3A_269 : i32
        %dma_start3A_271 = arith.constant 0 : i32
        %dma_start3A_272 = arith.constant 0 : i32
        %dma_start3A_273 = arith.constant 0 : i32
        %dma_start3A_274 = tpu.memref_slice %arg9[%dma_start3A_271, %dma_start3A_272, %dma_start3A_273] : memref<2x128x128xf32, #tpu.memory_space<vmem>> -> memref<1x128x128xf32, #tpu.memory_space<vmem>>
        %dma_start3A_275 = tpu.memref_squeeze %dma_start3A_274 : memref<1x128x128xf32, #tpu.memory_space<vmem>> -> memref<128x128xf32, #tpu.memory_space<vmem>>
        %dma_start3A_276 = arith.constant 0 : i32
        %dma_start3A_277 = tpu.memref_slice %arg5[%mul3A_270, %dma_start3A_276] : memref<323584x128xf32, #tpu.memory_space<hbm>> -> memref<128x128xf32, #tpu.memory_space<hbm>>
        %dma_start3A_278 = arith.constant 0 : i32
        %dma_start3A_279 = arith.constant 0 : i32
        %dma_start3A_280 = tpu.memref_slice %arg9[%dma_start3A_271, %dma_start3A_278, %dma_start3A_279] : memref<2x128x128xf32, #tpu.memory_space<vmem>> -> memref<1x128x128xf32, #tpu.memory_space<vmem>>
        %dma_start3A_281 = tpu.memref_squeeze %dma_start3A_280 : memref<1x128x128xf32, #tpu.memory_space<vmem>> -> memref<128x128xf32, #tpu.memory_space<vmem>>
        %dma_start3A_282 = arith.constant 0 : i32
        %dma_start3A_283 = tpu.memref_slice %arg5[%mul3A_270, %dma_start3A_282] : memref<323584x128xf32, #tpu.memory_space<hbm>> -> memref<128x128xf32, #tpu.memory_space<hbm>>
        tpu.enqueue_dma source(%dma_start3A_283 : memref<128x128xf32, #tpu.memory_space<hbm>>) target(%dma_start3A_281 : memref<128x128xf32, #tpu.memory_space<vmem>>) target_semaphore(%arg14 : memref<!tpu.dma_semaphore, #tpu.memory_space<semaphore_mem>>)
      } else {
      }
      %dma_wait3A_218 = arith.constant 1 : i32
      %dma_wait3A_219 = arith.constant 1 : i32
      %dma_wait3A_220 = arith.constant 0 : i32
      %dma_wait3A_221 = arith.constant 0 : i32
      %dma_wait3A_222 = tpu.memref_slice %arg9[%dma_wait3A_219, %dma_wait3A_220, %dma_wait3A_221] : memref<2x128x128xf32, #tpu.memory_space<vmem>> -> memref<1x128x128xf32, #tpu.memory_space<vmem>>
      %dma_wait3A_223 = tpu.memref_squeeze %dma_wait3A_222 : memref<1x128x128xf32, #tpu.memory_space<vmem>> -> memref<128x128xf32, #tpu.memory_space<vmem>>
      %dma_wait3A_224 = arith.constant 0 : i32
      %dma_wait3A_225 = tpu.memref_slice %arg12[%dma_wait3A_218, %dma_wait3A_224] : memref<2x128xi32, #tpu.memory_space<vmem>> -> memref<1x128xi32, #tpu.memory_space<vmem>>
      %dma_wait3A_226 = tpu.memref_squeeze %dma_wait3A_225 : memref<1x128xi32, #tpu.memory_space<vmem>> -> memref<128xi32, #tpu.memory_space<vmem>>
      %dma_wait3A_227 = arith.constant 0 : i32
      %dma_wait3A_228 = arith.constant 0 : i32
      %dma_wait3A_229 = tpu.memref_slice %arg3[%dma_wait3A_227, %dma_wait3A_228] : memref<10112x128xf32, #tpu.memory_space<hbm>> -> memref<10112x128xf32, #tpu.memory_space<hbm>>
      tpu.wait_indirect_dma semaphore(%arg16 : memref<!tpu.dma_semaphore, #tpu.memory_space<semaphore_mem>>) src(%dma_wait3A_229 : memref<10112x128xf32, #tpu.memory_space<hbm>>) dst(%dma_wait3A_223 : memref<128x128xf32, #tpu.memory_space<vmem>>)
      %dma_wait3A_230 = arith.constant 1 : i32
      %dma_wait3A_231 = arith.constant 0 : i32
      %dma_wait3A_232 = tpu.memref_slice %arg12[%dma_wait3A_230, %dma_wait3A_231] : memref<2x128xi32, #tpu.memory_space<vmem>> -> memref<1x128xi32, #tpu.memory_space<vmem>>
      %dma_wait3A_233 = tpu.memref_squeeze %dma_wait3A_232 : memref<1x128xi32, #tpu.memory_space<vmem>> -> memref<128xi32, #tpu.memory_space<vmem>>
      %dma_wait3A_234 = arith.constant 0 : i32
      %dma_wait3A_235 = arith.constant 0 : i32
      %dma_wait3A_236 = tpu.memref_slice %arg4[%dma_wait3A_234, %dma_wait3A_235] : memref<10112x128xf32, #tpu.memory_space<hbm>> -> memref<10112x128xf32, #tpu.memory_space<hbm>>
      tpu.wait_indirect_dma semaphore(%arg17 : memref<!tpu.dma_semaphore, #tpu.memory_space<semaphore_mem>>) src(%dma_wait3A_236 : memref<10112x128xf32, #tpu.memory_space<hbm>>) dst(%arg10 : memref<128x128xf32, #tpu.memory_space<vmem>>)
      %scan3A_237 = arith.constant 0 : i32
      %scan3A_238 = arith.constant 0 : i32
      %scan3A_239 = arith.constant 128 : i32
      %scan3A_240 = arith.addi %scan3A_238, %scan3A_239 : i32
      %scan3A_241 = arith.constant 1 : i32
      scf.for %scan3A_258 = %scan3A_238 to %scan3A_240 step %scan3A_241  : i32 {
        %get3A = arith.index_cast %scan3A_258 : i32 to index
        %get3A_259 = arith.constant 0 : index
        %get3A_260 = tpu.vector_load %arg10[%get3A, %get3A_259] {strides = array<i32>} : memref<128x128xf32, #tpu.memory_space<vmem>>, vector<1x16xf32>,
        %get3A_261 = vector.shape_cast %get3A_260 : vector<1x16xf32> to vector<16xf32>
        %get3A_262 = arith.constant 1 : i32
        %get3A_263 = arith.index_cast %get3A_262 : i32 to index
        %get3A_264 = arith.index_cast %scan3A_258 : i32 to index
        %get3A_265 = arith.constant 0 : index
        %get3A_266 = tpu.vector_load %arg9[%get3A_263, %get3A_264, %get3A_265] {strides = array<i32>} : memref<2x128x128xf32, #tpu.memory_space<vmem>>, vector<1x1x16xf32>,
        %get3A_267 = vector.shape_cast %get3A_266 : vector<1x1x16xf32> to vector<16xf32>
        %neg3A = arith.constant 0.000000e+00 : f32
        %neg3A_268 = vector.broadcast %neg3A : f32 to vector<16xf32>
        %neg3A_269 = arith.subf %neg3A_268, %get3A_267 : vector<16xf32>
        %exp3A = math.exp %neg3A_269 : vector<16xf32>
        %add3A_270 = arith.constant 1.000000e+00 : f32
        %add3A_271 = vector.broadcast %add3A_270 : f32 to vector<16xf32>
        %add3A_272 = arith.addf %add3A_271, %exp3A : vector<16xf32>
        %div3A_273 = arith.divf %get3A_261, %add3A_272 : vector<16xf32>
        %swap3A = arith.constant 1 : i32
        %swap3A_274 = arith.index_cast %swap3A : i32 to index
        %swap3A_275 = arith.index_cast %scan3A_258 : i32 to index
        %swap3A_276 = arith.constant 0 : index
        %swap3A_277 = tpu.vector_load %arg9[%swap3A_274, %swap3A_275, %swap3A_276] {strides = array<i32>} : memref<2x128x128xf32, #tpu.memory_space<vmem>>, vector<1x1x16xf32>,
        %swap3A_278 = vector.shape_cast %swap3A_277 : vector<1x1x16xf32> to vector<16xf32>
        %swap3A_279 = vector.shape_cast %div3A_273 : vector<16xf32> to vector<1x1x16xf32>
        tpu.vector_store %arg9[%swap3A_274, %swap3A_275, %swap3A_276], %swap3A_279 {strides = array<i32>} : memref<2x128x128xf32, #tpu.memory_space<vmem>>, vector<1x1x16xf32>,
        %get3A_280 = arith.index_cast %scan3A_258 : i32 to index
        %get3A_281 = arith.constant 16 : index
        %get3A_282 = tpu.vector_load %arg10[%get3A_280, %get3A_281] {strides = array<i32>} : memref<128x128xf32, #tpu.memory_space<vmem>>, vector<1x16xf32>,
        %get3A_283 = vector.shape_cast %get3A_282 : vector<1x16xf32> to vector<16xf32>
        %get3A_284 = arith.constant 1 : i32
        %get3A_285 = arith.index_cast %get3A_284 : i32 to index
        %get3A_286 = arith.index_cast %scan3A_258 : i32 to index
        %get3A_287 = arith.constant 16 : index
        %get3A_288 = tpu.vector_load %arg9[%get3A_285, %get3A_286, %get3A_287] {strides = array<i32>} : memref<2x128x128xf32, #tpu.memory_space<vmem>>, vector<1x1x16xf32>,
        %get3A_289 = vector.shape_cast %get3A_288 : vector<1x1x16xf32> to vector<16xf32>
        %neg3A_290 = arith.constant 0.000000e+00 : f32
        %neg3A_291 = vector.broadcast %neg3A_290 : f32 to vector<16xf32>
        %neg3A_292 = arith.subf %neg3A_291, %get3A_289 : vector<16xf32>
        %exp3A_293 = math.exp %neg3A_292 : vector<16xf32>
        %add3A_294 = arith.constant 1.000000e+00 : f32
        %add3A_295 = vector.broadcast %add3A_294 : f32 to vector<16xf32>
        %add3A_296 = arith.addf %add3A_295, %exp3A_293 : vector<16xf32>
        %div3A_297 = arith.divf %get3A_283, %add3A_296 : vector<16xf32>
        %swap3A_298 = arith.constant 1 : i32
        %swap3A_299 = arith.index_cast %swap3A_298 : i32 to index
        %swap3A_300 = arith.index_cast %scan3A_258 : i32 to index
        %swap3A_301 = arith.constant 16 : index
        %swap3A_302 = tpu.vector_load %arg9[%swap3A_299, %swap3A_300, %swap3A_301] {strides = array<i32>} : memref<2x128x128xf32, #tpu.memory_space<vmem>>, vector<1x1x16xf32>,
        %swap3A_303 = vector.shape_cast %swap3A_302 : vector<1x1x16xf32> to vector<16xf32>
        %swap3A_304 = vector.shape_cast %div3A_297 : vector<16xf32> to vector<1x1x16xf32>
        tpu.vector_store %arg9[%swap3A_299, %swap3A_300, %swap3A_301], %swap3A_304 {strides = array<i32>} : memref<2x128x128xf32, #tpu.memory_space<vmem>>, vector<1x1x16xf32>,
        %get3A_305 = arith.index_cast %scan3A_258 : i32 to index
        %get3A_306 = arith.constant 32 : index
        %get3A_307 = tpu.vector_load %arg10[%get3A_305, %get3A_306] {strides = array<i32>} : memref<128x128xf32, #tpu.memory_space<vmem>>, vector<1x16xf32>,
        %get3A_308 = vector.shape_cast %get3A_307 : vector<1x16xf32> to vector<16xf32>
        %get3A_309 = arith.constant 1 : i32
        %get3A_310 = arith.index_cast %get3A_309 : i32 to index
        %get3A_311 = arith.index_cast %scan3A_258 : i32 to index
        %get3A_312 = arith.constant 32 : index
        %get3A_313 = tpu.vector_load %arg9[%get3A_310, %get3A_311, %get3A_312] {strides = array<i32>} : memref<2x128x128xf32, #tpu.memory_space<vmem>>, vector<1x1x16xf32>,
        %get3A_314 = vector.shape_cast %get3A_313 : vector<1x1x16xf32> to vector<16xf32>
        %neg3A_315 = arith.constant 0.000000e+00 : f32
        %neg3A_316 = vector.broadcast %neg3A_315 : f32 to vector<16xf32>
        %neg3A_317 = arith.subf %neg3A_316, %get3A_314 : vector<16xf32>
        %exp3A_318 = math.exp %neg3A_317 : vector<16xf32>
        %add3A_319 = arith.constant 1.000000e+00 : f32
        %add3A_320 = vector.broadcast %add3A_319 : f32 to vector<16xf32>
        %add3A_321 = arith.addf %add3A_320, %exp3A_318 : vector<16xf32>
        %div3A_322 = arith.divf %get3A_308, %add3A_321 : vector<16xf32>
        %swap3A_323 = arith.constant 1 : i32
        %swap3A_324 = arith.index_cast %swap3A_323 : i32 to index
        %swap3A_325 = arith.index_cast %scan3A_258 : i32 to index
        %swap3A_326 = arith.constant 32 : index
        %swap3A_327 = tpu.vector_load %arg9[%swap3A_324, %swap3A_325, %swap3A_326] {strides = array<i32>} : memref<2x128x128xf32, #tpu.memory_space<vmem>>, vector<1x1x16xf32>,
        %swap3A_328 = vector.shape_cast %swap3A_327 : vector<1x1x16xf32> to vector<16xf32>
        %swap3A_329 = vector.shape_cast %div3A_322 : vector<16xf32> to vector<1x1x16xf32>
        tpu.vector_store %arg9[%swap3A_324, %swap3A_325, %swap3A_326], %swap3A_329 {strides = array<i32>} : memref<2x128x128xf32, #tpu.memory_space<vmem>>, vector<1x1x16xf32>,
        %get3A_330 = arith.index_cast %scan3A_258 : i32 to index
        %get3A_331 = arith.constant 48 : index
        %get3A_332 = tpu.vector_load %arg10[%get3A_330, %get3A_331] {strides = array<i32>} : memref<128x128xf32, #tpu.memory_space<vmem>>, vector<1x16xf32>,
        %get3A_333 = vector.shape_cast %get3A_332 : vector<1x16xf32> to vector<16xf32>
        %get3A_334 = arith.constant 1 : i32
        %get3A_335 = arith.index_cast %get3A_334 : i32 to index
        %get3A_336 = arith.index_cast %scan3A_258 : i32 to index
        %get3A_337 = arith.constant 48 : index
        %get3A_338 = tpu.vector_load %arg9[%get3A_335, %get3A_336, %get3A_337] {strides = array<i32>} : memref<2x128x128xf32, #tpu.memory_space<vmem>>, vector<1x1x16xf32>,
        %get3A_339 = vector.shape_cast %get3A_338 : vector<1x1x16xf32> to vector<16xf32>
        %neg3A_340 = arith.constant 0.000000e+00 : f32
        %neg3A_341 = vector.broadcast %neg3A_340 : f32 to vector<16xf32>
        %neg3A_342 = arith.subf %neg3A_341, %get3A_339 : vector<16xf32>
        %exp3A_343 = math.exp %neg3A_342 : vector<16xf32>
        %add3A_344 = arith.constant 1.000000e+00 : f32
        %add3A_345 = vector.broadcast %add3A_344 : f32 to vector<16xf32>
        %add3A_346 = arith.addf %add3A_345, %exp3A_343 : vector<16xf32>
        %div3A_347 = arith.divf %get3A_333, %add3A_346 : vector<16xf32>
        %swap3A_348 = arith.constant 1 : i32
        %swap3A_349 = arith.index_cast %swap3A_348 : i32 to index
        %swap3A_350 = arith.index_cast %scan3A_258 : i32 to index
        %swap3A_351 = arith.constant 48 : index
        %swap3A_352 = tpu.vector_load %arg9[%swap3A_349, %swap3A_350, %swap3A_351] {strides = array<i32>} : memref<2x128x128xf32, #tpu.memory_space<vmem>>, vector<1x1x16xf32>,
        %swap3A_353 = vector.shape_cast %swap3A_352 : vector<1x1x16xf32> to vector<16xf32>
        %swap3A_354 = vector.shape_cast %div3A_347 : vector<16xf32> to vector<1x1x16xf32>
        tpu.vector_store %arg9[%swap3A_349, %swap3A_350, %swap3A_351], %swap3A_354 {strides = array<i32>} : memref<2x128x128xf32, #tpu.memory_space<vmem>>, vector<1x1x16xf32>,
        %get3A_355 = arith.index_cast %scan3A_258 : i32 to index
        %get3A_356 = arith.constant 64 : index
        %get3A_357 = tpu.vector_load %arg10[%get3A_355, %get3A_356] {strides = array<i32>} : memref<128x128xf32, #tpu.memory_space<vmem>>, vector<1x16xf32>,
        %get3A_358 = vector.shape_cast %get3A_357 : vector<1x16xf32> to vector<16xf32>
        %get3A_359 = arith.constant 1 : i32
        %get3A_360 = arith.index_cast %get3A_359 : i32 to index
        %get3A_361 = arith.index_cast %scan3A_258 : i32 to index
        %get3A_362 = arith.constant 64 : index
        %get3A_363 = tpu.vector_load %arg9[%get3A_360, %get3A_361, %get3A_362] {strides = array<i32>} : memref<2x128x128xf32, #tpu.memory_space<vmem>>, vector<1x1x16xf32>,
        %get3A_364 = vector.shape_cast %get3A_363 : vector<1x1x16xf32> to vector<16xf32>
        %neg3A_365 = arith.constant 0.000000e+00 : f32
        %neg3A_366 = vector.broadcast %neg3A_365 : f32 to vector<16xf32>
        %neg3A_367 = arith.subf %neg3A_366, %get3A_364 : vector<16xf32>
        %exp3A_368 = math.exp %neg3A_367 : vector<16xf32>
        %add3A_369 = arith.constant 1.000000e+00 : f32
        %add3A_370 = vector.broadcast %add3A_369 : f32 to vector<16xf32>
        %add3A_371 = arith.addf %add3A_370, %exp3A_368 : vector<16xf32>
        %div3A_372 = arith.divf %get3A_358, %add3A_371 : vector<16xf32>
        %swap3A_373 = arith.constant 1 : i32
        %swap3A_374 = arith.index_cast %swap3A_373 : i32 to index
        %swap3A_375 = arith.index_cast %scan3A_258 : i32 to index
        %swap3A_376 = arith.constant 64 : index
        %swap3A_377 = tpu.vector_load %arg9[%swap3A_374, %swap3A_375, %swap3A_376] {strides = array<i32>} : memref<2x128x128xf32, #tpu.memory_space<vmem>>, vector<1x1x16xf32>,
        %swap3A_378 = vector.shape_cast %swap3A_377 : vector<1x1x16xf32> to vector<16xf32>
        %swap3A_379 = vector.shape_cast %div3A_372 : vector<16xf32> to vector<1x1x16xf32>
        tpu.vector_store %arg9[%swap3A_374, %swap3A_375, %swap3A_376], %swap3A_379 {strides = array<i32>} : memref<2x128x128xf32, #tpu.memory_space<vmem>>, vector<1x1x16xf32>,
        %get3A_380 = arith.index_cast %scan3A_258 : i32 to index
        %get3A_381 = arith.constant 80 : index
        %get3A_382 = tpu.vector_load %arg10[%get3A_380, %get3A_381] {strides = array<i32>} : memref<128x128xf32, #tpu.memory_space<vmem>>, vector<1x16xf32>,
        %get3A_383 = vector.shape_cast %get3A_382 : vector<1x16xf32> to vector<16xf32>
        %get3A_384 = arith.constant 1 : i32
        %get3A_385 = arith.index_cast %get3A_384 : i32 to index
        %get3A_386 = arith.index_cast %scan3A_258 : i32 to index
        %get3A_387 = arith.constant 80 : index
        %get3A_388 = tpu.vector_load %arg9[%get3A_385, %get3A_386, %get3A_387] {strides = array<i32>} : memref<2x128x128xf32, #tpu.memory_space<vmem>>, vector<1x1x16xf32>,
        %get3A_389 = vector.shape_cast %get3A_388 : vector<1x1x16xf32> to vector<16xf32>
        %neg3A_390 = arith.constant 0.000000e+00 : f32
        %neg3A_391 = vector.broadcast %neg3A_390 : f32 to vector<16xf32>
        %neg3A_392 = arith.subf %neg3A_391, %get3A_389 : vector<16xf32>
        %exp3A_393 = math.exp %neg3A_392 : vector<16xf32>
        %add3A_394 = arith.constant 1.000000e+00 : f32
        %add3A_395 = vector.broadcast %add3A_394 : f32 to vector<16xf32>
        %add3A_396 = arith.addf %add3A_395, %exp3A_393 : vector<16xf32>
        %div3A_397 = arith.divf %get3A_383, %add3A_396 : vector<16xf32>
        %swap3A_398 = arith.constant 1 : i32
        %swap3A_399 = arith.index_cast %swap3A_398 : i32 to index
        %swap3A_400 = arith.index_cast %scan3A_258 : i32 to index
        %swap3A_401 = arith.constant 80 : index
        %swap3A_402 = tpu.vector_load %arg9[%swap3A_399, %swap3A_400, %swap3A_401] {strides = array<i32>} : memref<2x128x128xf32, #tpu.memory_space<vmem>>, vector<1x1x16xf32>,
        %swap3A_403 = vector.shape_cast %swap3A_402 : vector<1x1x16xf32> to vector<16xf32>
        %swap3A_404 = vector.shape_cast %div3A_397 : vector<16xf32> to vector<1x1x16xf32>
        tpu.vector_store %arg9[%swap3A_399, %swap3A_400, %swap3A_401], %swap3A_404 {strides = array<i32>} : memref<2x128x128xf32, #tpu.memory_space<vmem>>, vector<1x1x16xf32>,
        %get3A_405 = arith.index_cast %scan3A_258 : i32 to index
        %get3A_406 = arith.constant 96 : index
        %get3A_407 = tpu.vector_load %arg10[%get3A_405, %get3A_406] {strides = array<i32>} : memref<128x128xf32, #tpu.memory_space<vmem>>, vector<1x16xf32>,
        %get3A_408 = vector.shape_cast %get3A_407 : vector<1x16xf32> to vector<16xf32>
        %get3A_409 = arith.constant 1 : i32
        %get3A_410 = arith.index_cast %get3A_409 : i32 to index
        %get3A_411 = arith.index_cast %scan3A_258 : i32 to index
        %get3A_412 = arith.constant 96 : index
        %get3A_413 = tpu.vector_load %arg9[%get3A_410, %get3A_411, %get3A_412] {strides = array<i32>} : memref<2x128x128xf32, #tpu.memory_space<vmem>>, vector<1x1x16xf32>,
        %get3A_414 = vector.shape_cast %get3A_413 : vector<1x1x16xf32> to vector<16xf32>
        %neg3A_415 = arith.constant 0.000000e+00 : f32
        %neg3A_416 = vector.broadcast %neg3A_415 : f32 to vector<16xf32>
        %neg3A_417 = arith.subf %neg3A_416, %get3A_414 : vector<16xf32>
        %exp3A_418 = math.exp %neg3A_417 : vector<16xf32>
        %add3A_419 = arith.constant 1.000000e+00 : f32
        %add3A_420 = vector.broadcast %add3A_419 : f32 to vector<16xf32>
        %add3A_421 = arith.addf %add3A_420, %exp3A_418 : vector<16xf32>
        %div3A_422 = arith.divf %get3A_408, %add3A_421 : vector<16xf32>
        %swap3A_423 = arith.constant 1 : i32
        %swap3A_424 = arith.index_cast %swap3A_423 : i32 to index
        %swap3A_425 = arith.index_cast %scan3A_258 : i32 to index
        %swap3A_426 = arith.constant 96 : index
        %swap3A_427 = tpu.vector_load %arg9[%swap3A_424, %swap3A_425, %swap3A_426] {strides = array<i32>} : memref<2x128x128xf32, #tpu.memory_space<vmem>>, vector<1x1x16xf32>,
        %swap3A_428 = vector.shape_cast %swap3A_427 : vector<1x1x16xf32> to vector<16xf32>
        %swap3A_429 = vector.shape_cast %div3A_422 : vector<16xf32> to vector<1x1x16xf32>
        tpu.vector_store %arg9[%swap3A_424, %swap3A_425, %swap3A_426], %swap3A_429 {strides = array<i32>} : memref<2x128x128xf32, #tpu.memory_space<vmem>>, vector<1x1x16xf32>,
        %get3A_430 = arith.index_cast %scan3A_258 : i32 to index
        %get3A_431 = arith.constant 112 : index
        %get3A_432 = tpu.vector_load %arg10[%get3A_430, %get3A_431] {strides = array<i32>} : memref<128x128xf32, #tpu.memory_space<vmem>>, vector<1x16xf32>,
        %get3A_433 = vector.shape_cast %get3A_432 : vector<1x16xf32> to vector<16xf32>
        %get3A_434 = arith.constant 1 : i32
        %get3A_435 = arith.index_cast %get3A_434 : i32 to index
        %get3A_436 = arith.index_cast %scan3A_258 : i32 to index
        %get3A_437 = arith.constant 112 : index
        %get3A_438 = tpu.vector_load %arg9[%get3A_435, %get3A_436, %get3A_437] {strides = array<i32>} : memref<2x128x128xf32, #tpu.memory_space<vmem>>, vector<1x1x16xf32>,
        %get3A_439 = vector.shape_cast %get3A_438 : vector<1x1x16xf32> to vector<16xf32>
        %neg3A_440 = arith.constant 0.000000e+00 : f32
        %neg3A_441 = vector.broadcast %neg3A_440 : f32 to vector<16xf32>
        %neg3A_442 = arith.subf %neg3A_441, %get3A_439 : vector<16xf32>
        %exp3A_443 = math.exp %neg3A_442 : vector<16xf32>
        %add3A_444 = arith.constant 1.000000e+00 : f32
        %add3A_445 = vector.broadcast %add3A_444 : f32 to vector<16xf32>
        %add3A_446 = arith.addf %add3A_445, %exp3A_443 : vector<16xf32>
        %div3A_447 = arith.divf %get3A_433, %add3A_446 : vector<16xf32>
        %swap3A_448 = arith.constant 1 : i32
        %swap3A_449 = arith.index_cast %swap3A_448 : i32 to index
        %swap3A_450 = arith.index_cast %scan3A_258 : i32 to index
        %swap3A_451 = arith.constant 112 : index
        %swap3A_452 = tpu.vector_load %arg9[%swap3A_449, %swap3A_450, %swap3A_451] {strides = array<i32>} : memref<2x128x128xf32, #tpu.memory_space<vmem>>, vector<1x1x16xf32>,
        %swap3A_453 = vector.shape_cast %swap3A_452 : vector<1x1x16xf32> to vector<16xf32>
        %swap3A_454 = vector.shape_cast %div3A_447 : vector<16xf32> to vector<1x1x16xf32>
        tpu.vector_store %arg9[%swap3A_449, %swap3A_450, %swap3A_451], %swap3A_454 {strides = array<i32>} : memref<2x128x128xf32, #tpu.memory_space<vmem>>, vector<1x1x16xf32>,
      }
      %scan3A_242 = arith.constant 128 : i32
      %dma_start3A_243 = arith.constant 1 : i32
      %dma_start3A_244 = arith.constant 1 : i32
      %dma_start3A_245 = arith.constant 0 : i32
      %dma_start3A_246 = arith.constant 0 : i32
      %dma_start3A_247 = tpu.memref_slice %arg9[%dma_start3A_243, %dma_start3A_245, %dma_start3A_246] : memref<2x128x128xf32, #tpu.memory_space<vmem>> -> memref<1x128x128xf32, #tpu.memory_space<vmem>>
      %dma_start3A_248 = tpu.memref_squeeze %dma_start3A_247 : memref<1x128x128xf32, #tpu.memory_space<vmem>> -> memref<128x128xf32, #tpu.memory_space<vmem>>
      %dma_start3A_249 = arith.constant 0 : i32
      %dma_start3A_250 = tpu.memref_slice %arg11[%dma_start3A_244, %dma_start3A_249] : memref<2x128xi32, #tpu.memory_space<vmem>> -> memref<1x128xi32, #tpu.memory_space<vmem>>
      %dma_start3A_251 = tpu.memref_squeeze %dma_start3A_250 : memref<1x128xi32, #tpu.memory_space<vmem>> -> memref<128xi32, #tpu.memory_space<vmem>>
      %dma_start3A_252 = arith.constant 0 : i32
      %dma_start3A_253 = arith.constant 0 : i32
      %dma_start3A_254 = tpu.memref_slice %arg13[%dma_start3A_252, %dma_start3A_253] : memref<10112x128xf32, #tpu.memory_space<vmem_shared>> -> memref<10112x128xf32, #tpu.memory_space<vmem_shared>>
      tpu.enqueue_indirect_dma source(%dma_start3A_248 : memref<128x128xf32, #tpu.memory_space<vmem>>) target(%dma_start3A_254 : memref<10112x128xf32, #tpu.memory_space<vmem_shared>>) offsets(%dma_start3A_251 : memref<128xi32, #tpu.memory_space<vmem>>) semaphore(%arg18 : memref<!tpu.dma_semaphore, #tpu.memory_space<semaphore_mem>>) {add = true}
      %convert_element_type3A_255 = arith.extui %le3A_214 : i1 to i32
      %cond3A_256 = arith.constant 0 : i32
      %cond3A_257 = arith.cmpi ne, %convert_element_type3A_255, %cond3A_256 : i32
      scf.if %cond3A_257 {
        %add3A_258 = arith.constant 1 : i32
        %add3A_259 = arith.addi %add3A_206, %add3A_258 : i32
        %add3A_260 = arith.addi %add3A_7, %add3A_259 : i32
        %mul3A_261 = arith.constant 128 : i32
        %mul3A_262 = arith.muli %add3A_260, %mul3A_261 : i32
        %dma_wait3A_263 = arith.constant 0 : i32
        %dma_wait3A_264 = arith.constant 0 : i32
        %dma_wait3A_265 = arith.constant 0 : i32
        %dma_wait3A_266 = tpu.memref_slice %arg9[%dma_wait3A_263, %dma_wait3A_264, %dma_wait3A_265] : memref<2x128x128xf32, #tpu.memory_space<vmem>> -> memref<1x128x128xf32, #tpu.memory_space<vmem>>
        %dma_wait3A_267 = tpu.memref_squeeze %dma_wait3A_266 : memref<1x128x128xf32, #tpu.memory_space<vmem>> -> memref<128x128xf32, #tpu.memory_space<vmem>>
        %dma_wait3A_268 = arith.constant 0 : i32
        %dma_wait3A_269 = tpu.memref_slice %arg5[%mul3A_262, %dma_wait3A_268] : memref<323584x128xf32, #tpu.memory_space<hbm>> -> memref<128x128xf32, #tpu.memory_space<hbm>>
        %dma_wait3A_270 = arith.constant 0 : i32
        %dma_wait3A_271 = arith.constant 0 : i32
        %dma_wait3A_272 = tpu.memref_slice %arg9[%dma_wait3A_263, %dma_wait3A_270, %dma_wait3A_271] : memref<2x128x128xf32, #tpu.memory_space<vmem>> -> memref<1x128x128xf32, #tpu.memory_space<vmem>>
        %dma_wait3A_273 = tpu.memref_squeeze %dma_wait3A_272 : memref<1x128x128xf32, #tpu.memory_space<vmem>> -> memref<128x128xf32, #tpu.memory_space<vmem>>
        %dma_wait3A_274 = arith.constant 0 : i32
        %dma_wait3A_275 = tpu.memref_slice %arg5[%mul3A_262, %dma_wait3A_274] : memref<323584x128xf32, #tpu.memory_space<hbm>> -> memref<128x128xf32, #tpu.memory_space<hbm>>
        tpu.wait_dma2 semaphore(%arg14 : memref<!tpu.dma_semaphore, #tpu.memory_space<semaphore_mem>>) src(%dma_wait3A_275 : memref<128x128xf32, #tpu.memory_space<hbm>>) dst(%dma_wait3A_273 : memref<128x128xf32, #tpu.memory_space<vmem>>)
        %dma_start3A_276 = arith.constant 0 : i32
        %dma_start3A_277 = arith.constant 0 : i32
        %dma_start3A_278 = arith.constant 0 : i32
        %dma_start3A_279 = arith.constant 0 : i32
        %dma_start3A_280 = tpu.memref_slice %arg9[%dma_start3A_277, %dma_start3A_278, %dma_start3A_279] : memref<2x128x128xf32, #tpu.memory_space<vmem>> -> memref<1x128x128xf32, #tpu.memory_space<vmem>>
        %dma_start3A_281 = tpu.memref_squeeze %dma_start3A_280 : memref<1x128x128xf32, #tpu.memory_space<vmem>> -> memref<128x128xf32, #tpu.memory_space<vmem>>
        %dma_start3A_282 = arith.constant 0 : i32
        %dma_start3A_283 = tpu.memref_slice %arg11[%dma_start3A_276, %dma_start3A_282] : memref<2x128xi32, #tpu.memory_space<vmem>> -> memref<1x128xi32, #tpu.memory_space<vmem>>
        %dma_start3A_284 = tpu.memref_squeeze %dma_start3A_283 : memref<1x128xi32, #tpu.memory_space<vmem>> -> memref<128xi32, #tpu.memory_space<vmem>>
        %dma_start3A_285 = arith.constant 0 : i32
        %dma_start3A_286 = arith.constant 0 : i32
        %dma_start3A_287 = tpu.memref_slice %arg2[%dma_start3A_285, %dma_start3A_286] : memref<10112x128xf32, #tpu.memory_space<hbm>> -> memref<10112x128xf32, #tpu.memory_space<hbm>>
        tpu.enqueue_indirect_dma source(%dma_start3A_287 : memref<10112x128xf32, #tpu.memory_space<hbm>>) target(%dma_start3A_281 : memref<128x128xf32, #tpu.memory_space<vmem>>) offsets(%dma_start3A_284 : memref<128xi32, #tpu.memory_space<vmem>>) semaphore(%arg15 : memref<!tpu.dma_semaphore, #tpu.memory_space<semaphore_mem>>) {add = true}
        %dma_start3A_288 = arith.constant 0 : i32
        %dma_start3A_289 = arith.constant 0 : i32
        %dma_start3A_290 = tpu.memref_slice %arg12[%dma_start3A_288, %dma_start3A_289] : memref<2x128xi32, #tpu.memory_space<vmem>> -> memref<1x128xi32, #tpu.memory_space<vmem>>
        %dma_start3A_291 = tpu.memref_squeeze %dma_start3A_290 : memref<1x128xi32, #tpu.memory_space<vmem>> -> memref<128xi32, #tpu.memory_space<vmem>>
        %dma_start3A_292 = arith.constant 0 : i32
        %dma_start3A_293 = arith.constant 0 : i32
        %dma_start3A_294 = tpu.memref_slice %arg4[%dma_start3A_292, %dma_start3A_293] : memref<10112x128xf32, #tpu.memory_space<hbm>> -> memref<10112x128xf32, #tpu.memory_space<hbm>>
        tpu.enqueue_indirect_dma source(%dma_start3A_294 : memref<10112x128xf32, #tpu.memory_space<hbm>>) target(%arg10 : memref<128x128xf32, #tpu.memory_space<vmem>>) offsets(%dma_start3A_291 : memref<128xi32, #tpu.memory_space<vmem>>) semaphore(%arg17 : memref<!tpu.dma_semaphore, #tpu.memory_space<semaphore_mem>>)
        %dma_wait3A_295 = arith.constant 0 : i32
        %dma_wait3A_296 = arith.constant 0 : i32
        %dma_wait3A_297 = arith.constant 0 : i32
        %dma_wait3A_298 = arith.constant 0 : i32
        %dma_wait3A_299 = tpu.memref_slice %arg9[%dma_wait3A_296, %dma_wait3A_297, %dma_wait3A_298] : memref<2x128x128xf32, #tpu.memory_space<vmem>> -> memref<1x128x128xf32, #tpu.memory_space<vmem>>
        %dma_wait3A_300 = tpu.memref_squeeze %dma_wait3A_299 : memref<1x128x128xf32, #tpu.memory_space<vmem>> -> memref<128x128xf32, #tpu.memory_space<vmem>>
        %dma_wait3A_301 = arith.constant 0 : i32
        %dma_wait3A_302 = tpu.memref_slice %arg11[%dma_wait3A_295, %dma_wait3A_301] : memref<2x128xi32, #tpu.memory_space<vmem>> -> memref<1x128xi32, #tpu.memory_space<vmem>>
        %dma_wait3A_303 = tpu.memref_squeeze %dma_wait3A_302 : memref<1x128xi32, #tpu.memory_space<vmem>> -> memref<128xi32, #tpu.memory_space<vmem>>
        %dma_wait3A_304 = arith.constant 0 : i32
        %dma_wait3A_305 = arith.constant 0 : i32
        %dma_wait3A_306 = tpu.memref_slice %arg2[%dma_wait3A_304, %dma_wait3A_305] : memref<10112x128xf32, #tpu.memory_space<hbm>> -> memref<10112x128xf32, #tpu.memory_space<hbm>>
        tpu.wait_indirect_dma semaphore(%arg15 : memref<!tpu.dma_semaphore, #tpu.memory_space<semaphore_mem>>) src(%dma_wait3A_306 : memref<10112x128xf32, #tpu.memory_space<hbm>>) dst(%dma_wait3A_300 : memref<128x128xf32, #tpu.memory_space<vmem>>)
        %dma_start3A_307 = arith.constant 0 : i32
        %dma_start3A_308 = arith.constant 0 : i32
        %dma_start3A_309 = arith.constant 0 : i32
        %dma_start3A_310 = arith.constant 0 : i32
        %dma_start3A_311 = tpu.memref_slice %arg9[%dma_start3A_308, %dma_start3A_309, %dma_start3A_310] : memref<2x128x128xf32, #tpu.memory_space<vmem>> -> memref<1x128x128xf32, #tpu.memory_space<vmem>>
        %dma_start3A_312 = tpu.memref_squeeze %dma_start3A_311 : memref<1x128x128xf32, #tpu.memory_space<vmem>> -> memref<128x128xf32, #tpu.memory_space<vmem>>
        %dma_start3A_313 = arith.constant 0 : i32
        %dma_start3A_314 = tpu.memref_slice %arg12[%dma_start3A_307, %dma_start3A_313] : memref<2x128xi32, #tpu.memory_space<vmem>> -> memref<1x128xi32, #tpu.memory_space<vmem>>
        %dma_start3A_315 = tpu.memref_squeeze %dma_start3A_314 : memref<1x128xi32, #tpu.memory_space<vmem>> -> memref<128xi32, #tpu.memory_space<vmem>>
        %dma_start3A_316 = arith.constant 0 : i32
        %dma_start3A_317 = arith.constant 0 : i32
        %dma_start3A_318 = tpu.memref_slice %arg3[%dma_start3A_316, %dma_start3A_317] : memref<10112x128xf32, #tpu.memory_space<hbm>> -> memref<10112x128xf32, #tpu.memory_space<hbm>>
        tpu.enqueue_indirect_dma source(%dma_start3A_318 : memref<10112x128xf32, #tpu.memory_space<hbm>>) target(%dma_start3A_312 : memref<128x128xf32, #tpu.memory_space<vmem>>) offsets(%dma_start3A_315 : memref<128xi32, #tpu.memory_space<vmem>>) semaphore(%arg16 : memref<!tpu.dma_semaphore, #tpu.memory_space<semaphore_mem>>) {add = true}
      } else {
      }
    }
    %dma_wait3A_110 = arith.constant 1 : i32
    %dma_wait3A_111 = arith.constant 1 : i32
    %dma_wait3A_112 = arith.constant 0 : i32
    %dma_wait3A_113 = arith.constant 0 : i32
    %dma_wait3A_114 = tpu.memref_slice %arg9[%dma_wait3A_110, %dma_wait3A_112, %dma_wait3A_113] : memref<2x128x128xf32, #tpu.memory_space<vmem>> -> memref<1x128x128xf32, #tpu.memory_space<vmem>>
    %dma_wait3A_115 = tpu.memref_squeeze %dma_wait3A_114 : memref<1x128x128xf32, #tpu.memory_space<vmem>> -> memref<128x128xf32, #tpu.memory_space<vmem>>
    %dma_wait3A_116 = arith.constant 0 : i32
    %dma_wait3A_117 = tpu.memref_slice %arg11[%dma_wait3A_111, %dma_wait3A_116] : memref<2x128xi32, #tpu.memory_space<vmem>> -> memref<1x128xi32, #tpu.memory_space<vmem>>
    %dma_wait3A_118 = tpu.memref_squeeze %dma_wait3A_117 : memref<1x128xi32, #tpu.memory_space<vmem>> -> memref<128xi32, #tpu.memory_space<vmem>>
    %dma_wait3A_119 = arith.constant 0 : i32
    %dma_wait3A_120 = arith.constant 0 : i32
    %dma_wait3A_121 = tpu.memref_slice %arg13[%dma_wait3A_119, %dma_wait3A_120] : memref<10112x128xf32, #tpu.memory_space<vmem_shared>> -> memref<10112x128xf32, #tpu.memory_space<vmem_shared>>
    tpu.wait_indirect_dma semaphore(%arg18 : memref<!tpu.dma_semaphore, #tpu.memory_space<semaphore_mem>>) src(%dma_wait3A_115 : memref<128x128xf32, #tpu.memory_space<vmem>>) dst(%dma_wait3A_121 : memref<10112x128xf32, #tpu.memory_space<vmem_shared>>)
    %barrier3A_122 = arith.constant 0 : index
    tpu.barrier barrier_id(%barrier3A_122)
    %mul3A_123 = arith.constant 632 : i32
    %mul3A_124 = arith.muli %arg1, %mul3A_123 : i32
    %add3A_125 = arith.constant 0 : i32
    %add3A_126 = arith.addi %mul3A_124, %add3A_125 : i32
    %run_scoped3A_127 = arith.constant 0 : i32
    "tpu.region"() ({
      %run_scoped3A_153 = tpu.sem_alloc : memref<!tpu.dma_semaphore, #tpu.memory_space<semaphore_mem>>
      %dma_start3A_154 = arith.constant 0 : i32
      %dma_start3A_155 = arith.constant 0 : i32
      %dma_start3A_156 = tpu.memref_slice %arg9[%run_scoped3A_127, %dma_start3A_154, %dma_start3A_155] : memref<2x128x128xf32, #tpu.memory_space<vmem>> -> memref<1x128x128xf32, #tpu.memory_space<vmem>>
      %dma_start3A_157 = tpu.memref_squeeze %dma_start3A_156 : memref<1x128x128xf32, #tpu.memory_space<vmem>> -> memref<128x128xf32, #tpu.memory_space<vmem>>
      %dma_start3A_158 = arith.constant 0 : i32
      %dma_start3A_159 = tpu.memref_slice %arg13[%add3A_126, %dma_start3A_158] : memref<10112x128xf32, #tpu.memory_space<vmem_shared>> -> memref<128x128xf32, #tpu.memory_space<vmem_shared>>
      %dma_start3A_160 = arith.constant 0 : i32
      %dma_start3A_161 = arith.constant 0 : i32
      %dma_start3A_162 = tpu.memref_slice %arg9[%run_scoped3A_127, %dma_start3A_160, %dma_start3A_161] : memref<2x128x128xf32, #tpu.memory_space<vmem>> -> memref<1x128x128xf32, #tpu.memory_space<vmem>>
      %dma_start3A_163 = tpu.memref_squeeze %dma_start3A_162 : memref<1x128x128xf32, #tpu.memory_space<vmem>> -> memref<128x128xf32, #tpu.memory_space<vmem>>
      %dma_start3A_164 = arith.constant 0 : i32
      %dma_start3A_165 = tpu.memref_slice %arg13[%add3A_126, %dma_start3A_164] : memref<10112x128xf32, #tpu.memory_space<vmem_shared>> -> memref<128x128xf32, #tpu.memory_space<vmem_shared>>
      tpu.enqueue_dma source(%dma_start3A_165 : memref<128x128xf32, #tpu.memory_space<vmem_shared>>) target(%dma_start3A_163 : memref<128x128xf32, #tpu.memory_space<vmem>>) target_semaphore(%run_scoped3A_153 : memref<!tpu.dma_semaphore, #tpu.memory_space<semaphore_mem>>)
      %dma_wait3A_166 = arith.constant 0 : i32
      %dma_wait3A_167 = arith.constant 0 : i32
      %dma_wait3A_168 = tpu.memref_slice %arg9[%run_scoped3A_127, %dma_wait3A_166, %dma_wait3A_167] : memref<2x128x128xf32, #tpu.memory_space<vmem>> -> memref<1x128x128xf32, #tpu.memory_space<vmem>>
      %dma_wait3A_169 = tpu.memref_squeeze %dma_wait3A_168 : memref<1x128x128xf32, #tpu.memory_space<vmem>> -> memref<128x128xf32, #tpu.memory_space<vmem>>
      %dma_wait3A_170 = arith.constant 0 : i32
      %dma_wait3A_171 = tpu.memref_slice %arg13[%add3A_126, %dma_wait3A_170] : memref<10112x128xf32, #tpu.memory_space<vmem_shared>> -> memref<128x128xf32, #tpu.memory_space<vmem_shared>>
      %dma_wait3A_172 = arith.constant 0 : i32
      %dma_wait3A_173 = arith.constant 0 : i32
      %dma_wait3A_174 = tpu.memref_slice %arg9[%run_scoped3A_127, %dma_wait3A_172, %dma_wait3A_173] : memref<2x128x128xf32, #tpu.memory_space<vmem>> -> memref<1x128x128xf32, #tpu.memory_space<vmem>>
      %dma_wait3A_175 = tpu.memref_squeeze %dma_wait3A_174 : memref<1x128x128xf32, #tpu.memory_space<vmem>> -> memref<128x128xf32, #tpu.memory_space<vmem>>
      %dma_wait3A_176 = arith.constant 0 : i32
      %dma_wait3A_177 = tpu.memref_slice %arg13[%add3A_126, %dma_wait3A_176] : memref<10112x128xf32, #tpu.memory_space<vmem_shared>> -> memref<128x128xf32, #tpu.memory_space<vmem_shared>>
      tpu.wait_dma2 semaphore(%run_scoped3A_153 : memref<!tpu.dma_semaphore, #tpu.memory_space<semaphore_mem>>) src(%dma_wait3A_177 : memref<128x128xf32, #tpu.memory_space<vmem_shared>>) dst(%dma_wait3A_175 : memref<128x128xf32, #tpu.memory_space<vmem>>)
      tpu.yield
    }) : () -> ()
    %run_scoped3A_128 = arith.constant 0 : i32
    "tpu.region"() ({
      %run_scoped3A_153 = tpu.sem_alloc : memref<!tpu.dma_semaphore, #tpu.memory_space<semaphore_mem>>
      %dma_start3A_154 = arith.constant 0 : i32
      %dma_start3A_155 = arith.constant 0 : i32
      %dma_start3A_156 = tpu.memref_slice %arg9[%run_scoped3A_128, %dma_start3A_154, %dma_start3A_155] : memref<2x128x128xf32, #tpu.memory_space<vmem>> -> memref<1x128x128xf32, #tpu.memory_space<vmem>>
      %dma_start3A_157 = tpu.memref_squeeze %dma_start3A_156 : memref<1x128x128xf32, #tpu.memory_space<vmem>> -> memref<128x128xf32, #tpu.memory_space<vmem>>
      %dma_start3A_158 = arith.constant 0 : i32
      %dma_start3A_159 = tpu.memref_slice %arg8[%arg0, %add3A_126, %dma_start3A_158] : memref<2x10112x128xf32, #tpu.memory_space<hbm>> -> memref<1x128x128xf32, #tpu.memory_space<hbm>>
      %dma_start3A_160 = tpu.memref_squeeze %dma_start3A_159 : memref<1x128x128xf32, #tpu.memory_space<hbm>> -> memref<128x128xf32, #tpu.memory_space<hbm>>
      %dma_start3A_161 = arith.constant 0 : i32
      %dma_start3A_162 = tpu.memref_slice %arg8[%arg0, %add3A_126, %dma_start3A_161] : memref<2x10112x128xf32, #tpu.memory_space<hbm>> -> memref<1x128x128xf32, #tpu.memory_space<hbm>>
      %dma_start3A_163 = tpu.memref_squeeze %dma_start3A_162 : memref<1x128x128xf32, #tpu.memory_space<hbm>> -> memref<128x128xf32, #tpu.memory_space<hbm>>
      %dma_start3A_164 = arith.constant 0 : i32
      %dma_start3A_165 = arith.constant 0 : i32
      %dma_start3A_166 = tpu.memref_slice %arg9[%run_scoped3A_128, %dma_start3A_164, %dma_start3A_165] : memref<2x128x128xf32, #tpu.memory_space<vmem>> -> memref<1x128x128xf32, #tpu.memory_space<vmem>>
      %dma_start3A_167 = tpu.memref_squeeze %dma_start3A_166 : memref<1x128x128xf32, #tpu.memory_space<vmem>> -> memref<128x128xf32, #tpu.memory_space<vmem>>
      tpu.enqueue_dma source(%dma_start3A_167 : memref<128x128xf32, #tpu.memory_space<vmem>>) target(%dma_start3A_163 : memref<128x128xf32, #tpu.memory_space<hbm>>) target_semaphore(%run_scoped3A_153 : memref<!tpu.dma_semaphore, #tpu.memory_space<semaphore_mem>>)
      %dma_wait3A_168 = arith.constant 0 : i32
      %dma_wait3A_169 = arith.constant 0 : i32
      %dma_wait3A_170 = tpu.memref_slice %arg9[%run_scoped3A_128, %dma_wait3A_168, %dma_wait3A_169] : memref<2x128x128xf32, #tpu.memory_space<vmem>> -> memref<1x128x128xf32, #tpu.memory_space<vmem>>
      %dma_wait3A_171 = tpu.memref_squeeze %dma_wait3A_170 : memref<1x128x128xf32, #tpu.memory_space<vmem>> -> memref<128x128xf32, #tpu.memory_space<vmem>>
      %dma_wait3A_172 = arith.constant 0 : i32
      %dma_wait3A_173 = tpu.memref_slice %arg8[%arg0, %add3A_126, %dma_wait3A_172] : memref<2x10112x128xf32, #tpu.memory_space<hbm>> -> memref<1x128x128xf32, #tpu.memory_space<hbm>>
      %dma_wait3A_174 = tpu.memref_squeeze %dma_wait3A_173 : memref<1x128x128xf32, #tpu.memory_space<hbm>> -> memref<128x128xf32, #tpu.memory_space<hbm>>
      %dma_wait3A_175 = arith.constant 0 : i32
      %dma_wait3A_176 = tpu.memref_slice %arg8[%arg0, %add3A_126, %dma_wait3A_175] : memref<2x10112x128xf32, #tpu.memory_space<hbm>> -> memref<1x128x128xf32, #tpu.memory_space<hbm>>
      %dma_wait3A_177 = tpu.memref_squeeze %dma_wait3A_176 : memref<1x128x128xf32, #tpu.memory_space<hbm>> -> memref<128x128xf32, #tpu.memory_space<hbm>>
      %dma_wait3A_178 = arith.constant 0 : i32
      %dma_wait3A_179 = arith.constant 0 : i32
      %dma_wait3A_180 = tpu.memref_slice %arg9[%run_scoped3A_128, %dma_wait3A_178, %dma_wait3A_179] : memref<2x128x128xf32, #tpu.memory_space<vmem>> -> memref<1x128x128xf32, #tpu.memory_space<vmem>>
      %dma_wait3A_181 = tpu.memref_squeeze %dma_wait3A_180 : memref<1x128x128xf32, #tpu.memory_space<vmem>> -> memref<128x128xf32, #tpu.memory_space<vmem>>
      tpu.wait_dma2 semaphore(%run_scoped3A_153 : memref<!tpu.dma_semaphore, #tpu.memory_space<semaphore_mem>>) src(%dma_wait3A_181 : memref<128x128xf32, #tpu.memory_space<vmem>>) dst(%dma_wait3A_177 : memref<128x128xf32, #tpu.memory_space<hbm>>)
      tpu.yield
    }) : () -> ()
    %mul3A_129 = arith.constant 632 : i32
    %mul3A_130 = arith.muli %arg1, %mul3A_129 : i32
    %add3A_131 = arith.constant 128 : i32
    %add3A_132 = arith.addi %mul3A_130, %add3A_131 : i32
    %run_scoped3A_133 = arith.constant 0 : i32
    "tpu.region"() ({
      %run_scoped3A_153 = tpu.sem_alloc : memref<!tpu.dma_semaphore, #tpu.memory_space<semaphore_mem>>
      %dma_start3A_154 = arith.constant 0 : i32
      %dma_start3A_155 = arith.constant 0 : i32
      %dma_start3A_156 = tpu.memref_slice %arg9[%run_scoped3A_133, %dma_start3A_154, %dma_start3A_155] : memref<2x128x128xf32, #tpu.memory_space<vmem>> -> memref<1x128x128xf32, #tpu.memory_space<vmem>>
      %dma_start3A_157 = tpu.memref_squeeze %dma_start3A_156 : memref<1x128x128xf32, #tpu.memory_space<vmem>> -> memref<128x128xf32, #tpu.memory_space<vmem>>
      %dma_start3A_158 = arith.constant 0 : i32
      %dma_start3A_159 = tpu.memref_slice %arg13[%add3A_132, %dma_start3A_158] : memref<10112x128xf32, #tpu.memory_space<vmem_shared>> -> memref<128x128xf32, #tpu.memory_space<vmem_shared>>
      %dma_start3A_160 = arith.constant 0 : i32
      %dma_start3A_161 = arith.constant 0 : i32
      %dma_start3A_162 = tpu.memref_slice %arg9[%run_scoped3A_133, %dma_start3A_160, %dma_start3A_161] : memref<2x128x128xf32, #tpu.memory_space<vmem>> -> memref<1x128x128xf32, #tpu.memory_space<vmem>>
      %dma_start3A_163 = tpu.memref_squeeze %dma_start3A_162 : memref<1x128x128xf32, #tpu.memory_space<vmem>> -> memref<128x128xf32, #tpu.memory_space<vmem>>
      %dma_start3A_164 = arith.constant 0 : i32
      %dma_start3A_165 = tpu.memref_slice %arg13[%add3A_132, %dma_start3A_164] : memref<10112x128xf32, #tpu.memory_space<vmem_shared>> -> memref<128x128xf32, #tpu.memory_space<vmem_shared>>
      tpu.enqueue_dma source(%dma_start3A_165 : memref<128x128xf32, #tpu.memory_space<vmem_shared>>) target(%dma_start3A_163 : memref<128x128xf32, #tpu.memory_space<vmem>>) target_semaphore(%run_scoped3A_153 : memref<!tpu.dma_semaphore, #tpu.memory_space<semaphore_mem>>)
      %dma_wait3A_166 = arith.constant 0 : i32
      %dma_wait3A_167 = arith.constant 0 : i32
      %dma_wait3A_168 = tpu.memref_slice %arg9[%run_scoped3A_133, %dma_wait3A_166, %dma_wait3A_167] : memref<2x128x128xf32, #tpu.memory_space<vmem>> -> memref<1x128x128xf32, #tpu.memory_space<vmem>>
      %dma_wait3A_169 = tpu.memref_squeeze %dma_wait3A_168 : memref<1x128x128xf32, #tpu.memory_space<vmem>> -> memref<128x128xf32, #tpu.memory_space<vmem>>
      %dma_wait3A_170 = arith.constant 0 : i32
      %dma_wait3A_171 = tpu.memref_slice %arg13[%add3A_132, %dma_wait3A_170] : memref<10112x128xf32, #tpu.memory_space<vmem_shared>> -> memref<128x128xf32, #tpu.memory_space<vmem_shared>>
      %dma_wait3A_172 = arith.constant 0 : i32
      %dma_wait3A_173 = arith.constant 0 : i32
      %dma_wait3A_174 = tpu.memref_slice %arg9[%run_scoped3A_133, %dma_wait3A_172, %dma_wait3A_173] : memref<2x128x128xf32, #tpu.memory_space<vmem>> -> memref<1x128x128xf32, #tpu.memory_space<vmem>>
      %dma_wait3A_175 = tpu.memref_squeeze %dma_wait3A_174 : memref<1x128x128xf32, #tpu.memory_space<vmem>> -> memref<128x128xf32, #tpu.memory_space<vmem>>
      %dma_wait3A_176 = arith.constant 0 : i32
      %dma_wait3A_177 = tpu.memref_slice %arg13[%add3A_132, %dma_wait3A_176] : memref<10112x128xf32, #tpu.memory_space<vmem_shared>> -> memref<128x128xf32, #tpu.memory_space<vmem_shared>>
      tpu.wait_dma2 semaphore(%run_scoped3A_153 : memref<!tpu.dma_semaphore, #tpu.memory_space<semaphore_mem>>) src(%dma_wait3A_177 : memref<128x128xf32, #tpu.memory_space<vmem_shared>>) dst(%dma_wait3A_175 : memref<128x128xf32, #tpu.memory_space<vmem>>)
      tpu.yield
    }) : () -> ()
    %run_scoped3A_134 = arith.constant 0 : i32
    "tpu.region"() ({
      %run_scoped3A_153 = tpu.sem_alloc : memref<!tpu.dma_semaphore, #tpu.memory_space<semaphore_mem>>
      %dma_start3A_154 = arith.constant 0 : i32
      %dma_start3A_155 = arith.constant 0 : i32
      %dma_start3A_156 = tpu.memref_slice %arg9[%run_scoped3A_134, %dma_start3A_154, %dma_start3A_155] : memref<2x128x128xf32, #tpu.memory_space<vmem>> -> memref<1x128x128xf32, #tpu.memory_space<vmem>>
      %dma_start3A_157 = tpu.memref_squeeze %dma_start3A_156 : memref<1x128x128xf32, #tpu.memory_space<vmem>> -> memref<128x128xf32, #tpu.memory_space<vmem>>
      %dma_start3A_158 = arith.constant 0 : i32
      %dma_start3A_159 = tpu.memref_slice %arg8[%arg0, %add3A_132, %dma_start3A_158] : memref<2x10112x128xf32, #tpu.memory_space<hbm>> -> memref<1x128x128xf32, #tpu.memory_space<hbm>>
      %dma_start3A_160 = tpu.memref_squeeze %dma_start3A_159 : memref<1x128x128xf32, #tpu.memory_space<hbm>> -> memref<128x128xf32, #tpu.memory_space<hbm>>
      %dma_start3A_161 = arith.constant 0 : i32
      %dma_start3A_162 = tpu.memref_slice %arg8[%arg0, %add3A_132, %dma_start3A_161] : memref<2x10112x128xf32, #tpu.memory_space<hbm>> -> memref<1x128x128xf32, #tpu.memory_space<hbm>>
      %dma_start3A_163 = tpu.memref_squeeze %dma_start3A_162 : memref<1x128x128xf32, #tpu.memory_space<hbm>> -> memref<128x128xf32, #tpu.memory_space<hbm>>
      %dma_start3A_164 = arith.constant 0 : i32
      %dma_start3A_165 = arith.constant 0 : i32
      %dma_start3A_166 = tpu.memref_slice %arg9[%run_scoped3A_134, %dma_start3A_164, %dma_start3A_165] : memref<2x128x128xf32, #tpu.memory_space<vmem>> -> memref<1x128x128xf32, #tpu.memory_space<vmem>>
      %dma_start3A_167 = tpu.memref_squeeze %dma_start3A_166 : memref<1x128x128xf32, #tpu.memory_space<vmem>> -> memref<128x128xf32, #tpu.memory_space<vmem>>
      tpu.enqueue_dma source(%dma_start3A_167 : memref<128x128xf32, #tpu.memory_space<vmem>>) target(%dma_start3A_163 : memref<128x128xf32, #tpu.memory_space<hbm>>) target_semaphore(%run_scoped3A_153 : memref<!tpu.dma_semaphore, #tpu.memory_space<semaphore_mem>>)
      %dma_wait3A_168 = arith.constant 0 : i32
      %dma_wait3A_169 = arith.constant 0 : i32
      %dma_wait3A_170 = tpu.memref_slice %arg9[%run_scoped3A_134, %dma_wait3A_168, %dma_wait3A_169] : memref<2x128x128xf32, #tpu.memory_space<vmem>> -> memref<1x128x128xf32, #tpu.memory_space<vmem>>
      %dma_wait3A_171 = tpu.memref_squeeze %dma_wait3A_170 : memref<1x128x128xf32, #tpu.memory_space<vmem>> -> memref<128x128xf32, #tpu.memory_space<vmem>>
      %dma_wait3A_172 = arith.constant 0 : i32
      %dma_wait3A_173 = tpu.memref_slice %arg8[%arg0, %add3A_132, %dma_wait3A_172] : memref<2x10112x128xf32, #tpu.memory_space<hbm>> -> memref<1x128x128xf32, #tpu.memory_space<hbm>>
      %dma_wait3A_174 = tpu.memref_squeeze %dma_wait3A_173 : memref<1x128x128xf32, #tpu.memory_space<hbm>> -> memref<128x128xf32, #tpu.memory_space<hbm>>
      %dma_wait3A_175 = arith.constant 0 : i32
      %dma_wait3A_176 = tpu.memref_slice %arg8[%arg0, %add3A_132, %dma_wait3A_175] : memref<2x10112x128xf32, #tpu.memory_space<hbm>> -> memref<1x128x128xf32, #tpu.memory_space<hbm>>
      %dma_wait3A_177 = tpu.memref_squeeze %dma_wait3A_176 : memref<1x128x128xf32, #tpu.memory_space<hbm>> -> memref<128x128xf32, #tpu.memory_space<hbm>>
      %dma_wait3A_178 = arith.constant 0 : i32
      %dma_wait3A_179 = arith.constant 0 : i32
      %dma_wait3A_180 = tpu.memref_slice %arg9[%run_scoped3A_134, %dma_wait3A_178, %dma_wait3A_179] : memref<2x128x128xf32, #tpu.memory_space<vmem>> -> memref<1x128x128xf32, #tpu.memory_space<vmem>>
      %dma_wait3A_181 = tpu.memref_squeeze %dma_wait3A_180 : memref<1x128x128xf32, #tpu.memory_space<vmem>> -> memref<128x128xf32, #tpu.memory_space<vmem>>
      tpu.wait_dma2 semaphore(%run_scoped3A_153 : memref<!tpu.dma_semaphore, #tpu.memory_space<semaphore_mem>>) src(%dma_wait3A_181 : memref<128x128xf32, #tpu.memory_space<vmem>>) dst(%dma_wait3A_177 : memref<128x128xf32, #tpu.memory_space<hbm>>)
      tpu.yield
    }) : () -> ()
    %mul3A_135 = arith.constant 632 : i32
    %mul3A_136 = arith.muli %arg1, %mul3A_135 : i32
    %add3A_137 = arith.constant 256 : i32
    %add3A_138 = arith.addi %mul3A_136, %add3A_137 : i32
    %run_scoped3A_139 = arith.constant 0 : i32
    "tpu.region"() ({
      %run_scoped3A_153 = tpu.sem_alloc : memref<!tpu.dma_semaphore, #tpu.memory_space<semaphore_mem>>
      %dma_start3A_154 = arith.constant 0 : i32
      %dma_start3A_155 = arith.constant 0 : i32
      %dma_start3A_156 = tpu.memref_slice %arg9[%run_scoped3A_139, %dma_start3A_154, %dma_start3A_155] : memref<2x128x128xf32, #tpu.memory_space<vmem>> -> memref<1x128x128xf32, #tpu.memory_space<vmem>>
      %dma_start3A_157 = tpu.memref_squeeze %dma_start3A_156 : memref<1x128x128xf32, #tpu.memory_space<vmem>> -> memref<128x128xf32, #tpu.memory_space<vmem>>
      %dma_start3A_158 = arith.constant 0 : i32
      %dma_start3A_159 = tpu.memref_slice %arg13[%add3A_138, %dma_start3A_158] : memref<10112x128xf32, #tpu.memory_space<vmem_shared>> -> memref<128x128xf32, #tpu.memory_space<vmem_shared>>
      %dma_start3A_160 = arith.constant 0 : i32
      %dma_start3A_161 = arith.constant 0 : i32
      %dma_start3A_162 = tpu.memref_slice %arg9[%run_scoped3A_139, %dma_start3A_160, %dma_start3A_161] : memref<2x128x128xf32, #tpu.memory_space<vmem>> -> memref<1x128x128xf32, #tpu.memory_space<vmem>>
      %dma_start3A_163 = tpu.memref_squeeze %dma_start3A_162 : memref<1x128x128xf32, #tpu.memory_space<vmem>> -> memref<128x128xf32, #tpu.memory_space<vmem>>
      %dma_start3A_164 = arith.constant 0 : i32
      %dma_start3A_165 = tpu.memref_slice %arg13[%add3A_138, %dma_start3A_164] : memref<10112x128xf32, #tpu.memory_space<vmem_shared>> -> memref<128x128xf32, #tpu.memory_space<vmem_shared>>
      tpu.enqueue_dma source(%dma_start3A_165 : memref<128x128xf32, #tpu.memory_space<vmem_shared>>) target(%dma_start3A_163 : memref<128x128xf32, #tpu.memory_space<vmem>>) target_semaphore(%run_scoped3A_153 : memref<!tpu.dma_semaphore, #tpu.memory_space<semaphore_mem>>)
      %dma_wait3A_166 = arith.constant 0 : i32
      %dma_wait3A_167 = arith.constant 0 : i32
      %dma_wait3A_168 = tpu.memref_slice %arg9[%run_scoped3A_139, %dma_wait3A_166, %dma_wait3A_167] : memref<2x128x128xf32, #tpu.memory_space<vmem>> -> memref<1x128x128xf32, #tpu.memory_space<vmem>>
      %dma_wait3A_169 = tpu.memref_squeeze %dma_wait3A_168 : memref<1x128x128xf32, #tpu.memory_space<vmem>> -> memref<128x128xf32, #tpu.memory_space<vmem>>
      %dma_wait3A_170 = arith.constant 0 : i32
      %dma_wait3A_171 = tpu.memref_slice %arg13[%add3A_138, %dma_wait3A_170] : memref<10112x128xf32, #tpu.memory_space<vmem_shared>> -> memref<128x128xf32, #tpu.memory_space<vmem_shared>>
      %dma_wait3A_172 = arith.constant 0 : i32
      %dma_wait3A_173 = arith.constant 0 : i32
      %dma_wait3A_174 = tpu.memref_slice %arg9[%run_scoped3A_139, %dma_wait3A_172, %dma_wait3A_173] : memref<2x128x128xf32, #tpu.memory_space<vmem>> -> memref<1x128x128xf32, #tpu.memory_space<vmem>>
      %dma_wait3A_175 = tpu.memref_squeeze %dma_wait3A_174 : memref<1x128x128xf32, #tpu.memory_space<vmem>> -> memref<128x128xf32, #tpu.memory_space<vmem>>
      %dma_wait3A_176 = arith.constant 0 : i32
      %dma_wait3A_177 = tpu.memref_slice %arg13[%add3A_138, %dma_wait3A_176] : memref<10112x128xf32, #tpu.memory_space<vmem_shared>> -> memref<128x128xf32, #tpu.memory_space<vmem_shared>>
      tpu.wait_dma2 semaphore(%run_scoped3A_153 : memref<!tpu.dma_semaphore, #tpu.memory_space<semaphore_mem>>) src(%dma_wait3A_177 : memref<128x128xf32, #tpu.memory_space<vmem_shared>>) dst(%dma_wait3A_175 : memref<128x128xf32, #tpu.memory_space<vmem>>)
      tpu.yield
    }) : () -> ()
    %run_scoped3A_140 = arith.constant 0 : i32
    "tpu.region"() ({
      %run_scoped3A_153 = tpu.sem_alloc : memref<!tpu.dma_semaphore, #tpu.memory_space<semaphore_mem>>
      %dma_start3A_154 = arith.constant 0 : i32
      %dma_start3A_155 = arith.constant 0 : i32
      %dma_start3A_156 = tpu.memref_slice %arg9[%run_scoped3A_140, %dma_start3A_154, %dma_start3A_155] : memref<2x128x128xf32, #tpu.memory_space<vmem>> -> memref<1x128x128xf32, #tpu.memory_space<vmem>>
      %dma_start3A_157 = tpu.memref_squeeze %dma_start3A_156 : memref<1x128x128xf32, #tpu.memory_space<vmem>> -> memref<128x128xf32, #tpu.memory_space<vmem>>
      %dma_start3A_158 = arith.constant 0 : i32
      %dma_start3A_159 = tpu.memref_slice %arg8[%arg0, %add3A_138, %dma_start3A_158] : memref<2x10112x128xf32, #tpu.memory_space<hbm>> -> memref<1x128x128xf32, #tpu.memory_space<hbm>>
      %dma_start3A_160 = tpu.memref_squeeze %dma_start3A_159 : memref<1x128x128xf32, #tpu.memory_space<hbm>> -> memref<128x128xf32, #tpu.memory_space<hbm>>
      %dma_start3A_161 = arith.constant 0 : i32
      %dma_start3A_162 = tpu.memref_slice %arg8[%arg0, %add3A_138, %dma_start3A_161] : memref<2x10112x128xf32, #tpu.memory_space<hbm>> -> memref<1x128x128xf32, #tpu.memory_space<hbm>>
      %dma_start3A_163 = tpu.memref_squeeze %dma_start3A_162 : memref<1x128x128xf32, #tpu.memory_space<hbm>> -> memref<128x128xf32, #tpu.memory_space<hbm>>
      %dma_start3A_164 = arith.constant 0 : i32
      %dma_start3A_165 = arith.constant 0 : i32
      %dma_start3A_166 = tpu.memref_slice %arg9[%run_scoped3A_140, %dma_start3A_164, %dma_start3A_165] : memref<2x128x128xf32, #tpu.memory_space<vmem>> -> memref<1x128x128xf32, #tpu.memory_space<vmem>>
      %dma_start3A_167 = tpu.memref_squeeze %dma_start3A_166 : memref<1x128x128xf32, #tpu.memory_space<vmem>> -> memref<128x128xf32, #tpu.memory_space<vmem>>
      tpu.enqueue_dma source(%dma_start3A_167 : memref<128x128xf32, #tpu.memory_space<vmem>>) target(%dma_start3A_163 : memref<128x128xf32, #tpu.memory_space<hbm>>) target_semaphore(%run_scoped3A_153 : memref<!tpu.dma_semaphore, #tpu.memory_space<semaphore_mem>>)
      %dma_wait3A_168 = arith.constant 0 : i32
      %dma_wait3A_169 = arith.constant 0 : i32
      %dma_wait3A_170 = tpu.memref_slice %arg9[%run_scoped3A_140, %dma_wait3A_168, %dma_wait3A_169] : memref<2x128x128xf32, #tpu.memory_space<vmem>> -> memref<1x128x128xf32, #tpu.memory_space<vmem>>
      %dma_wait3A_171 = tpu.memref_squeeze %dma_wait3A_170 : memref<1x128x128xf32, #tpu.memory_space<vmem>> -> memref<128x128xf32, #tpu.memory_space<vmem>>
      %dma_wait3A_172 = arith.constant 0 : i32
      %dma_wait3A_173 = tpu.memref_slice %arg8[%arg0, %add3A_138, %dma_wait3A_172] : memref<2x10112x128xf32, #tpu.memory_space<hbm>> -> memref<1x128x128xf32, #tpu.memory_space<hbm>>
      %dma_wait3A_174 = tpu.memref_squeeze %dma_wait3A_173 : memref<1x128x128xf32, #tpu.memory_space<hbm>> -> memref<128x128xf32, #tpu.memory_space<hbm>>
      %dma_wait3A_175 = arith.constant 0 : i32
      %dma_wait3A_176 = tpu.memref_slice %arg8[%arg0, %add3A_138, %dma_wait3A_175] : memref<2x10112x128xf32, #tpu.memory_space<hbm>> -> memref<1x128x128xf32, #tpu.memory_space<hbm>>
      %dma_wait3A_177 = tpu.memref_squeeze %dma_wait3A_176 : memref<1x128x128xf32, #tpu.memory_space<hbm>> -> memref<128x128xf32, #tpu.memory_space<hbm>>
      %dma_wait3A_178 = arith.constant 0 : i32
      %dma_wait3A_179 = arith.constant 0 : i32
      %dma_wait3A_180 = tpu.memref_slice %arg9[%run_scoped3A_140, %dma_wait3A_178, %dma_wait3A_179] : memref<2x128x128xf32, #tpu.memory_space<vmem>> -> memref<1x128x128xf32, #tpu.memory_space<vmem>>
      %dma_wait3A_181 = tpu.memref_squeeze %dma_wait3A_180 : memref<1x128x128xf32, #tpu.memory_space<vmem>> -> memref<128x128xf32, #tpu.memory_space<vmem>>
      tpu.wait_dma2 semaphore(%run_scoped3A_153 : memref<!tpu.dma_semaphore, #tpu.memory_space<semaphore_mem>>) src(%dma_wait3A_181 : memref<128x128xf32, #tpu.memory_space<vmem>>) dst(%dma_wait3A_177 : memref<128x128xf32, #tpu.memory_space<hbm>>)
      tpu.yield
    }) : () -> ()
    %mul3A_141 = arith.constant 632 : i32
    %mul3A_142 = arith.muli %arg1, %mul3A_141 : i32
    %add3A_143 = arith.constant 384 : i32
    %add3A_144 = arith.addi %mul3A_142, %add3A_143 : i32
    %run_scoped3A_145 = arith.constant 0 : i32
    "tpu.region"() ({
      %run_scoped3A_153 = tpu.sem_alloc : memref<!tpu.dma_semaphore, #tpu.memory_space<semaphore_mem>>
      %dma_start3A_154 = arith.constant 0 : i32
      %dma_start3A_155 = arith.constant 0 : i32
      %dma_start3A_156 = tpu.memref_slice %arg9[%run_scoped3A_145, %dma_start3A_154, %dma_start3A_155] : memref<2x128x128xf32, #tpu.memory_space<vmem>> -> memref<1x128x128xf32, #tpu.memory_space<vmem>>
      %dma_start3A_157 = tpu.memref_squeeze %dma_start3A_156 : memref<1x128x128xf32, #tpu.memory_space<vmem>> -> memref<128x128xf32, #tpu.memory_space<vmem>>
      %dma_start3A_158 = arith.constant 0 : i32
      %dma_start3A_159 = tpu.memref_slice %arg13[%add3A_144, %dma_start3A_158] : memref<10112x128xf32, #tpu.memory_space<vmem_shared>> -> memref<128x128xf32, #tpu.memory_space<vmem_shared>>
      %dma_start3A_160 = arith.constant 0 : i32
      %dma_start3A_161 = arith.constant 0 : i32
      %dma_start3A_162 = tpu.memref_slice %arg9[%run_scoped3A_145, %dma_start3A_160, %dma_start3A_161] : memref<2x128x128xf32, #tpu.memory_space<vmem>> -> memref<1x128x128xf32, #tpu.memory_space<vmem>>
      %dma_start3A_163 = tpu.memref_squeeze %dma_start3A_162 : memref<1x128x128xf32, #tpu.memory_space<vmem>> -> memref<128x128xf32, #tpu.memory_space<vmem>>
      %dma_start3A_164 = arith.constant 0 : i32
      %dma_start3A_165 = tpu.memref_slice %arg13[%add3A_144, %dma_start3A_164] : memref<10112x128xf32, #tpu.memory_space<vmem_shared>> -> memref<128x128xf32, #tpu.memory_space<vmem_shared>>
      tpu.enqueue_dma source(%dma_start3A_165 : memref<128x128xf32, #tpu.memory_space<vmem_shared>>) target(%dma_start3A_163 : memref<128x128xf32, #tpu.memory_space<vmem>>) target_semaphore(%run_scoped3A_153 : memref<!tpu.dma_semaphore, #tpu.memory_space<semaphore_mem>>)
      %dma_wait3A_166 = arith.constant 0 : i32
      %dma_wait3A_167 = arith.constant 0 : i32
      %dma_wait3A_168 = tpu.memref_slice %arg9[%run_scoped3A_145, %dma_wait3A_166, %dma_wait3A_167] : memref<2x128x128xf32, #tpu.memory_space<vmem>> -> memref<1x128x128xf32, #tpu.memory_space<vmem>>
      %dma_wait3A_169 = tpu.memref_squeeze %dma_wait3A_168 : memref<1x128x128xf32, #tpu.memory_space<vmem>> -> memref<128x128xf32, #tpu.memory_space<vmem>>
      %dma_wait3A_170 = arith.constant 0 : i32
      %dma_wait3A_171 = tpu.memref_slice %arg13[%add3A_144, %dma_wait3A_170] : memref<10112x128xf32, #tpu.memory_space<vmem_shared>> -> memref<128x128xf32, #tpu.memory_space<vmem_shared>>
      %dma_wait3A_172 = arith.constant 0 : i32
      %dma_wait3A_173 = arith.constant 0 : i32
      %dma_wait3A_174 = tpu.memref_slice %arg9[%run_scoped3A_145, %dma_wait3A_172, %dma_wait3A_173] : memref<2x128x128xf32, #tpu.memory_space<vmem>> -> memref<1x128x128xf32, #tpu.memory_space<vmem>>
      %dma_wait3A_175 = tpu.memref_squeeze %dma_wait3A_174 : memref<1x128x128xf32, #tpu.memory_space<vmem>> -> memref<128x128xf32, #tpu.memory_space<vmem>>
      %dma_wait3A_176 = arith.constant 0 : i32
      %dma_wait3A_177 = tpu.memref_slice %arg13[%add3A_144, %dma_wait3A_176] : memref<10112x128xf32, #tpu.memory_space<vmem_shared>> -> memref<128x128xf32, #tpu.memory_space<vmem_shared>>
      tpu.wait_dma2 semaphore(%run_scoped3A_153 : memref<!tpu.dma_semaphore, #tpu.memory_space<semaphore_mem>>) src(%dma_wait3A_177 : memref<128x128xf32, #tpu.memory_space<vmem_shared>>) dst(%dma_wait3A_175 : memref<128x128xf32, #tpu.memory_space<vmem>>)
      tpu.yield
    }) : () -> ()
    %run_scoped3A_146 = arith.constant 0 : i32
    "tpu.region"() ({
      %run_scoped3A_153 = tpu.sem_alloc : memref<!tpu.dma_semaphore, #tpu.memory_space<semaphore_mem>>
      %dma_start3A_154 = arith.constant 0 : i32
      %dma_start3A_155 = arith.constant 0 : i32
      %dma_start3A_156 = tpu.memref_slice %arg9[%run_scoped3A_146, %dma_start3A_154, %dma_start3A_155] : memref<2x128x128xf32, #tpu.memory_space<vmem>> -> memref<1x128x128xf32, #tpu.memory_space<vmem>>
      %dma_start3A_157 = tpu.memref_squeeze %dma_start3A_156 : memref<1x128x128xf32, #tpu.memory_space<vmem>> -> memref<128x128xf32, #tpu.memory_space<vmem>>
      %dma_start3A_158 = arith.constant 0 : i32
      %dma_start3A_159 = tpu.memref_slice %arg8[%arg0, %add3A_144, %dma_start3A_158] : memref<2x10112x128xf32, #tpu.memory_space<hbm>> -> memref<1x128x128xf32, #tpu.memory_space<hbm>>
      %dma_start3A_160 = tpu.memref_squeeze %dma_start3A_159 : memref<1x128x128xf32, #tpu.memory_space<hbm>> -> memref<128x128xf32, #tpu.memory_space<hbm>>
      %dma_start3A_161 = arith.constant 0 : i32
      %dma_start3A_162 = tpu.memref_slice %arg8[%arg0, %add3A_144, %dma_start3A_161] : memref<2x10112x128xf32, #tpu.memory_space<hbm>> -> memref<1x128x128xf32, #tpu.memory_space<hbm>>
      %dma_start3A_163 = tpu.memref_squeeze %dma_start3A_162 : memref<1x128x128xf32, #tpu.memory_space<hbm>> -> memref<128x128xf32, #tpu.memory_space<hbm>>
      %dma_start3A_164 = arith.constant 0 : i32
      %dma_start3A_165 = arith.constant 0 : i32
      %dma_start3A_166 = tpu.memref_slice %arg9[%run_scoped3A_146, %dma_start3A_164, %dma_start3A_165] : memref<2x128x128xf32, #tpu.memory_space<vmem>> -> memref<1x128x128xf32, #tpu.memory_space<vmem>>
      %dma_start3A_167 = tpu.memref_squeeze %dma_start3A_166 : memref<1x128x128xf32, #tpu.memory_space<vmem>> -> memref<128x128xf32, #tpu.memory_space<vmem>>
      tpu.enqueue_dma source(%dma_start3A_167 : memref<128x128xf32, #tpu.memory_space<vmem>>) target(%dma_start3A_163 : memref<128x128xf32, #tpu.memory_space<hbm>>) target_semaphore(%run_scoped3A_153 : memref<!tpu.dma_semaphore, #tpu.memory_space<semaphore_mem>>)
      %dma_wait3A_168 = arith.constant 0 : i32
      %dma_wait3A_169 = arith.constant 0 : i32
      %dma_wait3A_170 = tpu.memref_slice %arg9[%run_scoped3A_146, %dma_wait3A_168, %dma_wait3A_169] : memref<2x128x128xf32, #tpu.memory_space<vmem>> -> memref<1x128x128xf32, #tpu.memory_space<vmem>>
      %dma_wait3A_171 = tpu.memref_squeeze %dma_wait3A_170 : memref<1x128x128xf32, #tpu.memory_space<vmem>> -> memref<128x128xf32, #tpu.memory_space<vmem>>
      %dma_wait3A_172 = arith.constant 0 : i32
      %dma_wait3A_173 = tpu.memref_slice %arg8[%arg0, %add3A_144, %dma_wait3A_172] : memref<2x10112x128xf32, #tpu.memory_space<hbm>> -> memref<1x128x128xf32, #tpu.memory_space<hbm>>
      %dma_wait3A_174 = tpu.memref_squeeze %dma_wait3A_173 : memref<1x128x128xf32, #tpu.memory_space<hbm>> -> memref<128x128xf32, #tpu.memory_space<hbm>>
      %dma_wait3A_175 = arith.constant 0 : i32
      %dma_wait3A_176 = tpu.memref_slice %arg8[%arg0, %add3A_144, %dma_wait3A_175] : memref<2x10112x128xf32, #tpu.memory_space<hbm>> -> memref<1x128x128xf32, #tpu.memory_space<hbm>>
      %dma_wait3A_177 = tpu.memref_squeeze %dma_wait3A_176 : memref<1x128x128xf32, #tpu.memory_space<hbm>> -> memref<128x128xf32, #tpu.memory_space<hbm>>
      %dma_wait3A_178 = arith.constant 0 : i32
      %dma_wait3A_179 = arith.constant 0 : i32
      %dma_wait3A_180 = tpu.memref_slice %arg9[%run_scoped3A_146, %dma_wait3A_178, %dma_wait3A_179] : memref<2x128x128xf32, #tpu.memory_space<vmem>> -> memref<1x128x128xf32, #tpu.memory_space<vmem>>
      %dma_wait3A_181 = tpu.memref_squeeze %dma_wait3A_180 : memref<1x128x128xf32, #tpu.memory_space<vmem>> -> memref<128x128xf32, #tpu.memory_space<vmem>>
      tpu.wait_dma2 semaphore(%run_scoped3A_153 : memref<!tpu.dma_semaphore, #tpu.memory_space<semaphore_mem>>) src(%dma_wait3A_181 : memref<128x128xf32, #tpu.memory_space<vmem>>) dst(%dma_wait3A_177 : memref<128x128xf32, #tpu.memory_space<hbm>>)
      tpu.yield
    }) : () -> ()
    %mul3A_147 = arith.constant 632 : i32
    %mul3A_148 = arith.muli %arg1, %mul3A_147 : i32
    %add3A_149 = arith.constant 512 : i32
    %add3A_150 = arith.addi %mul3A_148, %add3A_149 : i32
    %run_scoped3A_151 = arith.constant 0 : i32
    "tpu.region"() ({
      %run_scoped3A_153 = tpu.sem_alloc : memref<!tpu.dma_semaphore, #tpu.memory_space<semaphore_mem>>
      %dma_start3A_154 = arith.constant 0 : i32
      %dma_start3A_155 = arith.constant 0 : i32
      %dma_start3A_156 = tpu.memref_slice %arg9[%run_scoped3A_151, %dma_start3A_154, %dma_start3A_155] : memref<2x128x128xf32, #tpu.memory_space<vmem>> -> memref<1x120x128xf32, #tpu.memory_space<vmem>>
      %dma_start3A_157 = tpu.memref_squeeze %dma_start3A_156 : memref<1x120x128xf32, #tpu.memory_space<vmem>> -> memref<120x128xf32, #tpu.memory_space<vmem>>
      %dma_start3A_158 = arith.constant 0 : i32
      %dma_start3A_159 = tpu.memref_slice %arg13[%add3A_150, %dma_start3A_158] : memref<10112x128xf32, #tpu.memory_space<vmem_shared>> -> memref<120x128xf32, #tpu.memory_space<vmem_shared>>
      %dma_start3A_160 = arith.constant 0 : i32
      %dma_start3A_161 = arith.constant 0 : i32
      %dma_start3A_162 = tpu.memref_slice %arg9[%run_scoped3A_151, %dma_start3A_160, %dma_start3A_161] : memref<2x128x128xf32, #tpu.memory_space<vmem>> -> memref<1x120x128xf32, #tpu.memory_space<vmem>>
      %dma_start3A_163 = tpu.memref_squeeze %dma_start3A_162 : memref<1x120x128xf32, #tpu.memory_space<vmem>> -> memref<120x128xf32, #tpu.memory_space<vmem>>
      %dma_start3A_164 = arith.constant 0 : i32
      %dma_start3A_165 = tpu.memref_slice %arg13[%add3A_150, %dma_start3A_164] : memref<10112x128xf32, #tpu.memory_space<vmem_shared>> -> memref<120x128xf32, #tpu.memory_space<vmem_shared>>
      tpu.enqueue_dma source(%dma_start3A_165 : memref<120x128xf32, #tpu.memory_space<vmem_shared>>) target(%dma_start3A_163 : memref<120x128xf32, #tpu.memory_space<vmem>>) target_semaphore(%run_scoped3A_153 : memref<!tpu.dma_semaphore, #tpu.memory_space<semaphore_mem>>)
      %dma_wait3A_166 = arith.constant 0 : i32
      %dma_wait3A_167 = arith.constant 0 : i32
      %dma_wait3A_168 = tpu.memref_slice %arg9[%run_scoped3A_151, %dma_wait3A_166, %dma_wait3A_167] : memref<2x128x128xf32, #tpu.memory_space<vmem>> -> memref<1x120x128xf32, #tpu.memory_space<vmem>>
      %dma_wait3A_169 = tpu.memref_squeeze %dma_wait3A_168 : memref<1x120x128xf32, #tpu.memory_space<vmem>> -> memref<120x128xf32, #tpu.memory_space<vmem>>
      %dma_wait3A_170 = arith.constant 0 : i32
      %dma_wait3A_171 = tpu.memref_slice %arg13[%add3A_150, %dma_wait3A_170] : memref<10112x128xf32, #tpu.memory_space<vmem_shared>> -> memref<120x128xf32, #tpu.memory_space<vmem_shared>>
      %dma_wait3A_172 = arith.constant 0 : i32
      %dma_wait3A_173 = arith.constant 0 : i32
      %dma_wait3A_174 = tpu.memref_slice %arg9[%run_scoped3A_151, %dma_wait3A_172, %dma_wait3A_173] : memref<2x128x128xf32, #tpu.memory_space<vmem>> -> memref<1x120x128xf32, #tpu.memory_space<vmem>>
      %dma_wait3A_175 = tpu.memref_squeeze %dma_wait3A_174 : memref<1x120x128xf32, #tpu.memory_space<vmem>> -> memref<120x128xf32, #tpu.memory_space<vmem>>
      %dma_wait3A_176 = arith.constant 0 : i32
      %dma_wait3A_177 = tpu.memref_slice %arg13[%add3A_150, %dma_wait3A_176] : memref<10112x128xf32, #tpu.memory_space<vmem_shared>> -> memref<120x128xf32, #tpu.memory_space<vmem_shared>>
      tpu.wait_dma2 semaphore(%run_scoped3A_153 : memref<!tpu.dma_semaphore, #tpu.memory_space<semaphore_mem>>) src(%dma_wait3A_177 : memref<120x128xf32, #tpu.memory_space<vmem_shared>>) dst(%dma_wait3A_175 : memref<120x128xf32, #tpu.memory_space<vmem>>)
      tpu.yield
    }) : () -> ()
    %run_scoped3A_152 = arith.constant 0 : i32
    "tpu.region"() ({
      %run_scoped3A_153 = tpu.sem_alloc : memref<!tpu.dma_semaphore, #tpu.memory_space<semaphore_mem>>
      %dma_start3A_154 = arith.constant 0 : i32
      %dma_start3A_155 = arith.constant 0 : i32
      %dma_start3A_156 = tpu.memref_slice %arg9[%run_scoped3A_152, %dma_start3A_154, %dma_start3A_155] : memref<2x128x128xf32, #tpu.memory_space<vmem>> -> memref<1x120x128xf32, #tpu.memory_space<vmem>>
      %dma_start3A_157 = tpu.memref_squeeze %dma_start3A_156 : memref<1x120x128xf32, #tpu.memory_space<vmem>> -> memref<120x128xf32, #tpu.memory_space<vmem>>
      %dma_start3A_158 = arith.constant 0 : i32
      %dma_start3A_159 = tpu.memref_slice %arg8[%arg0, %add3A_150, %dma_start3A_158] : memref<2x10112x128xf32, #tpu.memory_space<hbm>> -> memref<1x120x128xf32, #tpu.memory_space<hbm>>
      %dma_start3A_160 = tpu.memref_squeeze %dma_start3A_159 : memref<1x120x128xf32, #tpu.memory_space<hbm>> -> memref<120x128xf32, #tpu.memory_space<hbm>>
      %dma_start3A_161 = arith.constant 0 : i32
      %dma_start3A_162 = tpu.memref_slice %arg8[%arg0, %add3A_150, %dma_start3A_161] : memref<2x10112x128xf32, #tpu.memory_space<hbm>> -> memref<1x120x128xf32, #tpu.memory_space<hbm>>
      %dma_start3A_163 = tpu.memref_squeeze %dma_start3A_162 : memref<1x120x128xf32, #tpu.memory_space<hbm>> -> memref<120x128xf32, #tpu.memory_space<hbm>>
      %dma_start3A_164 = arith.constant 0 : i32
      %dma_start3A_165 = arith.constant 0 : i32
      %dma_start3A_166 = tpu.memref_slice %arg9[%run_scoped3A_152, %dma_start3A_164, %dma_start3A_165] : memref<2x128x128xf32, #tpu.memory_space<vmem>> -> memref<1x120x128xf32, #tpu.memory_space<vmem>>
      %dma_start3A_167 = tpu.memref_squeeze %dma_start3A_166 : memref<1x120x128xf32, #tpu.memory_space<vmem>> -> memref<120x128xf32, #tpu.memory_space<vmem>>
      tpu.enqueue_dma source(%dma_start3A_167 : memref<120x128xf32, #tpu.memory_space<vmem>>) target(%dma_start3A_163 : memref<120x128xf32, #tpu.memory_space<hbm>>) target_semaphore(%run_scoped3A_153 : memref<!tpu.dma_semaphore, #tpu.memory_space<semaphore_mem>>)
      %dma_wait3A_168 = arith.constant 0 : i32
      %dma_wait3A_169 = arith.constant 0 : i32
      %dma_wait3A_170 = tpu.memref_slice %arg9[%run_scoped3A_152, %dma_wait3A_168, %dma_wait3A_169] : memref<2x128x128xf32, #tpu.memory_space<vmem>> -> memref<1x120x128xf32, #tpu.memory_space<vmem>>
      %dma_wait3A_171 = tpu.memref_squeeze %dma_wait3A_170 : memref<1x120x128xf32, #tpu.memory_space<vmem>> -> memref<120x128xf32, #tpu.memory_space<vmem>>
      %dma_wait3A_172 = arith.constant 0 : i32
      %dma_wait3A_173 = tpu.memref_slice %arg8[%arg0, %add3A_150, %dma_wait3A_172] : memref<2x10112x128xf32, #tpu.memory_space<hbm>> -> memref<1x120x128xf32, #tpu.memory_space<hbm>>
      %dma_wait3A_174 = tpu.memref_squeeze %dma_wait3A_173 : memref<1x120x128xf32, #tpu.memory_space<hbm>> -> memref<120x128xf32, #tpu.memory_space<hbm>>
      %dma_wait3A_175 = arith.constant 0 : i32
      %dma_wait3A_176 = tpu.memref_slice %arg8[%arg0, %add3A_150, %dma_wait3A_175] : memref<2x10112x128xf32, #tpu.memory_space<hbm>> -> memref<1x120x128xf32, #tpu.memory_space<hbm>>
      %dma_wait3A_177 = tpu.memref_squeeze %dma_wait3A_176 : memref<1x120x128xf32, #tpu.memory_space<hbm>> -> memref<120x128xf32, #tpu.memory_space<hbm>>
      %dma_wait3A_178 = arith.constant 0 : i32
      %dma_wait3A_179 = arith.constant 0 : i32
      %dma_wait3A_180 = tpu.memref_slice %arg9[%run_scoped3A_152, %dma_wait3A_178, %dma_wait3A_179] : memref<2x128x128xf32, #tpu.memory_space<vmem>> -> memref<1x120x128xf32, #tpu.memory_space<vmem>>
      %dma_wait3A_181 = tpu.memref_squeeze %dma_wait3A_180 : memref<1x120x128xf32, #tpu.memory_space<vmem>> -> memref<120x128xf32, #tpu.memory_space<vmem>>
      tpu.wait_dma2 semaphore(%run_scoped3A_153 : memref<!tpu.dma_semaphore, #tpu.memory_space<semaphore_mem>>) src(%dma_wait3A_181 : memref<120x128xf32, #tpu.memory_space<vmem>>) dst(%dma_wait3A_177 : memref<120x128xf32, #tpu.memory_space<hbm>>)
      tpu.yield
    }) : () -> ()
    return
  }
}

module attributes {stable_mosaic.version = 14 : i64} {
  func.func @_prep_body(%arg0: i32, %arg1: memref<10112x128xf32, #tpu.memory_space<vmem>>, %arg2: memref<128x128xf32, #tpu.memory_space<vmem>>, %arg3: memref<128x128xf32, #tpu.memory_space<vmem>>, %arg4: memref<128x128xf32, #tpu.memory_space<vmem>>, %arg5: memref<128x128xf32, #tpu.memory_space<vmem>>, %arg6: memref<16x128xf32, #tpu.memory_space<vmem>>, %arg7: memref<1x128xf32, #tpu.memory_space<vmem>>, %arg8: memref<10112x16xf32, #tpu.memory_space<vmem>>, %arg9: memref<10112x128xf32, #tpu.memory_space<vmem>>, %arg10: memref<10112x128xf32, #tpu.memory_space<vmem>>, %arg11: memref<10112x128xf32, #tpu.memory_space<vmem>>, %arg12: memref<10112x128xf32, #tpu.memory_space<vmem>>, %arg13: memref<10112x128xf32, #tpu.memory_space<vmem>>) attributes {dimension_semantics = [#tpu.dimension_semantics<arbitrary>], iteration_bounds = array<i64: 32>, scalar_prefetch = 0 : i64, scratch_operands = 0 : i64, tpu.core_type = #tpu.core_type<tc>, window_params = [{pipeline_mode = #tpu.pipeline_mode<synchronous>, transform_indices = @transform_0, window_bounds = array<i64: 10112, 128>}, {pipeline_mode = #tpu.pipeline_mode<synchronous>, transform_indices = @transform_1, window_bounds = array<i64: 128, 128>}, {pipeline_mode = #tpu.pipeline_mode<synchronous>, transform_indices = @transform_2, window_bounds = array<i64: 128, 128>}, {pipeline_mode = #tpu.pipeline_mode<synchronous>, transform_indices = @transform_3, window_bounds = array<i64: 128, 128>}, {pipeline_mode = #tpu.pipeline_mode<synchronous>, transform_indices = @transform_4, window_bounds = array<i64: 128, 128>}, {pipeline_mode = #tpu.pipeline_mode<synchronous>, transform_indices = @transform_5, window_bounds = array<i64: 16, 128>}, {pipeline_mode = #tpu.pipeline_mode<synchronous>, transform_indices = @transform_6, window_bounds = array<i64: 1, 128>}, {transform_indices = @transform_7, window_bounds = array<i64: 10112, 16>}, {pipeline_mode = #tpu.pipeline_mode<synchronous>, transform_indices = @transform_8, window_bounds = array<i64: 10112, 128>}, {pipeline_mode = #tpu.pipeline_mode<synchronous>, transform_indices = @transform_9, window_bounds = array<i64: 10112, 128>}, {pipeline_mode = #tpu.pipeline_mode<synchronous>, transform_indices = @transform_10, window_bounds = array<i64: 10112, 128>}, {pipeline_mode = #tpu.pipeline_mode<synchronous>, transform_indices = @transform_11, window_bounds = array<i64: 10112, 128>}, {transform_indices = @transform_12, window_bounds = array<i64: 10112, 128>}]} {
    %eq3A = arith.constant 0 : i32
    %eq3A_0 = arith.cmpi eq, %arg0, %eq3A : i32
    %convert_element_type3A = arith.extui %eq3A_0 : i1 to i32
    %cond3A = arith.constant 0 : i32
    %cond3A_1 = arith.cmpi ne, %convert_element_type3A, %cond3A : i32
    scf.if %cond3A_1 {
      %get3A_10 = arith.constant 0 : index
      %get3A_11 = arith.constant 0 : index
      %get3A_12 = vector.load %arg1[%get3A_10, %get3A_11] : memref<10112x128xf32, #tpu.memory_space<vmem>>, vector<10112x128xf32>
      %get3A_13 = arith.constant 0 : index
      %get3A_14 = arith.constant 0 : index
      %get3A_15 = vector.load %arg2[%get3A_13, %get3A_14] : memref<128x128xf32, #tpu.memory_space<vmem>>, vector<128x128xf32>
      %dot_general3A_16 = arith.constant dense<0.000000e+00> : vector<10112x128xf32>
      %dot_general3A_17 = tpu.matmul %get3A_12, %get3A_15, %dot_general3A_16 {dimension_numbers = #tpu.dot_dimension_numbers<[1], [0], [0], [1], [0, 0, 1, 1], [], []>, transpose_lhs_hint = false} : vector<10112x128xf32>, vector<128x128xf32>, vector<10112x128xf32> -> vector<10112x128xf32>
      %swap3A_18 = arith.constant 0 : index
      %swap3A_19 = arith.constant 0 : index
      %swap3A_20 = vector.load %arg9[%swap3A_18, %swap3A_19] : memref<10112x128xf32, #tpu.memory_space<vmem>>, vector<10112x128xf32>
      tpu.vector_store %arg9[%swap3A_18, %swap3A_19], %dot_general3A_17 {strides = array<i32>} : memref<10112x128xf32, #tpu.memory_space<vmem>>, vector<10112x128xf32>,
      %get3A_21 = arith.constant 0 : index
      %get3A_22 = arith.constant 0 : index
      %get3A_23 = vector.load %arg3[%get3A_21, %get3A_22] : memref<128x128xf32, #tpu.memory_space<vmem>>, vector<128x128xf32>
      %dot_general3A_24 = arith.constant dense<0.000000e+00> : vector<10112x128xf32>
      %dot_general3A_25 = tpu.matmul %get3A_12, %get3A_23, %dot_general3A_24 {dimension_numbers = #tpu.dot_dimension_numbers<[1], [0], [0], [1], [0, 0, 1, 1], [], []>, transpose_lhs_hint = false} : vector<10112x128xf32>, vector<128x128xf32>, vector<10112x128xf32> -> vector<10112x128xf32>
      %swap3A_26 = arith.constant 0 : index
      %swap3A_27 = arith.constant 0 : index
      %swap3A_28 = vector.load %arg10[%swap3A_26, %swap3A_27] : memref<10112x128xf32, #tpu.memory_space<vmem>>, vector<10112x128xf32>
      tpu.vector_store %arg10[%swap3A_26, %swap3A_27], %dot_general3A_25 {strides = array<i32>} : memref<10112x128xf32, #tpu.memory_space<vmem>>, vector<10112x128xf32>,
      %get3A_29 = arith.constant 0 : index
      %get3A_30 = arith.constant 0 : index
      %get3A_31 = vector.load %arg4[%get3A_29, %get3A_30] : memref<128x128xf32, #tpu.memory_space<vmem>>, vector<128x128xf32>
      %dot_general3A_32 = arith.constant dense<0.000000e+00> : vector<10112x128xf32>
      %dot_general3A_33 = tpu.matmul %get3A_12, %get3A_31, %dot_general3A_32 {dimension_numbers = #tpu.dot_dimension_numbers<[1], [0], [0], [1], [0, 0, 1, 1], [], []>, transpose_lhs_hint = false} : vector<10112x128xf32>, vector<128x128xf32>, vector<10112x128xf32> -> vector<10112x128xf32>
      %swap3A_34 = arith.constant 0 : index
      %swap3A_35 = arith.constant 0 : index
      %swap3A_36 = vector.load %arg11[%swap3A_34, %swap3A_35] : memref<10112x128xf32, #tpu.memory_space<vmem>>, vector<10112x128xf32>
      tpu.vector_store %arg11[%swap3A_34, %swap3A_35], %dot_general3A_33 {strides = array<i32>} : memref<10112x128xf32, #tpu.memory_space<vmem>>, vector<10112x128xf32>,
      %get3A_37 = arith.constant 0 : index
      %get3A_38 = arith.constant 0 : index
      %get3A_39 = vector.load %arg5[%get3A_37, %get3A_38] : memref<128x128xf32, #tpu.memory_space<vmem>>, vector<128x128xf32>
      %dot_general3A_40 = arith.constant dense<0.000000e+00> : vector<10112x128xf32>
      %dot_general3A_41 = tpu.matmul %get3A_12, %get3A_39, %dot_general3A_40 {dimension_numbers = #tpu.dot_dimension_numbers<[1], [0], [0], [1], [0, 0, 1, 1], [], []>, transpose_lhs_hint = false} : vector<10112x128xf32>, vector<128x128xf32>, vector<10112x128xf32> -> vector<10112x128xf32>
      %get3A_42 = arith.constant 0 : index
      %get3A_43 = arith.constant 0 : index
      %get3A_44 = vector.load %arg7[%get3A_42, %get3A_43] : memref<1x128xf32, #tpu.memory_space<vmem>>, vector<1x128xf32>
      %add3A = vector.broadcast %get3A_44 : vector<1x128xf32> to vector<10112x128xf32>
      %add3A_45 = arith.addf %dot_general3A_41, %add3A : vector<10112x128xf32>
      %swap3A_46 = arith.constant 0 : index
      %swap3A_47 = arith.constant 0 : index
      %swap3A_48 = vector.load %arg12[%swap3A_46, %swap3A_47] : memref<10112x128xf32, #tpu.memory_space<vmem>>, vector<10112x128xf32>
      tpu.vector_store %arg12[%swap3A_46, %swap3A_47], %add3A_45 {strides = array<i32>} : memref<10112x128xf32, #tpu.memory_space<vmem>>, vector<10112x128xf32>,
    } else {
    }
    %get3A = arith.constant 0 : index
    %get3A_2 = arith.constant 0 : index
    %get3A_3 = vector.load %arg8[%get3A, %get3A_2] : memref<10112x16xf32, #tpu.memory_space<vmem>>, vector<10112x16xf32>
    %get3A_4 = arith.constant 0 : index
    %get3A_5 = arith.constant 0 : index
    %get3A_6 = vector.load %arg6[%get3A_4, %get3A_5] : memref<16x128xf32, #tpu.memory_space<vmem>>, vector<16x128xf32>
    %dot_general3A = arith.constant dense<0.000000e+00> : vector<10112x128xf32>
    %dot_general3A_7 = tpu.matmul %get3A_3, %get3A_6, %dot_general3A {dimension_numbers = #tpu.dot_dimension_numbers<[1], [0], [0], [1], [0, 0, 1, 1], [], []>, transpose_lhs_hint = false} : vector<10112x16xf32>, vector<16x128xf32>, vector<10112x128xf32> -> vector<10112x128xf32>
    %swap3A = arith.constant 0 : index
    %swap3A_8 = arith.constant 0 : index
    %swap3A_9 = vector.load %arg13[%swap3A, %swap3A_8] : memref<10112x128xf32, #tpu.memory_space<vmem>>, vector<10112x128xf32>
    tpu.vector_store %arg13[%swap3A, %swap3A_8], %dot_general3A_7 {strides = array<i32>} : memref<10112x128xf32, #tpu.memory_space<vmem>>, vector<10112x128xf32>,
    return
  }
  func.func @transform_0(%arg0: i32) -> (i32, i32) {
    %c0_i32 = arith.constant 0 : i32
    %c0_i32_0 = arith.constant 0 : i32
    %c0_i32_1 = arith.constant 0 : i32
    return %c0_i32, %c0_i32_0 : i32, i32
  }
  func.func @transform_1(%arg0: i32) -> (i32, i32) {
    %c0_i32 = arith.constant 0 : i32
    %c0_i32_0 = arith.constant 0 : i32
    %c0_i32_1 = arith.constant 0 : i32
    return %c0_i32, %c0_i32_0 : i32, i32
  }
  func.func @transform_2(%arg0: i32) -> (i32, i32) {
    %c0_i32 = arith.constant 0 : i32
    %c0_i32_0 = arith.constant 0 : i32
    %c0_i32_1 = arith.constant 0 : i32
    return %c0_i32, %c0_i32_0 : i32, i32
  }
  func.func @transform_3(%arg0: i32) -> (i32, i32) {
    %c0_i32 = arith.constant 0 : i32
    %c0_i32_0 = arith.constant 0 : i32
    %c0_i32_1 = arith.constant 0 : i32
    return %c0_i32, %c0_i32_0 : i32, i32
  }
  func.func @transform_4(%arg0: i32) -> (i32, i32) {
    %c0_i32 = arith.constant 0 : i32
    %c0_i32_0 = arith.constant 0 : i32
    %c0_i32_1 = arith.constant 0 : i32
    return %c0_i32, %c0_i32_0 : i32, i32
  }
  func.func @transform_5(%arg0: i32) -> (i32, i32) {
    %c0_i32 = arith.constant 0 : i32
    %c0_i32_0 = arith.constant 0 : i32
    %c0_i32_1 = arith.constant 0 : i32
    return %c0_i32, %c0_i32_0 : i32, i32
  }
  func.func @transform_6(%arg0: i32) -> (i32, i32) {
    %c0_i32 = arith.constant 0 : i32
    %c0_i32_0 = arith.constant 0 : i32
    %c0_i32_1 = arith.constant 0 : i32
    return %c0_i32, %c0_i32_0 : i32, i32
  }
  func.func @transform_7(%arg0: i32) -> (i32, i32) {
    %c0_i32 = arith.constant 0 : i32
    %c0_i32_0 = arith.constant 0 : i32
    return %arg0, %c0_i32 : i32, i32
  }
  func.func @transform_8(%arg0: i32) -> (i32, i32) {
    %c0_i32 = arith.constant 0 : i32
    %c0_i32_0 = arith.constant 0 : i32
    %c0_i32_1 = arith.constant 0 : i32
    return %c0_i32, %c0_i32_0 : i32, i32
  }
  func.func @transform_9(%arg0: i32) -> (i32, i32) {
    %c0_i32 = arith.constant 0 : i32
    %c0_i32_0 = arith.constant 0 : i32
    %c0_i32_1 = arith.constant 0 : i32
    return %c0_i32, %c0_i32_0 : i32, i32
  }
  func.func @transform_10(%arg0: i32) -> (i32, i32) {
    %c0_i32 = arith.constant 0 : i32
    %c0_i32_0 = arith.constant 0 : i32
    %c0_i32_1 = arith.constant 0 : i32
    return %c0_i32, %c0_i32_0 : i32, i32
  }
  func.func @transform_11(%arg0: i32) -> (i32, i32) {
    %c0_i32 = arith.constant 0 : i32
    %c0_i32_0 = arith.constant 0 : i32
    %c0_i32_1 = arith.constant 0 : i32
    return %c0_i32, %c0_i32_0 : i32, i32
  }
  func.func @transform_12(%arg0: i32) -> (i32, i32) {
    %c0_i32 = arith.constant 0 : i32
    %c0_i32_0 = arith.constant 0 : i32
    return %arg0, %c0_i32 : i32, i32
  }
}

module attributes {stable_mosaic.version = 14 : i64} {
  func.func @_pool_body(%arg0: memref<10000x128xf32, #tpu.memory_space<vmem>>, %arg1: memref<10000x128xf32, #tpu.memory_space<vmem>>, %arg2: memref<10000x128xf32, #tpu.memory_space<vmem>>, %arg3: memref<10000x1xi32, #tpu.memory_space<vmem>>, %arg4: memref<64x128xf32, #tpu.memory_space<vmem>>) attributes {dimension_semantics = [], scalar_prefetch = 0 : i64, scratch_operands = 0 : i64, tpu.core_type = #tpu.core_type<tc>} {
    %get3A = arith.constant 0 : index
    %get3A_0 = arith.constant 0 : index
    %get3A_1 = vector.load %arg0[%get3A, %get3A_0] : memref<10000x128xf32, #tpu.memory_space<vmem>>, vector<10000x128xf32>
    %get3A_2 = arith.constant 0 : index
    %get3A_3 = arith.constant 0 : index
    %get3A_4 = vector.load %arg1[%get3A_2, %get3A_3] : memref<10000x128xf32, #tpu.memory_space<vmem>>, vector<10000x128xf32>
    %add3A = arith.addf %get3A_1, %get3A_4 : vector<10000x128xf32>
    %get3A_5 = arith.constant 0 : index
    %get3A_6 = arith.constant 0 : index
    %get3A_7 = vector.load %arg2[%get3A_5, %get3A_6] : memref<10000x128xf32, #tpu.memory_space<vmem>>, vector<10000x128xf32>
    %add3A_8 = arith.addf %add3A, %get3A_7 : vector<10000x128xf32>
    %max3A = arith.constant 0.000000e+00 : f32
    %max3A_9 = vector.broadcast %max3A : f32 to vector<10000x128xf32>
    %max3A_10 = arith.maximumf %add3A_8, %max3A_9 : vector<10000x128xf32>
    %get3A_11 = arith.constant 0 : index
    %get3A_12 = arith.constant 0 : index
    %get3A_13 = vector.load %arg3[%get3A_11, %get3A_12] : memref<10000x1xi32, #tpu.memory_space<vmem>>, vector<10000x1xi32>
    %iota3A = tpu.iota {dimensions = array<i32: 1>} : vector<10000x64xi32>
    %eq3A = vector.broadcast %get3A_13 : vector<10000x1xi32> to vector<10000x64xi32>
    %eq3A_14 = arith.cmpi eq, %eq3A, %iota3A : vector<10000x64xi32>
    %convert_element_type3A = arith.extui %eq3A_14 : vector<10000x64xi1> to vector<10000x64xi32>
    %convert_element_type3A_15 = arith.sitofp %convert_element_type3A : vector<10000x64xi32> to vector<10000x64xf32>
    %dot_general3A = arith.constant dense<0.000000e+00> : vector<64x128xf32>
    %dot_general3A_16 = tpu.matmul %convert_element_type3A_15, %max3A_10, %dot_general3A {dimension_numbers = #tpu.dot_dimension_numbers<[0], [0], [1], [1], [0, 1, 1, 1], [], []>, transpose_lhs_hint = false} : vector<10000x64xf32>, vector<10000x128xf32>, vector<64x128xf32> -> vector<64x128xf32>
    %broadcast_in_dim3A = arith.constant 1.000000e+00 : f32
    %broadcast_in_dim3A_17 = vector.broadcast %broadcast_in_dim3A : f32 to vector<10000x128xf32>
    %dot_general3A_18 = arith.constant dense<0.000000e+00> : vector<64x128xf32>
    %dot_general3A_19 = tpu.matmul %convert_element_type3A_15, %broadcast_in_dim3A_17, %dot_general3A_18 {dimension_numbers = #tpu.dot_dimension_numbers<[0], [0], [1], [1], [0, 1, 1, 1], [], []>, transpose_lhs_hint = false} : vector<10000x64xf32>, vector<10000x128xf32>, vector<64x128xf32> -> vector<64x128xf32>
    %max3A_20 = arith.constant 1.000000e+00 : f32
    %max3A_21 = vector.broadcast %max3A_20 : f32 to vector<64x128xf32>
    %max3A_22 = arith.maximumf %dot_general3A_19, %max3A_21 : vector<64x128xf32>
    %div3A = arith.divf %dot_general3A_16, %max3A_22 : vector<64x128xf32>
    %swap3A = arith.constant 0 : index
    %swap3A_23 = arith.constant 0 : index
    %swap3A_24 = vector.load %arg4[%swap3A, %swap3A_23] : memref<64x128xf32, #tpu.memory_space<vmem>>, vector<64x128xf32>
    tpu.vector_store %arg4[%swap3A, %swap3A_23], %div3A {strides = array<i32>} : memref<64x128xf32, #tpu.memory_space<vmem>>, vector<64x128xf32>,
    return
  }
}

</mosaic_0001>

<sc_bundles>
// kernel: kernel.5.cloned.1.call-start
scs
__scs_entry_jumppad:
0x0: {  	(pc) =	sbr.rel $0x88, $3  }
0x1: {  	(tag) =	ssettag $0x0;
	lr =	simm.s32 $0x1  }
0x2: {  	[smem:$0x3F97] =	sst lr;
	_ =	strace $0xD0000000  }
0x3: {  	_ = 	snop  }
0x4: {  	_ = 	snop  }
0x5: {  	_ = 	snop  }
0x6: {  	_ = 	snop  }
0x7: {  	_ = 	snop  }
__scs_overlays_trampoline_lowered:
0x8: {  	[smem:$0x3FA6] =	sst s0  }
0x9: {  	[smem:$0x3FA7] =	sst s1  }
0xa: {  	[smem:$0x3FA8] =	sst s2  }
0xb: {  	[smem:$0x3FA9] =	sst s3  }
0xc: {  	[smem:$0x3FAA] =	sst s4  }
0xd: {  	[smem:$0x3FAB] =	sst s5  }
0xe: {  	[smem:$0x3FAC] =	sst s6  }
0xf: {  	[smem:$0x3FAD] =	sst s7  }
0x10: {  	[smem:$0x3FAE] =	sst s8  }
0x11: {  	[smem:$0x3FAF] =	sst s9;
	s0 =	simm.s32 @!p0 $0x0  }
0x12: {  	s1 =	sld [smem:$0x3F95];
	s0 =	simm.s32 @p0 $0x1  }
0x13: {  	[smem:$0x3FB0] =	sst s0;
	s0 =	simm.s32 @!p1 $0x0  }
0x14: {  	s2 =	sld [smem:$0x3F94];
	s0 =	simm.s32 @p1 $0x1  }
0x15: {  	[smem:$0x3FB1] =	sst s0;
	s0 =	simm.s32 @!p2 $0x0  }
0x16: {  	s3 =	sld [smem:$0x3FDB];
	s0 =	simm.s32 @p2 $0x1  }
0x17: {  	s4 =	simm.s32 $0x1BF5;
	[smem:$0x3FB3] =	sst s0  }
0x18: {  	s0 =	sld [smem:$0x3F96];
	_ =	swait.ge [sflag:s4], $0x0  }
0x19: {  	s7 =	sld [smem:$0x3F97]  }
0x1a: {  	s8 =	sadd.s32 $0xFFFFE003, lr  }
0x1b: {  	s9 =	sadd.s32 $0xFFFFFEF7, lr;
	s5 =	simm.s32 $0xFFFFFFFF;
	p2 =	slt.u32 s8, $0xFFFFF086  }
0x1c: {  	p1 =	slt.u32 s9, $0xF7A;
	s5 =	simm.s32 @!p2 $0x0  }
0x1d: {  	s5 =	simm.s32 @p1 $0x1;
	p0 =	seq.s32 s7, s2  }
0x1e: {  	s7 =	smul.u32 @!p0 $0xF7A, s2;
	p2 =	seq.s32 @!p0 s5, $0x0  }
0x1f: {  	s9 =	smul.u32 $0xF7A, s1;
	s8 =	simm.s32 @!p0 $0x1BF5;
	p2 =	por !p2, p0  }
0x20: {  	[sflag:s8] =	ssyncset.s32 @!p0 $0xFFFFF086;
	s6 =	sadd.s32 @!p0 s3, s7;
	s7 =	simm.s32 @!p0 $0x108  }
0x21: {  	s3 =	sadd.s32 s3, s9;
	s6 =	sadd.s32 @!p0 $0x88, s6;
	s7 =	simm.s32 @p2 $0x1082  }
0x22: {  	[simem:s7], [sflag:s8] =	dma.local @!p0 [hbm:s6], $0xF7A  }
0x23: {  	s9 =	sor.u32 $0xD0000000, s2;
	s6 =	simm.s32 $0x108;
	_ =	swait.ge @!p0 [sflag:s8], $0x0  }
0x24: {  	s3 =	sadd.s32 $0x88, s3;
	s6 =	simm.s32 @!p1 $0x1082;
	[sflag:s4] =	ssyncset.s32 $0xFFFFF086  }
0x25: {  	[simem:s6], [sflag:s4] =	dma.local [hbm:s3], $0xF7A  }
0x26: {  	[smem:$0x3F97] =	sst s1;
	(tag) =	ssettag s2;
	_ =	strace s9  }
0x27: {  	s1 =	sld [smem:$0x3FA7]  }
0x28: {  	s2 =	sld [smem:$0x3FA8]  }
0x29: {  	s4 =	sld [smem:$0x3FAA]  }
0x2a: {  	p0 =	seq.s32 s5, $0x0;
	s5 =	sld [smem:$0x3FAB]  }
0x2b: {  	s6 =	sld [smem:$0x3FAC]  }
0x2c: {  	s7 =	sld [smem:$0x3FAD]  }
0x2d: {  	s3 =	simm.s32 $0x108;
	s8 =	sld [smem:$0x3FAE]  }
0x2e: {  	s3 =	simm.s32 @!p0 $0x1082;
	s9 =	sld [smem:$0x3FAF]  }
0x2f: {  	lr =	sadd.s32 s0, s3;
	s0 =	sld [smem:$0x3FA6]  }
0x30: {  	s3 =	sld [smem:$0x3FA9]  }
0x31: {  	[smem:$0x3FB2] =	sst s10  }
0x32: {  	s10 =	sld [smem:$0x3FB0];
	_ =	sdelay $0x3  }
0x33: {  	p0 =	seq.s32 s10, $0x1;
	s10 =	sld [smem:$0x3FB2];
	_ =	sdelay $0x3  }
0x34: {  	[smem:$0x3FB2] =	sst s10  }
0x35: {  	s10 =	sld [smem:$0x3FB1];
	_ =	sdelay $0x3  }
0x36: {  	p1 =	seq.s32 s10, $0x1;
	s10 =	sld [smem:$0x3FB2];
	_ =	sdelay $0x3  }
0x37: {  	[smem:$0x3FB2] =	sst s10  }
0x38: {  	s10 =	sld [smem:$0x3FB3]  }
0x39: {  	_ = 	snop;
	(pc) =	sbr.ind lr, $3  }
0x3a: {  	_ = 	snop  }
0x3b: {  	_ = 	snop  }
0x3c: {  	p2 =	seq.s32 s10, $0x1;
	s10 =	sld [smem:$0x3FB2]  }
0x3d: {  	_ =	shalt  }
0x3e: {  	_ =	shalt  }
0x3f: {  	_ =	shalt  }
0x40: {  	_ =	shalt  }
0x41: {  	_ =	shalt  }
0x42: {  	_ =	shalt  }
0x43: {  	_ =	shalt  }
0x44: {  	_ =	shalt  }
0x45: {  	_ =	shalt  }
0x46: {  	_ =	shalt  }
0x47: {  	_ =	shalt  }
0x48: {  	_ =	shalt  }
0x49: {  	_ =	shalt  }
0x4a: {  	_ =	shalt  }
0x4b: {  	_ =	shalt  }
0x4c: {  	_ =	shalt  }
0x4d: {  	_ =	shalt  }
0x4e: {  	_ =	shalt  }
0x4f: {  	_ =	shalt  }
0x50: {  	_ =	shalt  }
0x51: {  	_ =	shalt  }
0x52: {  	_ =	shalt  }
0x53: {  	_ =	shalt  }
0x54: {  	_ =	shalt  }
0x55: {  	_ =	shalt  }
0x56: {  	_ =	shalt  }
0x57: {  	_ =	shalt  }
0x58: {  	_ =	shalt  }
0x59: {  	_ =	shalt  }
0x5a: {  	_ =	shalt  }
0x5b: {  	_ =	shalt  }
0x5c: {  	_ =	shalt  }
0x5d: {  	_ =	shalt  }
0x5e: {  	_ =	shalt  }
0x5f: {  	_ =	shalt  }
0x60: {  	_ =	shalt  }
0x61: {  	_ =	shalt  }
0x62: {  	_ =	shalt  }
0x63: {  	_ =	shalt  }
0x64: {  	_ =	shalt  }
0x65: {  	_ =	shalt  }
0x66: {  	_ =	shalt  }
0x67: {  	_ =	shalt  }
0x68: {  	_ =	shalt  }
0x69: {  	_ =	shalt  }
0x6a: {  	_ =	shalt  }
0x6b: {  	_ =	shalt  }
0x6c: {  	_ =	shalt  }
0x6d: {  	_ =	shalt  }
0x6e: {  	_ =	shalt  }
0x6f: {  	_ =	shalt  }
0x70: {  	_ =	shalt  }
0x71: {  	_ =	shalt  }
0x72: {  	_ =	shalt  }
0x73: {  	_ =	shalt  }
0x74: {  	_ =	shalt  }
0x75: {  	_ =	shalt  }
0x76: {  	_ =	shalt  }
0x77: {  	_ =	shalt  }
0x78: {  	_ =	shalt  }
0x79: {  	_ =	shalt  }
0x7a: {  	_ =	shalt  }
0x7b: {  	_ =	shalt  }
0x7c: {  	_ =	shalt  }
0x7d: {  	_ =	shalt  }
0x7e: {  	_ =	shalt  }
0x7f: {  	_ =	shalt  }
0x80: {  	_ =	shalt  }
0x81: {  	_ =	shalt  }
0x82: {  	_ =	shalt  }
0x83: {  	_ =	shalt  }
0x84: {  	_ =	shalt  }
0x85: {  	_ =	shalt  }
0x86: {  	_ =	shalt  }
0x87: {  	_ =	shalt  }
.Lfunc_end0:
.L_simem_size_0:
called_computation_lowered:
.L_overlay_start_0:
0x88: {  	s2 =	sld [smem:$0x3FD9]  }
0x89: {  	s3 =	sld [smem:$0x3FFE];
	_ =	sdelay $0x1  }
0x8a: {  	s1 =	srdreg.scid  }
0x8b: {  	s0 =	sand.u32 $0x1, s1  }
0x8c: {  	s16 =	sshll.u32 s0, $0xA;
	s2 =	sadd.s32 s3, s2  }
0x8d: {  	s2 =	sadd.s32 s2, s16  }
0x8e: {  	[smem:$0x3FBE] =	sst s2  }
0x8f: {  	_ = 	snop  }
0x90: {  	(tm) =	ssettm $0x1  }
0x91: {  	s17 =	sld [smem:$0x3FFB];
	_ =	sdelay $0x3  }
0x92: {  	_ =	strace s17  }
0x93: {  	s2 =	sld [smem:$0x3FFC];
	_ =	sdelay $0x3  }
0x94: {  	_ =	strace s2  }
0x95: {  	s2 =	sld [smem:$0x3FFD];
	_ =	sdelay $0x3  }
0x96: {  	_ =	strace s2  }
0x97: {  	_ =	strace $0x8FFFFFFF  }
0x98: {  	s18 =	sld [smem:$0x3FDB];
	_ =	sdelay $0x1  }
0x99: {  	s19 =	simm.s32 $_scs_section_size  }
0x9a: {  	s4 =	simm.s32 $_size__tile_overlayer_lowered;
	s5 =	simm.s32 $_tile_overlayer_lowered  }
0x9b: {  	s22 =	simm.s32 $0x1BFF;
	s21 =	sshll.u32 s5, $0x1;
	s2 =	sadd.s32 s19, s18  }
0x9c: {  	s6 =	simm.s32 $0x0;
	s20 =	sshll.u32 s4, $0x1;
	s4 =	sadd.s32 s21, s2  }
0x9d: {  	[timem:s6], [sflag:s22] =	dma.local [hbm:s4], s20  }
0x9e: {  	_ =	swait.ge [sflag:s22], s20  }
0x9f: {  	s3 =	ssub.s32 $0x0, s20;
	[sflag:s22] =	ssyncset.done $0x0  }
0xa0: {  	[sflag:s22] =	ssyncadd.s32 s3;
	_ =	sdelay $0x1  }
0xa1: {  	s23 =	simm.s32 $0x1B8B  }
0xa2: {  	_ =	swait.ge [sflag:s23], $0x1  }
0xa3: {  	[sflag:s23] =	ssyncset.done $0x0  }
0xa4: {  	s25 =	simm.s32 $0x1B8E;
	s24 =	sld [smem:$0x3FFE];
	[sflag:s23] =	ssyncadd.s32 $0xFFFFFFFF  }
0xa5: {  	s26 =	simm.s32 $execute0_lowered;
	[smem:$0x3FD2] =	sst s25  }
0xa6: {  	s4 =	sshll.u32 s26, $0x1;
	_ =	strace $0x80000046;
	[dreg:$0x1] =	wrdreg $0xFFFFFFFF  }
0xa7: {  	s28 =	simm.s32 $_size_execute0_lowered;
	s2 =	sadd.s32 s2, s4;
	[dreg:$0x0] =	wrdreg $0x0  }
0xa8: {  	s4 =	sshll.u32 s28, $0x1;
	[dreg:$0x2] =	wrdreg s2  }
0xa9: {  	[dreg:$0x3] =	wrdreg s4  }
0xaa: {  	[dreg:$0x4] =	wrdreg $0xC0  }
0xab: {  	_ =	task [dreg:s6], $0x5FFFF  }
0xac: {  	[dreg:$0x1] =	wrdreg $0xFFFFFFFF  }
0xad: {  	[dreg:$0x0] =	wrdreg $0x60  }
0xae: {  	[dreg:$0x2] =	wrdreg s24  }
0xaf: {  	[dreg:$0x3] =	wrdreg $0xC2000  }
0xb0: {  	[dreg:$0x4] =	wrdreg $0x9  }
0xb1: {  	_ =	task.clear_ibuf [dreg:s6], $0x5FFFF;
	_ =	strace $0x90000046  }
0xb2: {  	s29 =	simm.s32 $0x9;
	_ =	strace $0x80000048  }
0xb3: {  	_ =	swait.ge [sflag:s29], $0x1  }
0xb4: {  	[sflag:s29] =	ssyncadd.s32 $0xFFFFFFFF  }
0xb5: {  	_ =	strace $0x90000048  }
0xb6: {  	_ =	sfence  }
0xb7: {  	s30 =	sld [smem:$0x0];
	_ =	sdelay $0x2  }
0xb8: {  	s31 =	sshll.u32 s1, $0xD;
	s1 =	sshrl.u32 s1, $0x2  }
0xb9: {  	s3 =	sand.u32 $0x4000, s31;
	s1 =	sadd.s32 s1, s30  }
0xba: {  	s0 =	sor.u32 s3, s0;
	s1 =	sshll.u32 s1, $0x11  }
0xbb: {  	s0 =	sor.u32 s1, s0  }
0xbc: {  	s0 =	sadd.s32 $0x8F2B, s0  }
0xbd: {  	[sflag:s0] =	ssyncadd.remote.s32 $0x1  }
0xbe: {  	_ =	sfence.sel $0xFFFF  }
0xbf: {  	[dreg:$0x0] =	wrdreg $0xFFFFFFFF;
	(pc) =	sbr.abs _section_cstart, $3  }
0xc0: {  	[dreg:$0x1] =	wrdreg $0xFFFFFFFF  }
0xc1: {  	_ =	task.clear_ibuf [dreg:s6], $0x2FFFF;
	_ =	strace $0x9FFFFFFF  }
0xc2: {  	(tm) =	ssettm $0x7FFFFFFF  }
0xc3: {  	_ =	shalt  }
tec
execute0_lowered:
.L_overlay_start_1:
0x0: {  	(tag) =	ssettag $0x1  }
0x1: {  	s0 =	rddreg [dreg:$0x0]  }
0x2: {  	s1 =	rddreg [dreg:$0x1];
	s3 =	srdreg.scid;
	s2 =	simm.s32 $0x0  }
0x3: {  	s15 =	stileid.u32;
	s30 =	simm.s32 $0x6;
	s31 =	simm.s32 $0xC000  }
0x4: {  	s3 =	sand.u32 $0x1, s3;
	[smem:$0x7FF] =	sst s2;
	s4 =	sadd.s32 $0x2200, s0  }
0x5: {  	s5 =	sadd.s32 $0x3D600, s0;
	s6 =	sadd.s32 $0x64E00, s0;
	s16 =	smul.u32 $0xFFFFFFE2, s3  }
0x6: {  	s7 =	sadd.s32 $0x9D4200, s0;
	s8 =	sadd.s32 $0x33800, s0;
	s12 =	smul.u32 $0x4F000, s15  }
0x7: {  	s9 =	sadd.s32 $0x29A00, s0;
	s10 =	smul.u32 $0x5E0, s3;
	s17 =	sadd.s32 $0x5E, s16  }
0x8: {  	s0 =	sadd.s32 $0xB3E00, s0;
	s11 =	ssub.s32 $0x2, s3;
	s14 =	smul.u32 s15, s17  }
0x9: {  	_ =	strace $0x80000047;
	s13 =	sshrl.u32 s11, $0x1;
	s15 =	smul.u32 $0x13C00, s15  }
0xa: {  	s3 =	smul.u32 $0x13C000, s3;
	s23 =	sshrl.u32 s12, $0x2;
	s18 =	ssub.s32 s11, s13  }
0xb: {  	s11 =	sadd.s32 s23, s1;
	s10 =	sadd.s32 s10, s14;
	s19 =	sadd.s32 $0x4000, s15  }
0xc: {  	s20 =	sadd.s32 $0x8000, s15;
	s21 =	sadd.s32 $0xC000, s15;
	s14 =	sshll.u32 s14, $0x7  }
0xd: {  	s25 =	sadd.s32 $0x10000, s15;
	s26 =	sadd.s32 s19, s1;
	s24 =	sadd.s32 s20, s1  }
0xe: {  	s22 =	sshll.u32 s10, $0x7;
	s23 =	sand.u32 $0x300, s14;
	s14 =	sadd.s32 s21, s1  }
0xf: {  	s19 =	sadd.s32 s3, s19;
	s20 =	sadd.s32 s3, s20;
	s21 =	sadd.s32 s3, s21  }
0x10: {  	s28 =	sor.u32 $0x1, s10;
	s29 =	sadd.s32 $0x2, s10;
	[dreg:$0x3] =	wrdreg s24  }
0x11: {  	s22 =	sand.u32 $0x7FFFFC00, s22;
	s24 =	sadd.s32 s15, s3;
	s3 =	sadd.s32 s3, s25  }
0x12: {  	s15 =	sadd.s32 s25, s1;
	s19 =	sshrl.u32 s19, $0x3;
	s22 =	sor.u32 s23, s22  }
0x13: {  	s12 =	sshrl.u32 s24, $0x3;
	s23 =	sadd.s32 s0, s19;
	s24 =	sshrl.u32 s20, $0x3  }
0x14: {  	s3 =	sshrl.u32 s3, $0x3;
	s20 =	sshll.u32 s10, $0xB;
	s22 =	sshrl.u32 s22, $0x3  }
0x15: {  	s13 =	sadd.s32 s0, s12;
	[dreg:$0x5] =	wrdreg s23;
	s25 =	sadd.s32 s0, s24  }
0x16: {  	s24 =	sshrl.u32 s17, $0x1;
	s23 =	smax.u32 s18, $0x1;
	[dreg:$0x4] =	wrdreg s13  }
0x17: {  	s17 =	simm.s32 $0x3;
	s18 =	simm.s32 $0x4;
	[dreg:$0x6] =	wrdreg s25  }
0x18: {  	s13 =	sshrl.u32 s21, $0x3;
	s21 =	sadd.s32 s8, s22;
	[dreg:$0xc] =	wrdreg s23  }
0x19: {  	s22 =	sadd.s32 s9, s22;
	s25 =	sadd.s32 $0x5C, s16;
	[dreg:$0x9] =	wrdreg s21  }
0x1a: {  	s19 =	sadd.s32 s0, s13;
	s0 =	sadd.s32 s0, s3;
	[dreg:$0xa] =	wrdreg s22  }
0x1b: {  	s3 =	simm.s32 $0x80;
	[dreg:$0x8] =	wrdreg s0;
	s0 =	sand.u32 $0x1FFFF000, s20  }
0x1c: {  	s22 =	simm.s32 $0x0;
	[dreg:$0x7] =	wrdreg s19;
	s0 =	sadd.s32 s7, s0  }
0x1d: {  	v0 =	vimm.f32 $0.0e+00;
	s19 =	simm.s32 $0xC080;
	s20 =	simm.s32 $0x4000;
	[dreg:$0xb] =	wrdreg s0  }
.LBB2_1:
0x1e: {  	s0 =	simm.s32 $0x0;
	s16 =	simm.s32 $0x200  }
.LBB2_2:
0x1f: {  	p0 =	sne.s32 s16, $0xFE00;
	[tilespmem:s0+$0x70] =	vst v0  }
0x20: {  	[tilespmem:s0+$0x0] =	vst v0  }
0x21: {  	[tilespmem:s0+$0x10] =	vst v0  }
.Ltmp0:
0x22: {  	[tilespmem:s0+$0x20] =	vst v0;
	(pc) =	sbr.rel @p0 .LBB2_2-.Ltmp0, $4  }
0x23: {  	[tilespmem:s0+$0x30] =	vst v0  }
0x24: {  	[tilespmem:s0+$0x40] =	vst v0  }
0x25: {  	[tilespmem:s0+$0x50] =	vst v0  }
0x26: {  	[tilespmem:s0+$0x60] =	vst v0;
	s0 =	sshra.s32 s16, $0x2;
	s16 =	sadd.s32 $0x200, s16  }
0x27: {  	[tilespmem:s0+$0x70] =	vst v0  }
0x28: {  	[tilespmem:s0+$0x0] =	vst v0  }
0x29: {  	[tilespmem:s0+$0x10] =	vst v0  }
0x2a: {  	[tilespmem:s0+$0x20] =	vst v0  }
0x2b: {  	[tilespmem:s0+$0x30] =	vst v0  }
0x2c: {  	[tilespmem:s0+$0x40] =	vst v0  }
0x2d: {  	[tilespmem:s0+$0x50] =	vst v0  }
0x2e: {  	[tilespmem:s0+$0x60] =	vst v0;
	s23 =	simm.s32 $0x0  }
0x2f: {  	[spmem:s11] =	stream.linear.scatter [tilespmem:s23], [sflag:$0x6], $0x4000, $0x38;
	[tilespmem:$0x1FE00] =	vst v63  }
0x30: {  	_ =	swait.ge [sflag:s30], $0x4000  }
0x31: {  	[sflag:s30] =	ssyncset.done $0x0  }
0x32: {  	[sflag:s30] =	ssyncadd.s32 $0xFFFFC000  }
0x33: {  	[spmem:s26] =	stream.linear.scatter [tilespmem:s23], [sflag:$0x6], $0x4000, $0x38;
	[tilespmem:$0x1FE00] =	vst v63  }
0x34: {  	_ =	swait.ge [sflag:s30], $0x4000  }
0x35: {  	[sflag:s30] =	ssyncset.done $0x0  }
0x36: {  	s16 =	rddreg [dreg:$0x3];
	[sflag:s30] =	ssyncadd.s32 $0xFFFFC000  }
0x37: {  	[spmem:s16] =	stream.linear.scatter [tilespmem:s23], [sflag:$0x6], $0x4000, $0x38;
	[tilespmem:$0x1FE00] =	vst v63  }
0x38: {  	_ =	swait.ge [sflag:s30], $0x4000  }
0x39: {  	[sflag:s30] =	ssyncset.done $0x0  }
0x3a: {  	[sflag:s30] =	ssyncadd.s32 $0xFFFFC000  }
0x3b: {  	[spmem:s14] =	stream.linear.scatter [tilespmem:s23], [sflag:$0x6], $0x4000, $0x38;
	[tilespmem:$0x1FE00] =	vst v63  }
0x3c: {  	_ =	swait.ge [sflag:s30], $0x4000  }
0x3d: {  	[sflag:s30] =	ssyncset.done $0x0  }
0x3e: {  	[sflag:s30] =	ssyncadd.s32 $0xFFFFC000  }
0x3f: {  	[spmem:s15] =	stream.linear.scatter [tilespmem:s23], [sflag:$0x6], $0x3C00, $0x38;
	[tilespmem:$0x1FE00] =	vst v63  }
0x40: {  	_ =	swait.ge [sflag:s30], $0x3C00  }
0x41: {  	[sflag:s30] =	ssyncset.done $0x0  }
0x42: {  	[sflag:s30] =	ssyncadd.s32 $0xFFFFC400  }
0x43: {  	[bflag:$0x0] =	sbarrier.arrive $0xFFFF  }
0x44: {  	s21 =	rddreg [dreg:$0x9]  }
0x45: {  	[tilespmem:s31], [sflag:$0x6] =	stream.linear.gather [hbm4b:s21+s23], $0x80, $0x38;
	[tilespmem:$0x1FE00] =	vst v63  }
0x46: {  	_ =	swait.ge [sflag:s30], $0x80  }
0x47: {  	s12 =	smov.u32 s11;
	s13 =	smov.u32 s26;
	[sflag:s30] =	ssyncset.done $0x0  }
0x48: {  	s11 =	simm.s32 $0xC100;
	s26 =	rddreg [dreg:$0xa];
	[sflag:s30] =	ssyncadd.s32 $0xFFFFFF80  }
0x49: {  	[tilespmem:s11], [sflag:$0x6] =	stream.linear.gather [hbm4b:s26+s23], $0x80, $0x38;
	[tilespmem:$0x1FE00] =	vst v63  }
0x4a: {  	_ =	swait.ge [sflag:s30], $0x80  }
0x4b: {  	[sflag:s30] =	ssyncset.done $0x0  }
0x4c: {  	s16 =	rddreg [dreg:$0xb];
	[sflag:s30] =	ssyncadd.s32 $0xFFFFFF80  }
0x4d: {  	[tilespmem:s23], [sflag:$0x6] =	stream.linear.gather [hbm4b:s16+s23], $0x4000, $0x38;
	[tilespmem:$0x1FE00] =	vst v63  }
0x4e: {  	_ =	swait.ge [sflag:s30], $0x4000  }
0x4f: {  	[sflag:s30] =	ssyncset.done $0x0  }
0x50: {  	s21 =	simm.s32 $0x2;
	[sflag:s30] =	ssyncadd.s32 $0xFFFFC000  }
0x51: {  	[tilespmem:s23], [sflag:$0x2] =	stream.indirect.gather.add.f32 [hbm:s4], $0x80, s31, s3, $0xb8;
	[tilespmem:$0x1FE00] =	vst v63  }
0x52: {  	_ =	swait.ge [sflag:s21], $0x4000  }
0x53: {  	[sflag:s21] =	ssyncset.done $0x0  }
0x54: {  	[sflag:s21] =	ssyncadd.s32 $0xFFFFC000  }
0x55: {  	[tilespmem:s23], [sflag:$0x3] =	stream.indirect.gather.add.f32 [hbm:s5], $0x80, s11, s3, $0xb8;
	[tilespmem:$0x1FE00] =	vst v63  }
0x56: {  	s26 =	simm.s32 $0x8000  }
0x57: {  	[tilespmem:s26], [sflag:$0x4] =	stream.indirect.gather [hbm4b:s6+s3], $0x80, s11, s3, $0xb8;
	[tilespmem:$0x1FE00] =	vst v63  }
.LBB2_4:
0x58: {  	s26 =	sshll.u32 s23, $0x1  }
0x59: {  	p1 =	slt.s32 s26, $0x1;
	p0 =	sgt.s32 s26, s25  }
0x5a: {  	s0 =	simm.s32 @!p1 $0x5;
	s16 =	sadd.s32 @!p0 s10, s26  }
0x5b: {  	_ =	swait.ge @!p1 [sflag:s0], $0x4000;
	s16 =	sshll.u32 @!p0 s16, $0x4  }
0x5c: {  	[sflag:s0] =	ssyncset.done @!p1 $0x0;
	s16 =	sand.u32 @!p0 $0x1FFFFFE0, s16  }
0x5d: {  	[sflag:s0] =	ssyncadd.s32 @!p1 $0xFFFFC000;
	s0 =	sor.u32 @!p0 $0x10, s16  }
0x5e: {  	s21 =	simm.s32 @!p0 $0x0;
	s11 =	simm.s32 @!p0 $0xC080;
	s16 =	sadd.s32 @!p0 s8, s0  }
0x5f: {  	[tilespmem:s11], [sflag:$0x6] =	stream.linear.gather @!p0 [hbm4b:s16+s21], $0x80, $0x38;
	[tilespmem:$0x1FE00] =	vst v63  }
0x60: {  	s11 =	simm.s32 @!p0 $0x6  }
0x61: {  	_ =	swait.ge @!p0 [sflag:s11], $0x80  }
0x62: {  	[sflag:s11] =	ssyncset.done @!p0 $0x0  }
0x63: {  	s0 =	sadd.s32 @!p0 s9, s0;
	s16 =	simm.s32 @!p0 $0xC180;
	[sflag:s11] =	ssyncadd.s32 @!p0 $0xFFFFFF80  }
0x64: {  	[tilespmem:s16], [sflag:$0x6] =	stream.linear.gather @!p0 [hbm4b:s0+s21], $0x80, $0x38;
	[tilespmem:$0x1FE00] =	vst v63  }
0x65: {  	s0 =	sadd.s32 @!p0 s26, s28  }
0x66: {  	_ =	swait.ge @!p0 [sflag:s11], $0x80;
	s0 =	sshll.u32 @!p0 s0, $0xB  }
0x67: {  	[sflag:s11] =	ssyncset.done @!p0 $0x0;
	s0 =	sand.u32 @!p0 $0x1FFFF800, s0  }
0x68: {  	[sflag:s11] =	ssyncadd.s32 @!p0 $0xFFFFFF80;
	s0 =	sadd.s32 @!p0 s7, s0;
	s11 =	simm.s32 @!p0 $0x4000  }
0x69: {  	[tilespmem:s11], [sflag:$0x1] =	stream.linear.gather @!p0 [hbm4b:s0+s21], $0x4000, $0x38;
	[tilespmem:$0x1FE00] =	vst v63  }
0x6a: {  	_ =	swait.ge [sflag:s17], $0x4000  }
0x6b: {  	[sflag:s17] =	ssyncset.done $0x0  }
0x6c: {  	[sflag:s17] =	ssyncadd.s32 $0xFFFFC000  }
0x6d: {  	_ =	swait.ge [sflag:s18], $0x4000  }
0x6e: {  	[sflag:s18] =	ssyncset.done $0x0  }
0x6f: {  	s0 =	simm.s32 $0x0;
	[sflag:s18] =	ssyncadd.s32 $0xFFFFC000  }
0x70: {  	v4 =	vld [tilespmem:s0+$0x0]  }
0x71: {  	v6 =	vld [tilespmem:s0+$0x10]  }
0x72: {  	v5 =	vld [tilespmem:s0+$0x20]  }
0x73: {  	v1 =	vld [tilespmem:s0+$0x30]  }
0x74: {  	v2 =	vld [tilespmem:s0+$0x40]  }
0x75: {  	v3 =	vld [tilespmem:s0+$0x50];
	v7 =	vsub.f32 $0.0e+00, v4  }
0x76: {  	s16 =	simm.s32 $0x200;
	v6 =	vsub.f32 $0.0e+00, v6;
	v4 =	vld [tilespmem:s0+$0x60]  }
.LBB2_5:
0x77: {  	p1 =	sne.s32 s16, $0xFE00;
	v7 =	vmul.f32 $1.442695020e+00, v7;
	v5 =	vsub.f32 $0.0e+00, v5;
	v8 =	vld [tilespmem:s0+$0x70]  }
0x78: {  	v6 =	vmul.f32 $1.442695020e+00, v6;
	v1 =	vsub.f32 $0.0e+00, v1  }
0x79: {  	v5 =	vmul.f32 $1.442695020e+00, v5;
	v2 =	vsub.f32 $0.0e+00, v2;
	(erf) = vpow2.f32 v7  }
0x7a: {  	v1 =	vmul.f32 $1.442695020e+00, v1;
	v3 =	vsub.f32 $0.0e+00, v3;
	(erf) = vpow2.f32 v6  }
0x7b: {  	v2 =	vmul.f32 $1.442695020e+00, v2;
	v4 =	vsub.f32 $0.0e+00, v4;
	(erf) = vpow2.f32 v5  }
0x7c: {  	v3 =	vmul.f32 $1.442695020e+00, v3;
	v5 =	vsub.f32 $0.0e+00, v8;
	(erf) = vpow2.f32 v1  }
0x7d: {  	v1 =	vmul.f32 $1.442695020e+00, v4;
	(erf) = vpow2.f32 v2  }
0x7e: {  	v2 =	vmul.f32 $1.442695020e+00, v5;
	(erf) = vpow2.f32 v3  }
0x7f: {  	(erf) = vpow2.f32 v1  }
0x80: {  	(erf) = vpow2.f32 v2;
	_ =	sdelay $0x1  }
0x81: {  	v1 =	vpop (erf)  }
0x82: {  	v4 =	vadd.f32 $1.000000000e+00, v1;
	v2 =	vpop (erf)  }
0x83: {  	v5 =	vadd.f32 $1.000000000e+00, v2;
	v3 =	vpop (erf)  }
0x84: {  	v6 =	vadd.f32 $1.000000000e+00, v3;
	(erf) = vrcp.f32 v4;
	v1 =	vpop (erf)  }
0x85: {  	v4 =	vadd.f32 $1.000000000e+00, v1;
	(erf) = vrcp.f32 v5;
	v2 =	vpop (erf)  }
0x86: {  	v5 =	vadd.f32 $1.000000000e+00, v2;
	(erf) = vrcp.f32 v6;
	v3 =	vpop (erf)  }
0x87: {  	v3 =	vadd.f32 $1.000000000e+00, v3;
	(erf) = vrcp.f32 v4;
	v1 =	vpop (erf)  }
0x88: {  	v1 =	vadd.f32 $1.000000000e+00, v1;
	(erf) = vrcp.f32 v5;
	v2 =	vpop (erf)  }
0x89: {  	v4 =	vld [tilespmem:s0+$0x8000];
	v2 =	vadd.f32 $1.000000000e+00, v2;
	(erf) = vrcp.f32 v3  }
0x8a: {  	v3 =	vld [tilespmem:s0+$0x8010];
	(erf) = vrcp.f32 v1  }
0x8b: {  	v1 =	vld [tilespmem:s0+$0x8020];
	(erf) = vrcp.f32 v2  }
0x8c: {  	v2 =	vld [tilespmem:s0+$0x8030]  }
0x8d: {  	v5 =	vld [tilespmem:s0+$0x8040];
	v6 =	vpop (erf)  }
0x8e: {  	v4 =	vmul.f32 v6, v4;
	v6 =	vld [tilespmem:s0+$0x8050];
	v7 =	vpop (erf)  }
0x8f: {  	v10 =	vmul.f32 v7, v3;
	v7 =	vld [tilespmem:s0+$0x8060];
	v8 =	vpop (erf)  }
0x90: {  	s11 =	sshra.s32 s16, $0x2;
	[tilespmem:s0+$0x0] =	vst v4;
	v11 =	vmul.f32 v8, v1;
	v4 =	vld [tilespmem:s0+$0x8070];
	v8 =	vpop (erf)  }
0x91: {  	v9 =	vld [tilespmem:s11+$0x0];
	[tilespmem:s0+$0x10] =	vst v10;
	v10 =	vmul.f32 v8, v2;
	v3 =	vpop (erf)  }
0x92: {  	v8 =	vld [tilespmem:s11+$0x10];
	[tilespmem:s0+$0x20] =	vst v11;
	v11 =	vmul.f32 v3, v5;
	v1 =	vpop (erf)  }
.Ltmp1:
0x93: {  	v5 =	vld [tilespmem:s11+$0x20];
	[tilespmem:s0+$0x30] =	vst v10;
	v6 =	vmul.f32 v1, v6;
	v2 =	vpop (erf);
	(pc) =	sbr.rel @p1 .LBB2_5-.Ltmp1, $4  }
0x94: {  	v1 =	vld [tilespmem:s11+$0x30];
	[tilespmem:s0+$0x40] =	vst v11;
	v10 =	vmul.f32 v2, v7;
	v3 =	vpop (erf)  }
0x95: {  	v2 =	vld [tilespmem:s11+$0x40];
	[tilespmem:s0+$0x50] =	vst v6;
	v11 =	vmul.f32 v3, v4  }
0x96: {  	v7 =	vsub.f32 $0.0e+00, v9;
	v3 =	vld [tilespmem:s11+$0x50];
	[tilespmem:s0+$0x60] =	vst v10  }
0x97: {  	s16 =	sadd.s32 $0x200, s16;
	v6 =	vsub.f32 $0.0e+00, v8;
	v4 =	vld [tilespmem:s11+$0x60];
	[tilespmem:s0+$0x70] =	vst v11;
	s0 =	smov.u32 s11  }
0x98: {  	v7 =	vmul.f32 $1.442695020e+00, v7  }
0x99: {  	v5 =	vsub.f32 $0.0e+00, v5;
	v8 =	vld [tilespmem:s0+$0x70];
	v6 =	vmul.f32 $1.442695020e+00, v6  }
0x9a: {  	v1 =	vsub.f32 $0.0e+00, v1;
	(erf) = vpow2.f32 v7  }
0x9b: {  	v5 =	vmul.f32 $1.442695020e+00, v5;
	(erf) = vpow2.f32 v6  }
0x9c: {  	v2 =	vsub.f32 $0.0e+00, v2;
	v1 =	vmul.f32 $1.442695020e+00, v1  }
0x9d: {  	v3 =	vsub.f32 $0.0e+00, v3;
	v4 =	vsub.f32 $0.0e+00, v4;
	(erf) = vpow2.f32 v5  }
0x9e: {  	v2 =	vmul.f32 $1.442695020e+00, v2;
	v5 =	vsub.f32 $0.0e+00, v8;
	(erf) = vpow2.f32 v1  }
0x9f: {  	v3 =	vmul.f32 $1.442695020e+00, v3;
	v1 =	vmul.f32 $1.442695020e+00, v4  }
0xa0: {  	(erf) = vpow2.f32 v2;
	v2 =	vmul.f32 $1.442695020e+00, v5;
	_ =	sdelay $0x1  }
0xa1: {  	(erf) = vpow2.f32 v3  }
0xa2: {  	(erf) = vpow2.f32 v1;
	v1 =	vpop (erf)  }
0xa3: {  	(erf) = vpow2.f32 v2;
	v2 =	vpop (erf)  }
0xa4: {  	v1 =	vadd.f32 $1.000000000e+00, v1;
	v2 =	vadd.f32 $1.000000000e+00, v2  }
0xa5: {  	v3 =	vpop (erf)  }
0xa6: {  	(erf) = vrcp.f32 v1;
	v1 =	vadd.f32 $1.000000000e+00, v3;
	v3 =	vpop (erf)  }
0xa7: {  	v3 =	vadd.f32 $1.000000000e+00, v3  }
0xa8: {  	(erf) = vrcp.f32 v2;
	v2 =	vpop (erf)  }
0xa9: {  	(erf) = vrcp.f32 v1;
	v2 =	vadd.f32 $1.000000000e+00, v2  }
0xaa: {  	v1 =	vpop (erf)  }
0xab: {  	(erf) = vrcp.f32 v3;
	v1 =	vadd.f32 $1.000000000e+00, v1;
	v3 =	vpop (erf)  }
0xac: {  	v4 =	vld [tilespmem:s0+$0x8000];
	v3 =	vadd.f32 $1.000000000e+00, v3;
	(erf) = vrcp.f32 v2  }
0xad: {  	(erf) = vrcp.f32 v1;
	v1 =	vld [tilespmem:s0+$0x8010];
	v2 =	vpop (erf)  }
0xae: {  	(erf) = vrcp.f32 v3;
	v3 =	vld [tilespmem:s0+$0x8020];
	v2 =	vadd.f32 $1.000000000e+00, v2;
	_ =	sdelay $0x1  }
0xaf: {  	v6 =	vpop (erf);
	(erf) = vrcp.f32 v2  }
0xb0: {  	v7 =	vpop (erf);
	v2 =	vld [tilespmem:s0+$0x8030]  }
0xb1: {  	v5 =	vld [tilespmem:s0+$0x8040];
	v1 =	vmul.f32 v7, v1;
	v7 =	vpop (erf)  }
0xb2: {  	v4 =	vmul.f32 v6, v4;
	v6 =	vld [tilespmem:s0+$0x8050];
	v3 =	vmul.f32 v7, v3  }
0xb3: {  	v8 =	vld [tilespmem:s0+$0x8060]  }
0xb4: {  	[tilespmem:s0+$0x0] =	vst v4;
	v4 =	vld [tilespmem:s0+$0x8070];
	v7 =	vpop (erf)  }
0xb5: {  	[tilespmem:s0+$0x10] =	vst v1;
	v1 =	vmul.f32 v7, v2;
	v2 =	vpop (erf)  }
0xb6: {  	[tilespmem:s0+$0x20] =	vst v3;
	v2 =	vmul.f32 v2, v5;
	v3 =	vpop (erf)  }
0xb7: {  	[tilespmem:s0+$0x30] =	vst v1;
	v1 =	vmul.f32 v3, v6;
	v3 =	vpop (erf)  }
0xb8: {  	[tilespmem:s0+$0x40] =	vst v2;
	v2 =	vmul.f32 v3, v8;
	v3 =	vpop (erf)  }
0xb9: {  	[tilespmem:s0+$0x50] =	vst v1;
	v1 =	vmul.f32 v3, v4  }
0xba: {  	[tilespmem:s0+$0x60] =	vst v2  }
0xbb: {  	[tilespmem:s0+$0x70] =	vst v1;
	s0 =	simm.s32 @!p0 $0x1  }
0xbc: {  	[spmem:s1] =	stream.indirect.scatter.add.f32 [tilespmem:s2], [sflag:$0x5], $0x80, s31, s3, $0xb8;
	[tilespmem:$0x1FE00] =	vst v63  }
0xbd: {  	_ =	swait.ge @!p0 [sflag:s0], $0x4000  }
0xbe: {  	s11 =	simm.s32 @!p0 $0xC080;
	[sflag:s0] =	ssyncset.done @!p0 $0x0  }
0xbf: {  	s16 =	simm.s32 @!p0 $0x4000;
	[sflag:s0] =	ssyncadd.s32 @!p0 $0xFFFFC000;
	s0 =	simm.s32 @!p0 $0x80  }
0xc0: {  	[tilespmem:s16], [sflag:$0x2] =	stream.indirect.gather.add.f32 @!p0 [hbm:s4], $0x80, s11, s0, $0xb8;
	[tilespmem:$0x1FE00] =	vst v63  }
0xc1: {  	s21 =	simm.s32 @!p0 $0x8000;
	s11 =	simm.s32 @!p0 $0xC180  }
0xc2: {  	[tilespmem:s21], [sflag:$0x4] =	stream.indirect.gather @!p0 [hbm4b:s6+s0], $0x80, s11, s0, $0xb8;
	[tilespmem:$0x1FE00] =	vst v63  }
0xc3: {  	s21 =	simm.s32 @!p0 $0x2  }
0xc4: {  	_ =	swait.ge @!p0 [sflag:s21], $0x4000  }
0xc5: {  	[sflag:s21] =	ssyncset.done @!p0 $0x0  }
0xc6: {  	[sflag:s21] =	ssyncadd.s32 @!p0 $0xFFFFC000  }
0xc7: {  	[tilespmem:s16], [sflag:$0x3] =	stream.indirect.gather.add.f32 @!p0 [hbm:s5], $0x80, s11, s0, $0xb8;
	[tilespmem:$0x1FE00] =	vst v63  }
0xc8: {  	p1 =	slt.s32 s26, $0x0;
	p0 =	sge.s32 s26, s25  }
0xc9: {  	s0 =	simm.s32 @!p1 $0x5;
	s11 =	sadd.s32 @!p0 s26, s28  }
0xca: {  	_ =	swait.ge @!p1 [sflag:s0], $0x4000;
	s11 =	sshll.u32 @!p0 s11, $0x7  }
0xcb: {  	[sflag:s0] =	ssyncset.done @!p1 $0x0;
	s11 =	sadd.s32 @!p0 $0x80, s11  }
0xcc: {  	[sflag:s0] =	ssyncadd.s32 @!p1 $0xFFFFC000;
	s0 =	sshrl.u32 @!p0 s11, $0x3  }
0xcd: {  	s16 =	simm.s32 @!p0 $0x0;
	s21 =	simm.s32 @!p0 $0xC000;
	s11 =	sadd.s32 @!p0 s8, s0  }
0xce: {  	[tilespmem:s21], [sflag:$0x6] =	stream.linear.gather @!p0 [hbm4b:s11+s16], $0x80, $0x38;
	[tilespmem:$0x1FE00] =	vst v63  }
0xcf: {  	s11 =	simm.s32 @!p0 $0x6  }
0xd0: {  	_ =	swait.ge @!p0 [sflag:s11], $0x80  }
0xd1: {  	[sflag:s11] =	ssyncset.done @!p0 $0x0  }
0xd2: {  	s0 =	sadd.s32 @!p0 s9, s0;
	s21 =	simm.s32 @!p0 $0xC100;
	[sflag:s11] =	ssyncadd.s32 @!p0 $0xFFFFFF80  }
0xd3: {  	[tilespmem:s21], [sflag:$0x6] =	stream.linear.gather @!p0 [hbm4b:s0+s16], $0x80, $0x38;
	[tilespmem:$0x1FE00] =	vst v63  }
0xd4: {  	s0 =	sadd.s32 @!p0 s26, s29  }
0xd5: {  	_ =	swait.ge @!p0 [sflag:s11], $0x80;
	s0 =	sshll.u32 @!p0 s0, $0xB  }
0xd6: {  	[sflag:s11] =	ssyncset.done @!p0 $0x0;
	s0 =	sand.u32 @!p0 $0x1FFFF800, s0  }
0xd7: {  	[sflag:s11] =	ssyncadd.s32 @!p0 $0xFFFFFF80;
	s0 =	sadd.s32 @!p0 s7, s0  }
0xd8: {  	[tilespmem:s16], [sflag:$0x1] =	stream.linear.gather @!p0 [hbm4b:s0+s16], $0x4000, $0x38;
	[tilespmem:$0x1FE00] =	vst v63  }
0xd9: {  	_ =	swait.ge [sflag:s17], $0x4000  }
0xda: {  	[sflag:s17] =	ssyncset.done $0x0  }
0xdb: {  	[sflag:s17] =	ssyncadd.s32 $0xFFFFC000  }
0xdc: {  	_ =	swait.ge [sflag:s18], $0x4000  }
0xdd: {  	[sflag:s18] =	ssyncset.done $0x0  }
0xde: {  	s0 =	simm.s32 $0x0;
	[sflag:s18] =	ssyncadd.s32 $0xFFFFC000  }
0xdf: {  	v4 =	vld [tilespmem:s0+$0x4000]  }
0xe0: {  	v6 =	vld [tilespmem:s0+$0x4010]  }
0xe1: {  	v5 =	vld [tilespmem:s0+$0x4020]  }
0xe2: {  	v1 =	vld [tilespmem:s0+$0x4030]  }
0xe3: {  	v2 =	vld [tilespmem:s0+$0x4040]  }
0xe4: {  	v3 =	vld [tilespmem:s0+$0x4050];
	v7 =	vsub.f32 $0.0e+00, v4  }
0xe5: {  	s16 =	simm.s32 $0x200;
	v6 =	vsub.f32 $0.0e+00, v6;
	v4 =	vld [tilespmem:s0+$0x4060]  }
.LBB2_7:
0xe6: {  	p1 =	sne.s32 s16, $0xFE00;
	v7 =	vmul.f32 $1.442695020e+00, v7;
	v5 =	vsub.f32 $0.0e+00, v5;
	v8 =	vld [tilespmem:s0+$0x4070]  }
0xe7: {  	v6 =	vmul.f32 $1.442695020e+00, v6;
	v1 =	vsub.f32 $0.0e+00, v1  }
0xe8: {  	v5 =	vmul.f32 $1.442695020e+00, v5;
	v2 =	vsub.f32 $0.0e+00, v2;
	(erf) = vpow2.f32 v7  }
0xe9: {  	v1 =	vmul.f32 $1.442695020e+00, v1;
	v3 =	vsub.f32 $0.0e+00, v3;
	(erf) = vpow2.f32 v6  }
0xea: {  	v2 =	vmul.f32 $1.442695020e+00, v2;
	v4 =	vsub.f32 $0.0e+00, v4;
	(erf) = vpow2.f32 v5  }
0xeb: {  	v3 =	vmul.f32 $1.442695020e+00, v3;
	v5 =	vsub.f32 $0.0e+00, v8;
	(erf) = vpow2.f32 v1  }
0xec: {  	v1 =	vmul.f32 $1.442695020e+00, v4;
	(erf) = vpow2.f32 v2  }
0xed: {  	v2 =	vmul.f32 $1.442695020e+00, v5;
	(erf) = vpow2.f32 v3  }
0xee: {  	(erf) = vpow2.f32 v1  }
0xef: {  	(erf) = vpow2.f32 v2;
	_ =	sdelay $0x1  }
0xf0: {  	v1 =	vpop (erf)  }
0xf1: {  	v4 =	vadd.f32 $1.000000000e+00, v1;
	v2 =	vpop (erf)  }
0xf2: {  	v5 =	vadd.f32 $1.000000000e+00, v2;
	v3 =	vpop (erf)  }
0xf3: {  	v6 =	vadd.f32 $1.000000000e+00, v3;
	(erf) = vrcp.f32 v4;
	v1 =	vpop (erf)  }
0xf4: {  	v4 =	vadd.f32 $1.000000000e+00, v1;
	(erf) = vrcp.f32 v5;
	v2 =	vpop (erf)  }
0xf5: {  	v5 =	vadd.f32 $1.000000000e+00, v2;
	(erf) = vrcp.f32 v6;
	v3 =	vpop (erf)  }
0xf6: {  	v3 =	vadd.f32 $1.000000000e+00, v3;
	(erf) = vrcp.f32 v4;
	v1 =	vpop (erf)  }
0xf7: {  	v1 =	vadd.f32 $1.000000000e+00, v1;
	(erf) = vrcp.f32 v5;
	v2 =	vpop (erf)  }
0xf8: {  	v4 =	vld [tilespmem:s0+$0x8000];
	v2 =	vadd.f32 $1.000000000e+00, v2;
	(erf) = vrcp.f32 v3  }
0xf9: {  	v3 =	vld [tilespmem:s0+$0x8010];
	(erf) = vrcp.f32 v1  }
0xfa: {  	v1 =	vld [tilespmem:s0+$0x8020];
	(erf) = vrcp.f32 v2  }
0xfb: {  	v2 =	vld [tilespmem:s0+$0x8030]  }
0xfc: {  	v5 =	vld [tilespmem:s0+$0x8040];
	v6 =	vpop (erf)  }
0xfd: {  	v4 =	vmul.f32 v6, v4;
	v6 =	vld [tilespmem:s0+$0x8050];
	v7 =	vpop (erf)  }
0xfe: {  	v10 =	vmul.f32 v7, v3;
	v7 =	vld [tilespmem:s0+$0x8060];
	v8 =	vpop (erf)  }
0xff: {  	s11 =	sshra.s32 s16, $0x2;
	[tilespmem:s0+$0x4000] =	vst v4;
	v11 =	vmul.f32 v8, v1;
	v4 =	vld [tilespmem:s0+$0x8070];
	v8 =	vpop (erf)  }
0x100: {  	v9 =	vld [tilespmem:s11+$0x4000];
	[tilespmem:s0+$0x4010] =	vst v10;
	v10 =	vmul.f32 v8, v2;
	v3 =	vpop (erf)  }
0x101: {  	v8 =	vld [tilespmem:s11+$0x4010];
	[tilespmem:s0+$0x4020] =	vst v11;
	v11 =	vmul.f32 v3, v5;
	v1 =	vpop (erf)  }
.Ltmp2:
0x102: {  	v5 =	vld [tilespmem:s11+$0x4020];
	[tilespmem:s0+$0x4030] =	vst v10;
	v6 =	vmul.f32 v1, v6;
	v2 =	vpop (erf);
	(pc) =	sbr.rel @p1 .LBB2_7-.Ltmp2, $4  }
0x103: {  	v1 =	vld [tilespmem:s11+$0x4030];
	[tilespmem:s0+$0x4040] =	vst v11;
	v10 =	vmul.f32 v2, v7;
	v3 =	vpop (erf)  }
0x104: {  	v2 =	vld [tilespmem:s11+$0x4040];
	[tilespmem:s0+$0x4050] =	vst v6;
	v11 =	vmul.f32 v3, v4  }
0x105: {  	v7 =	vsub.f32 $0.0e+00, v9;
	v3 =	vld [tilespmem:s11+$0x4050];
	[tilespmem:s0+$0x4060] =	vst v10  }
0x106: {  	s16 =	sadd.s32 $0x200, s16;
	v6 =	vsub.f32 $0.0e+00, v8;
	v4 =	vld [tilespmem:s11+$0x4060];
	[tilespmem:s0+$0x4070] =	vst v11;
	s0 =	smov.u32 s11  }
0x107: {  	v7 =	vmul.f32 $1.442695020e+00, v7  }
0x108: {  	v5 =	vsub.f32 $0.0e+00, v5;
	v8 =	vld [tilespmem:s0+$0x4070];
	v6 =	vmul.f32 $1.442695020e+00, v6  }
0x109: {  	v1 =	vsub.f32 $0.0e+00, v1;
	(erf) = vpow2.f32 v7  }
0x10a: {  	v5 =	vmul.f32 $1.442695020e+00, v5;
	(erf) = vpow2.f32 v6  }
0x10b: {  	v2 =	vsub.f32 $0.0e+00, v2;
	v1 =	vmul.f32 $1.442695020e+00, v1  }
0x10c: {  	v3 =	vsub.f32 $0.0e+00, v3;
	v4 =	vsub.f32 $0.0e+00, v4;
	(erf) = vpow2.f32 v5  }
0x10d: {  	v2 =	vmul.f32 $1.442695020e+00, v2;
	v54 =	vsub.f32 $0.0e+00, v8;
	(erf) = vpow2.f32 v1  }
0x10e: {  	v3 =	vmul.f32 $1.442695020e+00, v3;
	v1 =	vmul.f32 $1.442695020e+00, v4  }
0x10f: {  	(erf) = vpow2.f32 v2;
	v2 =	vmul.f32 $1.442695020e+00, v54;
	_ =	sdelay $0x1  }
0x110: {  	(erf) = vpow2.f32 v3  }
0x111: {  	(erf) = vpow2.f32 v1;
	v1 =	vpop (erf)  }
0x112: {  	(erf) = vpow2.f32 v2;
	v2 =	vpop (erf)  }
0x113: {  	v1 =	vadd.f32 $1.000000000e+00, v1;
	v2 =	vadd.f32 $1.000000000e+00, v2  }
0x114: {  	v3 =	vpop (erf)  }
0x115: {  	(erf) = vrcp.f32 v1;
	v1 =	vadd.f32 $1.000000000e+00, v3;
	v3 =	vpop (erf)  }
0x116: {  	v3 =	vadd.f32 $1.000000000e+00, v3  }
0x117: {  	(erf) = vrcp.f32 v2;
	v2 =	vpop (erf)  }
0x118: {  	(erf) = vrcp.f32 v1;
	v2 =	vadd.f32 $1.000000000e+00, v2  }
0x119: {  	v1 =	vpop (erf)  }
0x11a: {  	(erf) = vrcp.f32 v3;
	v1 =	vadd.f32 $1.000000000e+00, v1;
	v3 =	vpop (erf)  }
0x11b: {  	v3 =	vadd.f32 $1.000000000e+00, v3;
	(erf) = vrcp.f32 v2  }
0x11c: {  	v55 =	vld [tilespmem:s0+$0x8000];
	(erf) = vrcp.f32 v1;
	v2 =	vpop (erf)  }
0x11d: {  	(erf) = vrcp.f32 v3;
	v3 =	vld [tilespmem:s0+$0x8020];
	v2 =	vadd.f32 $1.000000000e+00, v2  }
0x11e: {  	v1 =	vld [tilespmem:s0+$0x8010]  }
0x11f: {  	v57 =	vpop (erf);
	(erf) = vrcp.f32 v2  }
0x120: {  	v59 =	vpop (erf);
	v2 =	vld [tilespmem:s0+$0x8030]  }
0x121: {  	v56 =	vld [tilespmem:s0+$0x8040];
	v61 =	vpop (erf)  }
0x122: {  	v58 =	vld [tilespmem:s0+$0x8050];
	v4 =	vmul.f32 v57, v55;
	v3 =	vmul.f32 v61, v3  }
0x123: {  	v60 =	vld [tilespmem:s0+$0x8060];
	v1 =	vmul.f32 v59, v1  }
0x124: {  	v62 =	vld [tilespmem:s0+$0x8070];
	[tilespmem:s0+$0x4000] =	vst v4;
	v63 =	vpop (erf)  }
0x125: {  	[tilespmem:s0+$0x4010] =	vst v1;
	v1 =	vmul.f32 v63, v2;
	v2 =	vpop (erf)  }
0x126: {  	[tilespmem:s0+$0x4020] =	vst v3;
	v2 =	vmul.f32 v2, v56;
	v3 =	vpop (erf)  }
0x127: {  	[tilespmem:s0+$0x4030] =	vst v1;
	v1 =	vmul.f32 v3, v58;
	v3 =	vpop (erf)  }
0x128: {  	[tilespmem:s0+$0x4040] =	vst v2;
	v2 =	vmul.f32 v3, v60;
	v3 =	vpop (erf)  }
0x129: {  	[tilespmem:s0+$0x4050] =	vst v1;
	v1 =	vmul.f32 v3, v62  }
0x12a: {  	[tilespmem:s0+$0x4060] =	vst v2  }
0x12b: {  	[tilespmem:s0+$0x4070] =	vst v1;
	s0 =	simm.s32 @!p0 $0x1  }
0x12c: {  	[spmem:s1] =	stream.indirect.scatter.add.f32 [tilespmem:s20], [sflag:$0x5], $0x80, s19, s3, $0xb8;
	[tilespmem:$0x1FE00] =	vst v63  }
0x12d: {  	_ =	swait.ge @!p0 [sflag:s0], $0x4000  }
0x12e: {  	s11 =	simm.s32 @!p0 $0xC000;
	[sflag:s0] =	ssyncset.done @!p0 $0x0  }
0x12f: {  	s16 =	simm.s32 @!p0 $0x0;
	[sflag:s0] =	ssyncadd.s32 @!p0 $0xFFFFC000;
	s0 =	simm.s32 @!p0 $0x80  }
0x130: {  	[tilespmem:s16], [sflag:$0x2] =	stream.indirect.gather.add.f32 @!p0 [hbm:s4], $0x80, s11, s0, $0xb8;
	[tilespmem:$0x1FE00] =	vst v63  }
0x131: {  	s21 =	simm.s32 @!p0 $0x8000;
	s11 =	simm.s32 @!p0 $0xC100  }
0x132: {  	[tilespmem:s21], [sflag:$0x4] =	stream.indirect.gather @!p0 [hbm4b:s6+s0], $0x80, s11, s0, $0xb8;
	[tilespmem:$0x1FE00] =	vst v63  }
0x133: {  	s21 =	simm.s32 @!p0 $0x2  }
0x134: {  	_ =	swait.ge @!p0 [sflag:s21], $0x4000  }
0x135: {  	[sflag:s21] =	ssyncset.done @!p0 $0x0  }
0x136: {  	s23 =	sadd.s32 $0x1, s23;
	[sflag:s21] =	ssyncadd.s32 @!p0 $0xFFFFC000  }
0x137: {  	[tilespmem:s16], [sflag:$0x3] =	stream.indirect.gather.add.f32 @!p0 [hbm:s5], $0x80, s11, s0, $0xb8;
	[tilespmem:$0x1FE00] =	vst v63  }
0x138: {  	p0 =	sne.s32 s23, s24  }
.Ltmp3:
0x139: {  	_ = 	snop;
	(pc) =	sbr.rel @p0 .LBB2_4-.Ltmp3, $1  }
0x13a: {  	_ =	sdelay $0x3  }
0x13b: {  	s0 =	simm.s32 $0x5  }
0x13c: {  	_ =	swait.ge [sflag:s0], $0x4000  }
0x13d: {  	[sflag:s0] =	ssyncset.done $0x0  }
0x13e: {  	[sflag:s0] =	ssyncadd.s32 $0xFFFFC000  }
0x13f: {  	[bflag:$0x0] =	sbarrier.arrive $0xFFFF  }
0x140: {  	[tilespmem:s2], [sflag:$0x6] =	stream.linear.gather [spmem:s12], $0x4000, $0x38;
	[tilespmem:$0x1FE00] =	vst v63  }
0x141: {  	_ =	swait.ge [sflag:s30], $0x4000  }
0x142: {  	[sflag:s30] =	ssyncset.done $0x0  }
0x143: {  	s21 =	rddreg [dreg:$0x4];
	[sflag:s30] =	ssyncadd.s32 $0xFFFFC000  }
0x144: {  	[hbm4b:s21+s2] =	stream.linear.scatter [tilespmem:s2], [sflag:$0x6], $0x4000, $0x38;
	[tilespmem:$0x1FE00] =	vst v63  }
0x145: {  	_ =	swait.ge [sflag:s30], $0x4000  }
0x146: {  	[sflag:s30] =	ssyncset.done $0x0  }
0x147: {  	[sflag:s30] =	ssyncadd.s32 $0xFFFFC000  }
0x148: {  	[tilespmem:s2], [sflag:$0x6] =	stream.linear.gather [spmem:s13], $0x4000, $0x38;
	[tilespmem:$0x1FE00] =	vst v63  }
0x149: {  	_ =	swait.ge [sflag:s30], $0x4000  }
0x14a: {  	[sflag:s30] =	ssyncset.done $0x0  }
0x14b: {  	s23 =	rddreg [dreg:$0x5];
	[sflag:s30] =	ssyncadd.s32 $0xFFFFC000  }
0x14c: {  	[hbm4b:s23+s2] =	stream.linear.scatter [tilespmem:s2], [sflag:$0x6], $0x4000, $0x38;
	[tilespmem:$0x1FE00] =	vst v63  }
0x14d: {  	_ =	swait.ge [sflag:s30], $0x4000  }
0x14e: {  	[sflag:s30] =	ssyncset.done $0x0  }
0x14f: {  	s11 =	smov.u32 s12;
	s12 =	rddreg [dreg:$0x3];
	[sflag:s30] =	ssyncadd.s32 $0xFFFFC000  }
0x150: {  	[tilespmem:s2], [sflag:$0x6] =	stream.linear.gather [spmem:s12], $0x4000, $0x38;
	[tilespmem:$0x1FE00] =	vst v63  }
0x151: {  	_ =	swait.ge [sflag:s30], $0x4000  }
0x152: {  	[sflag:s30] =	ssyncset.done $0x0  }
0x153: {  	s26 =	smov.u32 s13;
	s13 =	rddreg [dreg:$0x6];
	[sflag:s30] =	ssyncadd.s32 $0xFFFFC000  }
0x154: {  	[hbm4b:s13+s2] =	stream.linear.scatter [tilespmem:s2], [sflag:$0x6], $0x4000, $0x38;
	[tilespmem:$0x1FE00] =	vst v63  }
0x155: {  	_ =	swait.ge [sflag:s30], $0x4000  }
0x156: {  	[sflag:s30] =	ssyncset.done $0x0  }
0x157: {  	[sflag:s30] =	ssyncadd.s32 $0xFFFFC000  }
0x158: {  	[tilespmem:s2], [sflag:$0x6] =	stream.linear.gather [spmem:s14], $0x4000, $0x38;
	[tilespmem:$0x1FE00] =	vst v63  }
0x159: {  	_ =	swait.ge [sflag:s30], $0x4000  }
0x15a: {  	[sflag:s30] =	ssyncset.done $0x0  }
0x15b: {  	s16 =	rddreg [dreg:$0x7];
	[sflag:s30] =	ssyncadd.s32 $0xFFFFC000  }
0x15c: {  	[hbm4b:s16+s2] =	stream.linear.scatter [tilespmem:s2], [sflag:$0x6], $0x4000, $0x38;
	[tilespmem:$0x1FE00] =	vst v63  }
0x15d: {  	_ =	swait.ge [sflag:s30], $0x4000  }
0x15e: {  	[sflag:s30] =	ssyncset.done $0x0  }
0x15f: {  	[sflag:s30] =	ssyncadd.s32 $0xFFFFC000  }
0x160: {  	[tilespmem:s2], [sflag:$0x6] =	stream.linear.gather [spmem:s15], $0x3C00, $0x38;
	[tilespmem:$0x1FE00] =	vst v63  }
0x161: {  	_ =	swait.ge [sflag:s30], $0x3C00  }
0x162: {  	[sflag:s30] =	ssyncset.done $0x0  }
0x163: {  	s21 =	rddreg [dreg:$0x8];
	[sflag:s30] =	ssyncadd.s32 $0xFFFFC400  }
0x164: {  	[hbm4b:s21+s2] =	stream.linear.scatter [tilespmem:s2], [sflag:$0x6], $0x3C00, $0x38;
	[tilespmem:$0x1FE00] =	vst v63  }
0x165: {  	_ =	swait.ge [sflag:s30], $0x3C00  }
0x166: {  	s22 =	sadd.s32 $0x1, s22;
	s23 =	rddreg [dreg:$0xc]  }
0x167: {  	p0 =	sne.s32 s22, s23  }
.Ltmp4:
0x168: {  	_ = 	snop;
	(pc) =	sbr.rel @p0 .LBB2_1-.Ltmp4, $3  }
0x169: {  	_ =	sdelay $0x1  }
0x16a: {  	[sflag:s30] =	ssyncset.done $0x0  }
0x16b: {  	[sflag:s30] =	ssyncadd.s32 $0xFFFFC400  }
0x16c: {  	_ =	sfence.sel $0x180000  }
0x16d: {  	[bflag:$0x0] =	sbarrier.arrive $0xFFFF  }
0x16e: {  	_ =	strace $0x90000047  }
0x16f: {  	s0 =	stileid.u32;
	[bflag:$0x2] =	sbarrier.arrive $0xFFFF  }
0x170: {  	p0 =	sne.s32 s0, $0x0;
	s0 =	rddreg [dreg:$0x2]  }
0x171: {  	s0 =	sadd.s32 @!p0 $0x100000, s0  }
0x172: {  	[sflag:s0] =	ssyncadd.tile.s32 @!p0 $0x1;
	_ =	shalt  }
.Lfunc_end2:
_tile_overlayer_lowered:
.L_overlay_start_2:
0x173: {  	(tag) =	ssettag $0x2  }
0x174: {  	s0 =	rddreg [dreg:$0x0];
	s2 =	stileid.u32  }
0x175: {  	s1 =	rddreg [dreg:$0x1];
	p0 =	sne.s32 s2, $0x0  }
0x176: {  	s3 =	rddreg [dreg:$0x2];
	[bflag:$0x3] =	sbarrier.arrive $0xFFFF;
	s2 =	simm.s32 @!p0 $0x1C06  }
0x177: {  	[timem:s3], [sflag:s2] =	dma.local @!p0 [hbm:s0], s1  }
0x178: {  	s0 =	simm.s32 @!p0 $0x6  }
0x179: {  	_ =	swait.ge @!p0 [sflag:s0], s1  }
0x17a: {  	s1 =	ssub.s32 @!p0 $0x0, s1;
	[sflag:s0] =	ssyncset.done @!p0 $0x0  }
0x17b: {  	[sflag:s0] =	ssyncadd.s32 @!p0 s1  }
0x17c: {  	[bflag:$0x3] =	sbarrier.arrive $0xFFFF  }
0x17d: {  	_ =	shalt  }

</sc_bundles>
